<compile_context>
chip_gen: v7x
topology: tpu7x:2x2x1
jax: 0.10.2.dev20260603
libtpu: 0.0.44.dev20260713+nightly
codegen_flags: <defaults>
</compile_context>

<pallas_src>
import jax
import jax.numpy as jnp
from jax import lax
from jax.experimental import pallas as pl
from jax.experimental.pallas import tpu as pltpu
from jax.experimental.pallas import tpu_sc as plsc

MARGIN = 1.0
NUM_TRIPLETS = 16384
EMB_DIM = 128
LANES = 16
NC = 2
NS = 16
NW = NC * NS
T_PER_W = NUM_TRIPLETS // NW
CHUNK = 128
N_CHUNKS = T_PER_W // CHUNK
GROUPS = CHUNK // LANES
BSTRIDE = 3 * CHUNK


def _tec_body(emb_hbm, trip_hbm, out_hbm,
              idx_a, idx_p, idx_n, rows, tbuf, out_v, sem):
    wid = lax.axis_index("s") * NC + lax.axis_index("c")
    lane = lax.iota(jnp.int32, LANES)
    lane16 = lane * LANES

    pltpu.sync_copy(trip_hbm.at[0, wid], idx_a)
    pltpu.sync_copy(trip_hbm.at[1, wid], idx_p)
    pltpu.sync_copy(trip_hbm.at[2, wid], idx_n)

    def issue(c, bofs):
        for r, idx in enumerate((idx_a, idx_p, idx_n)):
            pltpu.async_copy(emb_hbm.at[idx.at[c]],
                             rows.at[pl.ds(bofs + r * CHUNK, CHUNK)], sem)

    def wait():
        for _ in range(3):
            pltpu.make_async_copy(emb_hbm.at[idx_a.at[0]],
                                  rows.at[pl.ds(0, CHUNK)], sem).wait()

    def chunk(c, tot):
        bofs = (c % 2) * BSTRIDE
        wait()

        @pl.when(c + 1 < N_CHUNKS)
        def _():
            issue(c + 1, ((c + 1) % 2) * BSTRIDE)

        def group(g, tot):
            t0 = bofs + g * LANES
            for tt in range(LANES):
                t = t0 + tt
                acc = jnp.zeros((LANES,), jnp.float32)
                for j in range(EMB_DIM // (2 * LANES)):
                    sl = pl.ds(j * 2 * LANES, 2 * LANES)
                    a = rows[t, sl]
                    p = rows[t + CHUNK, sl]
                    n = rows[t + 2 * CHUNK, sl]
                    prod = (n - p) * ((a + a) - p - n)
                    u, v = plsc.unpack(prod, format=plsc.PackFormat.INTERLEAVED)
                    acc = acc + (u + v)
                plsc.store_scatter(tbuf, [lane16 + tt], acc)
            vs = [tbuf[pl.ds(j * LANES, LANES)] for j in range(LANES)]
            while len(vs) > 1:
                vs = [a + b for a, b in zip(vs[::2], vs[1::2])]
            return tot + jnp.maximum(vs[0] + MARGIN, 0.0)

        return lax.fori_loop(0, GROUPS, group, tot)

    issue(0, 0)
    tot = lax.fori_loop(0, N_CHUNKS, chunk,
                        jnp.zeros((LANES,), jnp.float32))
    out_v[...] = tot
    pltpu.sync_copy(out_v, out_hbm.at[pl.ds(wid * LANES, LANES)])


@jax.jit
def _triplet_loss_sc(emb, trip):
    mesh = plsc.VectorSubcoreMesh(core_axis_name="c", subcore_axis_name="s")
    partials = pl.kernel(
        _tec_body,
        out_type=jax.ShapeDtypeStruct((NW * LANES,), jnp.float32),
        mesh=mesh,
        compiler_params=pltpu.CompilerParams(
            needs_layout_passes=False, use_tc_tiling_on_sc=False),
        scratch_types=[
            pltpu.VMEM((N_CHUNKS, CHUNK), jnp.int32),
            pltpu.VMEM((N_CHUNKS, CHUNK), jnp.int32),
            pltpu.VMEM((N_CHUNKS, CHUNK), jnp.int32),
            pltpu.VMEM((2 * BSTRIDE, EMB_DIM), jnp.bfloat16),
            pltpu.VMEM((LANES * LANES,), jnp.float32),
            pltpu.VMEM((LANES,), jnp.float32),
            pltpu.SemaphoreType.DMA,
        ],
    )(emb, trip)
    return jnp.sum(partials) / jnp.float32(NUM_TRIPLETS)


def kernel(embeddings, target, triplets):
    del target
    emb_bf = embeddings.astype(jnp.bfloat16)
    trip = triplets.astype(jnp.int32).T.reshape(3, NW, N_CHUNKS, CHUNK)
    mean = _triplet_loss_sc(emb_bf, trip)
    return (mean, jnp.asarray(NUM_TRIPLETS, dtype=jnp.int32))

# --- scband reference (transcript-rebuilt; emitter-appended) ---
"""Pipeline reference for scband-online-triplet-loss-28406913696036 (READ-ONLY COPY).

The authoritative reference and input builder live on the scoring server;
editing this copy changes nothing except your own understanding.
"""

import jax, jax.numpy as jnp
import numpy as np

MARGIN = 1.0

def setup_inputs(seed: int = 0) -> dict:
    key = jax.random.key(seed)
    k1, k2, k3 = jax.random.split(key, 3)
    embeddings = jax.random.normal(k1, (4096, 128), dtype=jnp.float32)
    target = jax.random.randint(k2, (4096,), 0, 1000, dtype=jnp.int64)
    triplets = jax.random.randint(k3, (16384, 3), 0, 4096, dtype=jnp.int64)
    return {"embeddings": embeddings, "target": target, "triplets": triplets}

def reference(embeddings, target, triplets):
    # triplet_selector.get_triplets is stochastic/data-dependent; we use
    # precomputed triplet indices (anchor, positive, negative) for determinism.
    anchors = jnp.take(embeddings, triplets[:, 0], axis=0)
    positives = jnp.take(embeddings, triplets[:, 1], axis=0)
    negatives = jnp.take(embeddings, triplets[:, 2], axis=0)
    ap_distances = jnp.sum((anchors - positives) ** 2, axis=1)
    an_distances = jnp.sum((anchors - negatives) ** 2, axis=1)
    losses = jax.nn.relu(ap_distances - an_distances + MARGIN)
    return (jnp.mean(losses), jnp.asarray(triplets.shape[0], dtype=jnp.int32))

if __name__ == "__main__":
    import jax
    _d = setup_inputs()
    print(jax.jit(kernel)(*tuple(_d.values())))

</pallas_src>

<mosaic_0001>
#map = affine_map<(d0, d1) -> (0, 0)>
#map1 = affine_map<(d0, d1) -> (0, 0, 0, 0)>
#map2 = affine_map<(d0, d1) -> (0)>
module attributes {stable_mosaic.version = 14 : i64} {
  func.func @_tec_body(%arg0: i32, %arg1: i32, %arg2: memref<4096x128xbf16, #tpu.memory_space<hbm>>, %arg3: memref<3x32x4x128xi32, #tpu.memory_space<hbm>>, %arg4: memref<512xf32, #tpu.memory_space<hbm>>, %arg5: memref<4x128xi32, #tpu.memory_space<vmem>>, %arg6: memref<4x128xi32, #tpu.memory_space<vmem>>, %arg7: memref<4x128xi32, #tpu.memory_space<vmem>>, %arg8: memref<768x128xbf16, #tpu.memory_space<vmem>>, %arg9: memref<256xf32, #tpu.memory_space<vmem>>, %arg10: memref<16xf32, #tpu.memory_space<vmem>>, %arg11: memref<!tpu.dma_semaphore, #tpu.memory_space<semaphore_mem>>) attributes {dimension_semantics = [#tpu.dimension_semantics<core_parallel>, #tpu.dimension_semantics<subcore_parallel>], iteration_bounds = array<i64: 2, 16>, scalar_prefetch = 0 : i64, scratch_operands = 7 : i64, tpu.core_type = #tpu.core_type<sc_vector_subcore>, window_params = [{transform_indices = #map}, {transform_indices = #map1}, {transform_indices = #map2}]} {
    %mul3A = arith.constant 2 : i32
    %mul3A_0 = arith.muli %arg1, %mul3A : i32
    %add3A = arith.addi %mul3A_0, %arg0 : i32
    %iota3A = tpu.iota {dimensions = array<i32: 0>} : vector<16xi32>
    %mul3A_1 = arith.constant 16 : i32
    %mul3A_2 = vector.broadcast %mul3A_1 : i32 to vector<16xi32>
    %mul3A_3 = arith.muli %iota3A, %mul3A_2 : vector<16xi32>
    %run_scoped3A = arith.constant 0 : i32
    "tpu.region"() ({
      %run_scoped3A_44 = tpu.sem_alloc : memref<!tpu.dma_semaphore, #tpu.memory_space<semaphore_mem>>
      %dma_start3A_45 = arith.constant 0 : i32
      %dma_start3A_46 = arith.constant 0 : i32
      %dma_start3A_47 = tpu.memref_slice %arg3[%run_scoped3A, %add3A, %dma_start3A_45, %dma_start3A_46] : memref<3x32x4x128xi32, #tpu.memory_space<hbm>> -> memref<1x1x4x128xi32, #tpu.memory_space<hbm>>
      %dma_start3A_48 = tpu.memref_squeeze %dma_start3A_47 : memref<1x1x4x128xi32, #tpu.memory_space<hbm>> -> memref<4x128xi32, #tpu.memory_space<hbm>>
      %dma_start3A_49 = arith.constant 0 : i32
      %dma_start3A_50 = arith.constant 0 : i32
      %dma_start3A_51 = tpu.memref_slice %arg3[%run_scoped3A, %add3A, %dma_start3A_49, %dma_start3A_50] : memref<3x32x4x128xi32, #tpu.memory_space<hbm>> -> memref<1x1x4x128xi32, #tpu.memory_space<hbm>>
      %dma_start3A_52 = tpu.memref_squeeze %dma_start3A_51 : memref<1x1x4x128xi32, #tpu.memory_space<hbm>> -> memref<4x128xi32, #tpu.memory_space<hbm>>
      tpu.enqueue_dma source(%dma_start3A_52 : memref<4x128xi32, #tpu.memory_space<hbm>>) target(%arg5 : memref<4x128xi32, #tpu.memory_space<vmem>>) target_semaphore(%run_scoped3A_44 : memref<!tpu.dma_semaphore, #tpu.memory_space<semaphore_mem>>)
      %dma_wait3A = arith.constant 0 : i32
      %dma_wait3A_53 = arith.constant 0 : i32
      %dma_wait3A_54 = tpu.memref_slice %arg3[%run_scoped3A, %add3A, %dma_wait3A, %dma_wait3A_53] : memref<3x32x4x128xi32, #tpu.memory_space<hbm>> -> memref<1x1x4x128xi32, #tpu.memory_space<hbm>>
      %dma_wait3A_55 = tpu.memref_squeeze %dma_wait3A_54 : memref<1x1x4x128xi32, #tpu.memory_space<hbm>> -> memref<4x128xi32, #tpu.memory_space<hbm>>
      %dma_wait3A_56 = arith.constant 0 : i32
      %dma_wait3A_57 = arith.constant 0 : i32
      %dma_wait3A_58 = tpu.memref_slice %arg3[%run_scoped3A, %add3A, %dma_wait3A_56, %dma_wait3A_57] : memref<3x32x4x128xi32, #tpu.memory_space<hbm>> -> memref<1x1x4x128xi32, #tpu.memory_space<hbm>>
      %dma_wait3A_59 = tpu.memref_squeeze %dma_wait3A_58 : memref<1x1x4x128xi32, #tpu.memory_space<hbm>> -> memref<4x128xi32, #tpu.memory_space<hbm>>
      tpu.wait_dma2 semaphore(%run_scoped3A_44 : memref<!tpu.dma_semaphore, #tpu.memory_space<semaphore_mem>>) src(%dma_wait3A_59 : memref<4x128xi32, #tpu.memory_space<hbm>>) dst(%arg5 : memref<4x128xi32, #tpu.memory_space<vmem>>)
      tpu.yield
    }) : () -> ()
    %run_scoped3A_4 = arith.constant 1 : i32
    "tpu.region"() ({
      %run_scoped3A_44 = tpu.sem_alloc : memref<!tpu.dma_semaphore, #tpu.memory_space<semaphore_mem>>
      %dma_start3A_45 = arith.constant 0 : i32
      %dma_start3A_46 = arith.constant 0 : i32
      %dma_start3A_47 = tpu.memref_slice %arg3[%run_scoped3A_4, %add3A, %dma_start3A_45, %dma_start3A_46] : memref<3x32x4x128xi32, #tpu.memory_space<hbm>> -> memref<1x1x4x128xi32, #tpu.memory_space<hbm>>
      %dma_start3A_48 = tpu.memref_squeeze %dma_start3A_47 : memref<1x1x4x128xi32, #tpu.memory_space<hbm>> -> memref<4x128xi32, #tpu.memory_space<hbm>>
      %dma_start3A_49 = arith.constant 0 : i32
      %dma_start3A_50 = arith.constant 0 : i32
      %dma_start3A_51 = tpu.memref_slice %arg3[%run_scoped3A_4, %add3A, %dma_start3A_49, %dma_start3A_50] : memref<3x32x4x128xi32, #tpu.memory_space<hbm>> -> memref<1x1x4x128xi32, #tpu.memory_space<hbm>>
      %dma_start3A_52 = tpu.memref_squeeze %dma_start3A_51 : memref<1x1x4x128xi32, #tpu.memory_space<hbm>> -> memref<4x128xi32, #tpu.memory_space<hbm>>
      tpu.enqueue_dma source(%dma_start3A_52 : memref<4x128xi32, #tpu.memory_space<hbm>>) target(%arg6 : memref<4x128xi32, #tpu.memory_space<vmem>>) target_semaphore(%run_scoped3A_44 : memref<!tpu.dma_semaphore, #tpu.memory_space<semaphore_mem>>)
      %dma_wait3A = arith.constant 0 : i32
      %dma_wait3A_53 = arith.constant 0 : i32
      %dma_wait3A_54 = tpu.memref_slice %arg3[%run_scoped3A_4, %add3A, %dma_wait3A, %dma_wait3A_53] : memref<3x32x4x128xi32, #tpu.memory_space<hbm>> -> memref<1x1x4x128xi32, #tpu.memory_space<hbm>>
      %dma_wait3A_55 = tpu.memref_squeeze %dma_wait3A_54 : memref<1x1x4x128xi32, #tpu.memory_space<hbm>> -> memref<4x128xi32, #tpu.memory_space<hbm>>
      %dma_wait3A_56 = arith.constant 0 : i32
      %dma_wait3A_57 = arith.constant 0 : i32
      %dma_wait3A_58 = tpu.memref_slice %arg3[%run_scoped3A_4, %add3A, %dma_wait3A_56, %dma_wait3A_57] : memref<3x32x4x128xi32, #tpu.memory_space<hbm>> -> memref<1x1x4x128xi32, #tpu.memory_space<hbm>>
      %dma_wait3A_59 = tpu.memref_squeeze %dma_wait3A_58 : memref<1x1x4x128xi32, #tpu.memory_space<hbm>> -> memref<4x128xi32, #tpu.memory_space<hbm>>
      tpu.wait_dma2 semaphore(%run_scoped3A_44 : memref<!tpu.dma_semaphore, #tpu.memory_space<semaphore_mem>>) src(%dma_wait3A_59 : memref<4x128xi32, #tpu.memory_space<hbm>>) dst(%arg6 : memref<4x128xi32, #tpu.memory_space<vmem>>)
      tpu.yield
    }) : () -> ()
    %run_scoped3A_5 = arith.constant 2 : i32
    "tpu.region"() ({
      %run_scoped3A_44 = tpu.sem_alloc : memref<!tpu.dma_semaphore, #tpu.memory_space<semaphore_mem>>
      %dma_start3A_45 = arith.constant 0 : i32
      %dma_start3A_46 = arith.constant 0 : i32
      %dma_start3A_47 = tpu.memref_slice %arg3[%run_scoped3A_5, %add3A, %dma_start3A_45, %dma_start3A_46] : memref<3x32x4x128xi32, #tpu.memory_space<hbm>> -> memref<1x1x4x128xi32, #tpu.memory_space<hbm>>
      %dma_start3A_48 = tpu.memref_squeeze %dma_start3A_47 : memref<1x1x4x128xi32, #tpu.memory_space<hbm>> -> memref<4x128xi32, #tpu.memory_space<hbm>>
      %dma_start3A_49 = arith.constant 0 : i32
      %dma_start3A_50 = arith.constant 0 : i32
      %dma_start3A_51 = tpu.memref_slice %arg3[%run_scoped3A_5, %add3A, %dma_start3A_49, %dma_start3A_50] : memref<3x32x4x128xi32, #tpu.memory_space<hbm>> -> memref<1x1x4x128xi32, #tpu.memory_space<hbm>>
      %dma_start3A_52 = tpu.memref_squeeze %dma_start3A_51 : memref<1x1x4x128xi32, #tpu.memory_space<hbm>> -> memref<4x128xi32, #tpu.memory_space<hbm>>
      tpu.enqueue_dma source(%dma_start3A_52 : memref<4x128xi32, #tpu.memory_space<hbm>>) target(%arg7 : memref<4x128xi32, #tpu.memory_space<vmem>>) target_semaphore(%run_scoped3A_44 : memref<!tpu.dma_semaphore, #tpu.memory_space<semaphore_mem>>)
      %dma_wait3A = arith.constant 0 : i32
      %dma_wait3A_53 = arith.constant 0 : i32
      %dma_wait3A_54 = tpu.memref_slice %arg3[%run_scoped3A_5, %add3A, %dma_wait3A, %dma_wait3A_53] : memref<3x32x4x128xi32, #tpu.memory_space<hbm>> -> memref<1x1x4x128xi32, #tpu.memory_space<hbm>>
      %dma_wait3A_55 = tpu.memref_squeeze %dma_wait3A_54 : memref<1x1x4x128xi32, #tpu.memory_space<hbm>> -> memref<4x128xi32, #tpu.memory_space<hbm>>
      %dma_wait3A_56 = arith.constant 0 : i32
      %dma_wait3A_57 = arith.constant 0 : i32
      %dma_wait3A_58 = tpu.memref_slice %arg3[%run_scoped3A_5, %add3A, %dma_wait3A_56, %dma_wait3A_57] : memref<3x32x4x128xi32, #tpu.memory_space<hbm>> -> memref<1x1x4x128xi32, #tpu.memory_space<hbm>>
      %dma_wait3A_59 = tpu.memref_squeeze %dma_wait3A_58 : memref<1x1x4x128xi32, #tpu.memory_space<hbm>> -> memref<4x128xi32, #tpu.memory_space<hbm>>
      tpu.wait_dma2 semaphore(%run_scoped3A_44 : memref<!tpu.dma_semaphore, #tpu.memory_space<semaphore_mem>>) src(%dma_wait3A_59 : memref<4x128xi32, #tpu.memory_space<hbm>>) dst(%arg7 : memref<4x128xi32, #tpu.memory_space<vmem>>)
      tpu.yield
    }) : () -> ()
    %dma_start3A = arith.constant 0 : i32
    %dma_start3A_6 = arith.constant 0 : i32
    %dma_start3A_7 = arith.constant 0 : i32
    %dma_start3A_8 = tpu.memref_slice %arg8[%dma_start3A_6, %dma_start3A_7] : memref<768x128xbf16, #tpu.memory_space<vmem>> -> memref<128x128xbf16, #tpu.memory_space<vmem>>
    %dma_start3A_9 = arith.constant 0 : i32
    %dma_start3A_10 = tpu.memref_slice %arg5[%dma_start3A, %dma_start3A_9] : memref<4x128xi32, #tpu.memory_space<vmem>> -> memref<1x128xi32, #tpu.memory_space<vmem>>
    %dma_start3A_11 = tpu.memref_squeeze %dma_start3A_10 : memref<1x128xi32, #tpu.memory_space<vmem>> -> memref<128xi32, #tpu.memory_space<vmem>>
    %dma_start3A_12 = arith.constant 0 : i32
    %dma_start3A_13 = arith.constant 0 : i32
    %dma_start3A_14 = tpu.memref_slice %arg2[%dma_start3A_12, %dma_start3A_13] : memref<4096x128xbf16, #tpu.memory_space<hbm>> -> memref<4096x128xbf16, #tpu.memory_space<hbm>>
    tpu.enqueue_indirect_dma source(%dma_start3A_14 : memref<4096x128xbf16, #tpu.memory_space<hbm>>) target(%dma_start3A_8 : memref<128x128xbf16, #tpu.memory_space<vmem>>) offsets(%dma_start3A_11 : memref<128xi32, #tpu.memory_space<vmem>>) semaphore(%arg11 : memref<!tpu.dma_semaphore, #tpu.memory_space<semaphore_mem>>)
    %dma_start3A_15 = arith.constant 0 : i32
    %dma_start3A_16 = arith.constant 128 : i32
    %dma_start3A_17 = arith.constant 0 : i32
    %dma_start3A_18 = tpu.memref_slice %arg8[%dma_start3A_16, %dma_start3A_17] : memref<768x128xbf16, #tpu.memory_space<vmem>> -> memref<128x128xbf16, #tpu.memory_space<vmem>>
    %dma_start3A_19 = arith.constant 0 : i32
    %dma_start3A_20 = tpu.memref_slice %arg6[%dma_start3A_15, %dma_start3A_19] : memref<4x128xi32, #tpu.memory_space<vmem>> -> memref<1x128xi32, #tpu.memory_space<vmem>>
    %dma_start3A_21 = tpu.memref_squeeze %dma_start3A_20 : memref<1x128xi32, #tpu.memory_space<vmem>> -> memref<128xi32, #tpu.memory_space<vmem>>
    %dma_start3A_22 = arith.constant 0 : i32
    %dma_start3A_23 = arith.constant 0 : i32
    %dma_start3A_24 = tpu.memref_slice %arg2[%dma_start3A_22, %dma_start3A_23] : memref<4096x128xbf16, #tpu.memory_space<hbm>> -> memref<4096x128xbf16, #tpu.memory_space<hbm>>
    tpu.enqueue_indirect_dma source(%dma_start3A_24 : memref<4096x128xbf16, #tpu.memory_space<hbm>>) target(%dma_start3A_18 : memref<128x128xbf16, #tpu.memory_space<vmem>>) offsets(%dma_start3A_21 : memref<128xi32, #tpu.memory_space<vmem>>) semaphore(%arg11 : memref<!tpu.dma_semaphore, #tpu.memory_space<semaphore_mem>>)
    %dma_start3A_25 = arith.constant 0 : i32
    %dma_start3A_26 = arith.constant 256 : i32
    %dma_start3A_27 = arith.constant 0 : i32
    %dma_start3A_28 = tpu.memref_slice %arg8[%dma_start3A_26, %dma_start3A_27] : memref<768x128xbf16, #tpu.memory_space<vmem>> -> memref<128x128xbf16, #tpu.memory_space<vmem>>
    %dma_start3A_29 = arith.constant 0 : i32
    %dma_start3A_30 = tpu.memref_slice %arg7[%dma_start3A_25, %dma_start3A_29] : memref<4x128xi32, #tpu.memory_space<vmem>> -> memref<1x128xi32, #tpu.memory_space<vmem>>
    %dma_start3A_31 = tpu.memref_squeeze %dma_start3A_30 : memref<1x128xi32, #tpu.memory_space<vmem>> -> memref<128xi32, #tpu.memory_space<vmem>>
    %dma_start3A_32 = arith.constant 0 : i32
    %dma_start3A_33 = arith.constant 0 : i32
    %dma_start3A_34 = tpu.memref_slice %arg2[%dma_start3A_32, %dma_start3A_33] : memref<4096x128xbf16, #tpu.memory_space<hbm>> -> memref<4096x128xbf16, #tpu.memory_space<hbm>>
    tpu.enqueue_indirect_dma source(%dma_start3A_34 : memref<4096x128xbf16, #tpu.memory_space<hbm>>) target(%dma_start3A_28 : memref<128x128xbf16, #tpu.memory_space<vmem>>) offsets(%dma_start3A_31 : memref<128xi32, #tpu.memory_space<vmem>>) semaphore(%arg11 : memref<!tpu.dma_semaphore, #tpu.memory_space<semaphore_mem>>)
    %broadcast_in_dim3A = arith.constant 0.000000e+00 : f32
    %broadcast_in_dim3A_35 = vector.broadcast %broadcast_in_dim3A : f32 to vector<16xf32>
    %scan3A = arith.constant 0 : i32
    %scan3A_36 = arith.constant 4 : i32
    %scan3A_37 = arith.addi %scan3A, %scan3A_36 : i32
    %scan3A_38 = arith.constant 1 : i32
    %scan3A_39 = scf.for %scan3A_44 = %scan3A to %scan3A_37 step %scan3A_38 iter_args(%scan3A_45 = %broadcast_in_dim3A_35) -> (vector<16xf32>)  : i32 {
      %jit3A = arith.constant 2 : i32
      %eq3A = arith.constant 0 : i32
      %eq3A_46 = arith.cmpi eq, %jit3A, %eq3A : i32
      %jit3A_47 = arith.constant 1 : i32
      %select_n3A = arith.select %eq3A_46, %jit3A_47, %jit3A : i32
      %rem3A = arith.remsi %scan3A_44, %select_n3A : i32
      %ne3A = arith.constant 0 : i32
      %ne3A_48 = arith.cmpi ne, %rem3A, %ne3A : i32
      %lt3A = arith.constant 0 : i32
      %lt3A_49 = arith.cmpi slt, %rem3A, %lt3A : i32
      %lt3A_50 = arith.constant 0 : i32
      %lt3A_51 = arith.cmpi slt, %select_n3A, %lt3A_50 : i32
      %ne3A_52 = arith.xori %lt3A_49, %lt3A_51 : i1
      %and3A = arith.andi %ne3A_52, %ne3A_48 : i1
      %add3A_53 = arith.addi %rem3A, %select_n3A : i32
      %select_n3A_54 = arith.select %and3A, %add3A_53, %rem3A : i32
      %mul3A_55 = arith.constant 384 : i32
      %mul3A_56 = arith.muli %select_n3A_54, %mul3A_55 : i32
      %dma_wait3A = arith.constant 0 : i32
      %dma_wait3A_57 = arith.constant 0 : i32
      %dma_wait3A_58 = arith.constant 0 : i32
      %dma_wait3A_59 = tpu.memref_slice %arg8[%dma_wait3A_57, %dma_wait3A_58] : memref<768x128xbf16, #tpu.memory_space<vmem>> -> memref<128x128xbf16, #tpu.memory_space<vmem>>
      %dma_wait3A_60 = arith.constant 0 : i32
      %dma_wait3A_61 = tpu.memref_slice %arg5[%dma_wait3A, %dma_wait3A_60] : memref<4x128xi32, #tpu.memory_space<vmem>> -> memref<1x128xi32, #tpu.memory_space<vmem>>
      %dma_wait3A_62 = tpu.memref_squeeze %dma_wait3A_61 : memref<1x128xi32, #tpu.memory_space<vmem>> -> memref<128xi32, #tpu.memory_space<vmem>>
      %dma_wait3A_63 = arith.constant 0 : i32
      %dma_wait3A_64 = arith.constant 0 : i32
      %dma_wait3A_65 = tpu.memref_slice %arg2[%dma_wait3A_63, %dma_wait3A_64] : memref<4096x128xbf16, #tpu.memory_space<hbm>> -> memref<4096x128xbf16, #tpu.memory_space<hbm>>
      tpu.wait_indirect_dma semaphore(%arg11 : memref<!tpu.dma_semaphore, #tpu.memory_space<semaphore_mem>>) src(%dma_wait3A_65 : memref<4096x128xbf16, #tpu.memory_space<hbm>>) dst(%dma_wait3A_59 : memref<128x128xbf16, #tpu.memory_space<vmem>>)
      %dma_wait3A_66 = arith.constant 0 : i32
      %dma_wait3A_67 = arith.constant 0 : i32
      %dma_wait3A_68 = arith.constant 0 : i32
      %dma_wait3A_69 = tpu.memref_slice %arg8[%dma_wait3A_67, %dma_wait3A_68] : memref<768x128xbf16, #tpu.memory_space<vmem>> -> memref<128x128xbf16, #tpu.memory_space<vmem>>
      %dma_wait3A_70 = arith.constant 0 : i32
      %dma_wait3A_71 = tpu.memref_slice %arg5[%dma_wait3A_66, %dma_wait3A_70] : memref<4x128xi32, #tpu.memory_space<vmem>> -> memref<1x128xi32, #tpu.memory_space<vmem>>
      %dma_wait3A_72 = tpu.memref_squeeze %dma_wait3A_71 : memref<1x128xi32, #tpu.memory_space<vmem>> -> memref<128xi32, #tpu.memory_space<vmem>>
      %dma_wait3A_73 = arith.constant 0 : i32
      %dma_wait3A_74 = arith.constant 0 : i32
      %dma_wait3A_75 = tpu.memref_slice %arg2[%dma_wait3A_73, %dma_wait3A_74] : memref<4096x128xbf16, #tpu.memory_space<hbm>> -> memref<4096x128xbf16, #tpu.memory_space<hbm>>
      tpu.wait_indirect_dma semaphore(%arg11 : memref<!tpu.dma_semaphore, #tpu.memory_space<semaphore_mem>>) src(%dma_wait3A_75 : memref<4096x128xbf16, #tpu.memory_space<hbm>>) dst(%dma_wait3A_69 : memref<128x128xbf16, #tpu.memory_space<vmem>>)
      %dma_wait3A_76 = arith.constant 0 : i32
      %dma_wait3A_77 = arith.constant 0 : i32
      %dma_wait3A_78 = arith.constant 0 : i32
      %dma_wait3A_79 = tpu.memref_slice %arg8[%dma_wait3A_77, %dma_wait3A_78] : memref<768x128xbf16, #tpu.memory_space<vmem>> -> memref<128x128xbf16, #tpu.memory_space<vmem>>
      %dma_wait3A_80 = arith.constant 0 : i32
      %dma_wait3A_81 = tpu.memref_slice %arg5[%dma_wait3A_76, %dma_wait3A_80] : memref<4x128xi32, #tpu.memory_space<vmem>> -> memref<1x128xi32, #tpu.memory_space<vmem>>
      %dma_wait3A_82 = tpu.memref_squeeze %dma_wait3A_81 : memref<1x128xi32, #tpu.memory_space<vmem>> -> memref<128xi32, #tpu.memory_space<vmem>>
      %dma_wait3A_83 = arith.constant 0 : i32
      %dma_wait3A_84 = arith.constant 0 : i32
      %dma_wait3A_85 = tpu.memref_slice %arg2[%dma_wait3A_83, %dma_wait3A_84] : memref<4096x128xbf16, #tpu.memory_space<hbm>> -> memref<4096x128xbf16, #tpu.memory_space<hbm>>
      tpu.wait_indirect_dma semaphore(%arg11 : memref<!tpu.dma_semaphore, #tpu.memory_space<semaphore_mem>>) src(%dma_wait3A_85 : memref<4096x128xbf16, #tpu.memory_space<hbm>>) dst(%dma_wait3A_79 : memref<128x128xbf16, #tpu.memory_space<vmem>>)
      %add3A_86 = arith.constant 1 : i32
      %add3A_87 = arith.addi %scan3A_44, %add3A_86 : i32
      %lt3A_88 = arith.constant 4 : i32
      %lt3A_89 = arith.cmpi slt, %add3A_87, %lt3A_88 : i32
      %convert_element_type3A = arith.extui %lt3A_89 : i1 to i32
      %cond3A = arith.constant 0 : i32
      %cond3A_90 = arith.cmpi ne, %convert_element_type3A, %cond3A : i32
      scf.if %cond3A_90 {
        %add3A_97 = arith.constant 1 : i32
        %add3A_98 = arith.addi %scan3A_44, %add3A_97 : i32
        %add3A_99 = arith.constant 1 : i32
        %add3A_100 = arith.addi %scan3A_44, %add3A_99 : i32
        %jit3A_101 = arith.constant 2 : i32
        %eq3A_102 = arith.constant 0 : i32
        %eq3A_103 = arith.cmpi eq, %jit3A_101, %eq3A_102 : i32
        %jit3A_104 = arith.constant 1 : i32
        %select_n3A_105 = arith.select %eq3A_103, %jit3A_104, %jit3A_101 : i32
        %rem3A_106 = arith.remsi %add3A_100, %select_n3A_105 : i32
        %ne3A_107 = arith.constant 0 : i32
        %ne3A_108 = arith.cmpi ne, %rem3A_106, %ne3A_107 : i32
        %lt3A_109 = arith.constant 0 : i32
        %lt3A_110 = arith.cmpi slt, %rem3A_106, %lt3A_109 : i32
        %lt3A_111 = arith.constant 0 : i32
        %lt3A_112 = arith.cmpi slt, %select_n3A_105, %lt3A_111 : i32
        %ne3A_113 = arith.xori %lt3A_110, %lt3A_112 : i1
        %and3A_114 = arith.andi %ne3A_113, %ne3A_108 : i1
        %add3A_115 = arith.addi %rem3A_106, %select_n3A_105 : i32
        %select_n3A_116 = arith.select %and3A_114, %add3A_115, %rem3A_106 : i32
        %mul3A_117 = arith.constant 384 : i32
        %mul3A_118 = arith.muli %select_n3A_116, %mul3A_117 : i32
        %add3A_119 = arith.constant 0 : i32
        %add3A_120 = arith.addi %mul3A_118, %add3A_119 : i32
        %dma_start3A_121 = arith.constant 0 : i32
        %dma_start3A_122 = tpu.memref_slice %arg8[%add3A_120, %dma_start3A_121] : memref<768x128xbf16, #tpu.memory_space<vmem>> -> memref<128x128xbf16, #tpu.memory_space<vmem>>
        %dma_start3A_123 = arith.constant 0 : i32
        %dma_start3A_124 = tpu.memref_slice %arg5[%add3A_98, %dma_start3A_123] : memref<4x128xi32, #tpu.memory_space<vmem>> -> memref<1x128xi32, #tpu.memory_space<vmem>>
        %dma_start3A_125 = tpu.memref_squeeze %dma_start3A_124 : memref<1x128xi32, #tpu.memory_space<vmem>> -> memref<128xi32, #tpu.memory_space<vmem>>
        %dma_start3A_126 = arith.constant 0 : i32
        %dma_start3A_127 = arith.constant 0 : i32
        %dma_start3A_128 = tpu.memref_slice %arg2[%dma_start3A_126, %dma_start3A_127] : memref<4096x128xbf16, #tpu.memory_space<hbm>> -> memref<4096x128xbf16, #tpu.memory_space<hbm>>
        tpu.enqueue_indirect_dma source(%dma_start3A_128 : memref<4096x128xbf16, #tpu.memory_space<hbm>>) target(%dma_start3A_122 : memref<128x128xbf16, #tpu.memory_space<vmem>>) offsets(%dma_start3A_125 : memref<128xi32, #tpu.memory_space<vmem>>) semaphore(%arg11 : memref<!tpu.dma_semaphore, #tpu.memory_space<semaphore_mem>>)
        %add3A_129 = arith.constant 128 : i32
        %add3A_130 = arith.addi %mul3A_118, %add3A_129 : i32
        %dma_start3A_131 = arith.constant 0 : i32
        %dma_start3A_132 = tpu.memref_slice %arg8[%add3A_130, %dma_start3A_131] : memref<768x128xbf16, #tpu.memory_space<vmem>> -> memref<128x128xbf16, #tpu.memory_space<vmem>>
        %dma_start3A_133 = arith.constant 0 : i32
        %dma_start3A_134 = tpu.memref_slice %arg6[%add3A_98, %dma_start3A_133] : memref<4x128xi32, #tpu.memory_space<vmem>> -> memref<1x128xi32, #tpu.memory_space<vmem>>
        %dma_start3A_135 = tpu.memref_squeeze %dma_start3A_134 : memref<1x128xi32, #tpu.memory_space<vmem>> -> memref<128xi32, #tpu.memory_space<vmem>>
        %dma_start3A_136 = arith.constant 0 : i32
        %dma_start3A_137 = arith.constant 0 : i32
        %dma_start3A_138 = tpu.memref_slice %arg2[%dma_start3A_136, %dma_start3A_137] : memref<4096x128xbf16, #tpu.memory_space<hbm>> -> memref<4096x128xbf16, #tpu.memory_space<hbm>>
        tpu.enqueue_indirect_dma source(%dma_start3A_138 : memref<4096x128xbf16, #tpu.memory_space<hbm>>) target(%dma_start3A_132 : memref<128x128xbf16, #tpu.memory_space<vmem>>) offsets(%dma_start3A_135 : memref<128xi32, #tpu.memory_space<vmem>>) semaphore(%arg11 : memref<!tpu.dma_semaphore, #tpu.memory_space<semaphore_mem>>)
        %add3A_139 = arith.constant 256 : i32
        %add3A_140 = arith.addi %mul3A_118, %add3A_139 : i32
        %dma_start3A_141 = arith.constant 0 : i32
        %dma_start3A_142 = tpu.memref_slice %arg8[%add3A_140, %dma_start3A_141] : memref<768x128xbf16, #tpu.memory_space<vmem>> -> memref<128x128xbf16, #tpu.memory_space<vmem>>
        %dma_start3A_143 = arith.constant 0 : i32
        %dma_start3A_144 = tpu.memref_slice %arg7[%add3A_98, %dma_start3A_143] : memref<4x128xi32, #tpu.memory_space<vmem>> -> memref<1x128xi32, #tpu.memory_space<vmem>>
        %dma_start3A_145 = tpu.memref_squeeze %dma_start3A_144 : memref<1x128xi32, #tpu.memory_space<vmem>> -> memref<128xi32, #tpu.memory_space<vmem>>
        %dma_start3A_146 = arith.constant 0 : i32
        %dma_start3A_147 = arith.constant 0 : i32
        %dma_start3A_148 = tpu.memref_slice %arg2[%dma_start3A_146, %dma_start3A_147] : memref<4096x128xbf16, #tpu.memory_space<hbm>> -> memref<4096x128xbf16, #tpu.memory_space<hbm>>
        tpu.enqueue_indirect_dma source(%dma_start3A_148 : memref<4096x128xbf16, #tpu.memory_space<hbm>>) target(%dma_start3A_142 : memref<128x128xbf16, #tpu.memory_space<vmem>>) offsets(%dma_start3A_145 : memref<128xi32, #tpu.memory_space<vmem>>) semaphore(%arg11 : memref<!tpu.dma_semaphore, #tpu.memory_space<semaphore_mem>>)
      } else {
      }
      %scan3A_91 = arith.constant 0 : i32
      %scan3A_92 = arith.constant 8 : i32
      %scan3A_93 = arith.addi %scan3A_91, %scan3A_92 : i32
      %scan3A_94 = arith.constant 1 : i32
      %scan3A_95 = scf.for %scan3A_97 = %scan3A_91 to %scan3A_93 step %scan3A_94 iter_args(%scan3A_98 = %scan3A_45) -> (vector<16xf32>)  : i32 {
        %mul3A_99 = arith.constant 16 : i32
        %mul3A_100 = arith.muli %scan3A_97, %mul3A_99 : i32
        %add3A_101 = arith.addi %mul3A_56, %mul3A_100 : i32
        %add3A_102 = arith.constant 0 : i32
        %add3A_103 = arith.addi %add3A_101, %add3A_102 : i32
        %broadcast_in_dim3A_104 = arith.constant 0.000000e+00 : f32
        %broadcast_in_dim3A_105 = vector.broadcast %broadcast_in_dim3A_104 : f32 to vector<16xf32>
        %get3A = arith.index_cast %add3A_103 : i32 to index
        %get3A_106 = arith.constant 0 : index
        %get3A_107 = tpu.vector_load %arg8[%get3A, %get3A_106] {strides = array<i32>} : memref<768x128xbf16, #tpu.memory_space<vmem>>, vector<32xbf16>,
        %add3A_108 = arith.constant 128 : i32
        %add3A_109 = arith.addi %add3A_103, %add3A_108 : i32
        %get3A_110 = arith.index_cast %add3A_109 : i32 to index
        %get3A_111 = arith.constant 0 : index
        %get3A_112 = tpu.vector_load %arg8[%get3A_110, %get3A_111] {strides = array<i32>} : memref<768x128xbf16, #tpu.memory_space<vmem>>, vector<32xbf16>,
        %add3A_113 = arith.constant 256 : i32
        %add3A_114 = arith.addi %add3A_103, %add3A_113 : i32
        %get3A_115 = arith.index_cast %add3A_114 : i32 to index
        %get3A_116 = arith.constant 0 : index
        %get3A_117 = tpu.vector_load %arg8[%get3A_115, %get3A_116] {strides = array<i32>} : memref<768x128xbf16, #tpu.memory_space<vmem>>, vector<32xbf16>,
        %sub3A = arith.subf %get3A_117, %get3A_112 : vector<32xbf16>
        %add3A_118 = arith.addf %get3A_107, %get3A_107 : vector<32xbf16>
        %sub3A_119 = arith.subf %add3A_118, %get3A_112 : vector<32xbf16>
        %sub3A_120 = arith.subf %sub3A_119, %get3A_117 : vector<32xbf16>
        %mul3A_121 = arith.mulf %sub3A, %sub3A_120 : vector<32xbf16>
        %unpack3A = tpu.unpack_subelements %mul3A_121, 0 {pack_format = #tpu.pack_format<interleaved>} : vector<32xbf16> -> vector<16xf32>
        %unpack3A_122 = tpu.unpack_subelements %mul3A_121, 1 {pack_format = #tpu.pack_format<interleaved>} : vector<32xbf16> -> vector<16xf32>
        %add3A_123 = arith.addf %unpack3A, %unpack3A_122 : vector<16xf32>
        %add3A_124 = arith.addf %broadcast_in_dim3A_105, %add3A_123 : vector<16xf32>
        %get3A_125 = arith.index_cast %add3A_103 : i32 to index
        %get3A_126 = arith.constant 32 : index
        %get3A_127 = tpu.vector_load %arg8[%get3A_125, %get3A_126] {strides = array<i32>} : memref<768x128xbf16, #tpu.memory_space<vmem>>, vector<32xbf16>,
        %add3A_128 = arith.constant 128 : i32
        %add3A_129 = arith.addi %add3A_103, %add3A_128 : i32
        %get3A_130 = arith.index_cast %add3A_129 : i32 to index
        %get3A_131 = arith.constant 32 : index
        %get3A_132 = tpu.vector_load %arg8[%get3A_130, %get3A_131] {strides = array<i32>} : memref<768x128xbf16, #tpu.memory_space<vmem>>, vector<32xbf16>,
        %add3A_133 = arith.constant 256 : i32
        %add3A_134 = arith.addi %add3A_103, %add3A_133 : i32
        %get3A_135 = arith.index_cast %add3A_134 : i32 to index
        %get3A_136 = arith.constant 32 : index
        %get3A_137 = tpu.vector_load %arg8[%get3A_135, %get3A_136] {strides = array<i32>} : memref<768x128xbf16, #tpu.memory_space<vmem>>, vector<32xbf16>,
        %sub3A_138 = arith.subf %get3A_137, %get3A_132 : vector<32xbf16>
        %add3A_139 = arith.addf %get3A_127, %get3A_127 : vector<32xbf16>
        %sub3A_140 = arith.subf %add3A_139, %get3A_132 : vector<32xbf16>
        %sub3A_141 = arith.subf %sub3A_140, %get3A_137 : vector<32xbf16>
        %mul3A_142 = arith.mulf %sub3A_138, %sub3A_141 : vector<32xbf16>
        %unpack3A_143 = tpu.unpack_subelements %mul3A_142, 0 {pack_format = #tpu.pack_format<interleaved>} : vector<32xbf16> -> vector<16xf32>
        %unpack3A_144 = tpu.unpack_subelements %mul3A_142, 1 {pack_format = #tpu.pack_format<interleaved>} : vector<32xbf16> -> vector<16xf32>
        %add3A_145 = arith.addf %unpack3A_143, %unpack3A_144 : vector<16xf32>
        %add3A_146 = arith.addf %add3A_124, %add3A_145 : vector<16xf32>
        %get3A_147 = arith.index_cast %add3A_103 : i32 to index
        %get3A_148 = arith.constant 64 : index
        %get3A_149 = tpu.vector_load %arg8[%get3A_147, %get3A_148] {strides = array<i32>} : memref<768x128xbf16, #tpu.memory_space<vmem>>, vector<32xbf16>,
        %add3A_150 = arith.constant 128 : i32
        %add3A_151 = arith.addi %add3A_103, %add3A_150 : i32
        %get3A_152 = arith.index_cast %add3A_151 : i32 to index
        %get3A_153 = arith.constant 64 : index
        %get3A_154 = tpu.vector_load %arg8[%get3A_152, %get3A_153] {strides = array<i32>} : memref<768x128xbf16, #tpu.memory_space<vmem>>, vector<32xbf16>,
        %add3A_155 = arith.constant 256 : i32
        %add3A_156 = arith.addi %add3A_103, %add3A_155 : i32
        %get3A_157 = arith.index_cast %add3A_156 : i32 to index
        %get3A_158 = arith.constant 64 : index
        %get3A_159 = tpu.vector_load %arg8[%get3A_157, %get3A_158] {strides = array<i32>} : memref<768x128xbf16, #tpu.memory_space<vmem>>, vector<32xbf16>,
        %sub3A_160 = arith.subf %get3A_159, %get3A_154 : vector<32xbf16>
        %add3A_161 = arith.addf %get3A_149, %get3A_149 : vector<32xbf16>
        %sub3A_162 = arith.subf %add3A_161, %get3A_154 : vector<32xbf16>
        %sub3A_163 = arith.subf %sub3A_162, %get3A_159 : vector<32xbf16>
        %mul3A_164 = arith.mulf %sub3A_160, %sub3A_163 : vector<32xbf16>
        %unpack3A_165 = tpu.unpack_subelements %mul3A_164, 0 {pack_format = #tpu.pack_format<interleaved>} : vector<32xbf16> -> vector<16xf32>
        %unpack3A_166 = tpu.unpack_subelements %mul3A_164, 1 {pack_format = #tpu.pack_format<interleaved>} : vector<32xbf16> -> vector<16xf32>
        %add3A_167 = arith.addf %unpack3A_165, %unpack3A_166 : vector<16xf32>
        %add3A_168 = arith.addf %add3A_146, %add3A_167 : vector<16xf32>
        %get3A_169 = arith.index_cast %add3A_103 : i32 to index
        %get3A_170 = arith.constant 96 : index
        %get3A_171 = tpu.vector_load %arg8[%get3A_169, %get3A_170] {strides = array<i32>} : memref<768x128xbf16, #tpu.memory_space<vmem>>, vector<32xbf16>,
        %add3A_172 = arith.constant 128 : i32
        %add3A_173 = arith.addi %add3A_103, %add3A_172 : i32
        %get3A_174 = arith.index_cast %add3A_173 : i32 to index
        %get3A_175 = arith.constant 96 : index
        %get3A_176 = tpu.vector_load %arg8[%get3A_174, %get3A_175] {strides = array<i32>} : memref<768x128xbf16, #tpu.memory_space<vmem>>, vector<32xbf16>,
        %add3A_177 = arith.constant 256 : i32
        %add3A_178 = arith.addi %add3A_103, %add3A_177 : i32
        %get3A_179 = arith.index_cast %add3A_178 : i32 to index
        %get3A_180 = arith.constant 96 : index
        %get3A_181 = tpu.vector_load %arg8[%get3A_179, %get3A_180] {strides = array<i32>} : memref<768x128xbf16, #tpu.memory_space<vmem>>, vector<32xbf16>,
        %sub3A_182 = arith.subf %get3A_181, %get3A_176 : vector<32xbf16>
        %add3A_183 = arith.addf %get3A_171, %get3A_171 : vector<32xbf16>
        %sub3A_184 = arith.subf %add3A_183, %get3A_176 : vector<32xbf16>
        %sub3A_185 = arith.subf %sub3A_184, %get3A_181 : vector<32xbf16>
        %mul3A_186 = arith.mulf %sub3A_182, %sub3A_185 : vector<32xbf16>
        %unpack3A_187 = tpu.unpack_subelements %mul3A_186, 0 {pack_format = #tpu.pack_format<interleaved>} : vector<32xbf16> -> vector<16xf32>
        %unpack3A_188 = tpu.unpack_subelements %mul3A_186, 1 {pack_format = #tpu.pack_format<interleaved>} : vector<32xbf16> -> vector<16xf32>
        %add3A_189 = arith.addf %unpack3A_187, %unpack3A_188 : vector<16xf32>
        %add3A_190 = arith.addf %add3A_168, %add3A_189 : vector<16xf32>
        %add3A_191 = arith.constant 0 : i32
        %add3A_192 = vector.broadcast %add3A_191 : i32 to vector<16xi32>
        %add3A_193 = arith.addi %mul3A_3, %add3A_192 : vector<16xi32>
        tpu.vector_store_idx %arg9[%add3A_193], %add3A_190 : memref<256xf32, #tpu.memory_space<vmem>>[vector<16xi32>], vector<16xf32>,
        %add3A_194 = arith.constant 1 : i32
        %add3A_195 = arith.addi %add3A_101, %add3A_194 : i32
        %broadcast_in_dim3A_196 = arith.constant 0.000000e+00 : f32
        %broadcast_in_dim3A_197 = vector.broadcast %broadcast_in_dim3A_196 : f32 to vector<16xf32>
        %get3A_198 = arith.index_cast %add3A_195 : i32 to index
        %get3A_199 = arith.constant 0 : index
        %get3A_200 = tpu.vector_load %arg8[%get3A_198, %get3A_199] {strides = array<i32>} : memref<768x128xbf16, #tpu.memory_space<vmem>>, vector<32xbf16>,
        %add3A_201 = arith.constant 128 : i32
        %add3A_202 = arith.addi %add3A_195, %add3A_201 : i32
        %get3A_203 = arith.index_cast %add3A_202 : i32 to index
        %get3A_204 = arith.constant 0 : index
        %get3A_205 = tpu.vector_load %arg8[%get3A_203, %get3A_204] {strides = array<i32>} : memref<768x128xbf16, #tpu.memory_space<vmem>>, vector<32xbf16>,
        %add3A_206 = arith.constant 256 : i32
        %add3A_207 = arith.addi %add3A_195, %add3A_206 : i32
        %get3A_208 = arith.index_cast %add3A_207 : i32 to index
        %get3A_209 = arith.constant 0 : index
        %get3A_210 = tpu.vector_load %arg8[%get3A_208, %get3A_209] {strides = array<i32>} : memref<768x128xbf16, #tpu.memory_space<vmem>>, vector<32xbf16>,
        %sub3A_211 = arith.subf %get3A_210, %get3A_205 : vector<32xbf16>
        %add3A_212 = arith.addf %get3A_200, %get3A_200 : vector<32xbf16>
        %sub3A_213 = arith.subf %add3A_212, %get3A_205 : vector<32xbf16>
        %sub3A_214 = arith.subf %sub3A_213, %get3A_210 : vector<32xbf16>
        %mul3A_215 = arith.mulf %sub3A_211, %sub3A_214 : vector<32xbf16>
        %unpack3A_216 = tpu.unpack_subelements %mul3A_215, 0 {pack_format = #tpu.pack_format<interleaved>} : vector<32xbf16> -> vector<16xf32>
        %unpack3A_217 = tpu.unpack_subelements %mul3A_215, 1 {pack_format = #tpu.pack_format<interleaved>} : vector<32xbf16> -> vector<16xf32>
        %add3A_218 = arith.addf %unpack3A_216, %unpack3A_217 : vector<16xf32>
        %add3A_219 = arith.addf %broadcast_in_dim3A_197, %add3A_218 : vector<16xf32>
        %get3A_220 = arith.index_cast %add3A_195 : i32 to index
        %get3A_221 = arith.constant 32 : index
        %get3A_222 = tpu.vector_load %arg8[%get3A_220, %get3A_221] {strides = array<i32>} : memref<768x128xbf16, #tpu.memory_space<vmem>>, vector<32xbf16>,
        %add3A_223 = arith.constant 128 : i32
        %add3A_224 = arith.addi %add3A_195, %add3A_223 : i32
        %get3A_225 = arith.index_cast %add3A_224 : i32 to index
        %get3A_226 = arith.constant 32 : index
        %get3A_227 = tpu.vector_load %arg8[%get3A_225, %get3A_226] {strides = array<i32>} : memref<768x128xbf16, #tpu.memory_space<vmem>>, vector<32xbf16>,
        %add3A_228 = arith.constant 256 : i32
        %add3A_229 = arith.addi %add3A_195, %add3A_228 : i32
        %get3A_230 = arith.index_cast %add3A_229 : i32 to index
        %get3A_231 = arith.constant 32 : index
        %get3A_232 = tpu.vector_load %arg8[%get3A_230, %get3A_231] {strides = array<i32>} : memref<768x128xbf16, #tpu.memory_space<vmem>>, vector<32xbf16>,
        %sub3A_233 = arith.subf %get3A_232, %get3A_227 : vector<32xbf16>
        %add3A_234 = arith.addf %get3A_222, %get3A_222 : vector<32xbf16>
        %sub3A_235 = arith.subf %add3A_234, %get3A_227 : vector<32xbf16>
        %sub3A_236 = arith.subf %sub3A_235, %get3A_232 : vector<32xbf16>
        %mul3A_237 = arith.mulf %sub3A_233, %sub3A_236 : vector<32xbf16>
        %unpack3A_238 = tpu.unpack_subelements %mul3A_237, 0 {pack_format = #tpu.pack_format<interleaved>} : vector<32xbf16> -> vector<16xf32>
        %unpack3A_239 = tpu.unpack_subelements %mul3A_237, 1 {pack_format = #tpu.pack_format<interleaved>} : vector<32xbf16> -> vector<16xf32>
        %add3A_240 = arith.addf %unpack3A_238, %unpack3A_239 : vector<16xf32>
        %add3A_241 = arith.addf %add3A_219, %add3A_240 : vector<16xf32>
        %get3A_242 = arith.index_cast %add3A_195 : i32 to index
        %get3A_243 = arith.constant 64 : index
        %get3A_244 = tpu.vector_load %arg8[%get3A_242, %get3A_243] {strides = array<i32>} : memref<768x128xbf16, #tpu.memory_space<vmem>>, vector<32xbf16>,
        %add3A_245 = arith.constant 128 : i32
        %add3A_246 = arith.addi %add3A_195, %add3A_245 : i32
        %get3A_247 = arith.index_cast %add3A_246 : i32 to index
        %get3A_248 = arith.constant 64 : index
        %get3A_249 = tpu.vector_load %arg8[%get3A_247, %get3A_248] {strides = array<i32>} : memref<768x128xbf16, #tpu.memory_space<vmem>>, vector<32xbf16>,
        %add3A_250 = arith.constant 256 : i32
        %add3A_251 = arith.addi %add3A_195, %add3A_250 : i32
        %get3A_252 = arith.index_cast %add3A_251 : i32 to index
        %get3A_253 = arith.constant 64 : index
        %get3A_254 = tpu.vector_load %arg8[%get3A_252, %get3A_253] {strides = array<i32>} : memref<768x128xbf16, #tpu.memory_space<vmem>>, vector<32xbf16>,
        %sub3A_255 = arith.subf %get3A_254, %get3A_249 : vector<32xbf16>
        %add3A_256 = arith.addf %get3A_244, %get3A_244 : vector<32xbf16>
        %sub3A_257 = arith.subf %add3A_256, %get3A_249 : vector<32xbf16>
        %sub3A_258 = arith.subf %sub3A_257, %get3A_254 : vector<32xbf16>
        %mul3A_259 = arith.mulf %sub3A_255, %sub3A_258 : vector<32xbf16>
        %unpack3A_260 = tpu.unpack_subelements %mul3A_259, 0 {pack_format = #tpu.pack_format<interleaved>} : vector<32xbf16> -> vector<16xf32>
        %unpack3A_261 = tpu.unpack_subelements %mul3A_259, 1 {pack_format = #tpu.pack_format<interleaved>} : vector<32xbf16> -> vector<16xf32>
        %add3A_262 = arith.addf %unpack3A_260, %unpack3A_261 : vector<16xf32>
        %add3A_263 = arith.addf %add3A_241, %add3A_262 : vector<16xf32>
        %get3A_264 = arith.index_cast %add3A_195 : i32 to index
        %get3A_265 = arith.constant 96 : index
        %get3A_266 = tpu.vector_load %arg8[%get3A_264, %get3A_265] {strides = array<i32>} : memref<768x128xbf16, #tpu.memory_space<vmem>>, vector<32xbf16>,
        %add3A_267 = arith.constant 128 : i32
        %add3A_268 = arith.addi %add3A_195, %add3A_267 : i32
        %get3A_269 = arith.index_cast %add3A_268 : i32 to index
        %get3A_270 = arith.constant 96 : index
        %get3A_271 = tpu.vector_load %arg8[%get3A_269, %get3A_270] {strides = array<i32>} : memref<768x128xbf16, #tpu.memory_space<vmem>>, vector<32xbf16>,
        %add3A_272 = arith.constant 256 : i32
        %add3A_273 = arith.addi %add3A_195, %add3A_272 : i32
        %get3A_274 = arith.index_cast %add3A_273 : i32 to index
        %get3A_275 = arith.constant 96 : index
        %get3A_276 = tpu.vector_load %arg8[%get3A_274, %get3A_275] {strides = array<i32>} : memref<768x128xbf16, #tpu.memory_space<vmem>>, vector<32xbf16>,
        %sub3A_277 = arith.subf %get3A_276, %get3A_271 : vector<32xbf16>
        %add3A_278 = arith.addf %get3A_266, %get3A_266 : vector<32xbf16>
        %sub3A_279 = arith.subf %add3A_278, %get3A_271 : vector<32xbf16>
        %sub3A_280 = arith.subf %sub3A_279, %get3A_276 : vector<32xbf16>
        %mul3A_281 = arith.mulf %sub3A_277, %sub3A_280 : vector<32xbf16>
        %unpack3A_282 = tpu.unpack_subelements %mul3A_281, 0 {pack_format = #tpu.pack_format<interleaved>} : vector<32xbf16> -> vector<16xf32>
        %unpack3A_283 = tpu.unpack_subelements %mul3A_281, 1 {pack_format = #tpu.pack_format<interleaved>} : vector<32xbf16> -> vector<16xf32>
        %add3A_284 = arith.addf %unpack3A_282, %unpack3A_283 : vector<16xf32>
        %add3A_285 = arith.addf %add3A_263, %add3A_284 : vector<16xf32>
        %add3A_286 = arith.constant 1 : i32
        %add3A_287 = vector.broadcast %add3A_286 : i32 to vector<16xi32>
        %add3A_288 = arith.addi %mul3A_3, %add3A_287 : vector<16xi32>
        tpu.vector_store_idx %arg9[%add3A_288], %add3A_285 : memref<256xf32, #tpu.memory_space<vmem>>[vector<16xi32>], vector<16xf32>,
        %add3A_289 = arith.constant 2 : i32
        %add3A_290 = arith.addi %add3A_101, %add3A_289 : i32
        %broadcast_in_dim3A_291 = arith.constant 0.000000e+00 : f32
        %broadcast_in_dim3A_292 = vector.broadcast %broadcast_in_dim3A_291 : f32 to vector<16xf32>
        %get3A_293 = arith.index_cast %add3A_290 : i32 to index
        %get3A_294 = arith.constant 0 : index
        %get3A_295 = tpu.vector_load %arg8[%get3A_293, %get3A_294] {strides = array<i32>} : memref<768x128xbf16, #tpu.memory_space<vmem>>, vector<32xbf16>,
        %add3A_296 = arith.constant 128 : i32
        %add3A_297 = arith.addi %add3A_290, %add3A_296 : i32
        %get3A_298 = arith.index_cast %add3A_297 : i32 to index
        %get3A_299 = arith.constant 0 : index
        %get3A_300 = tpu.vector_load %arg8[%get3A_298, %get3A_299] {strides = array<i32>} : memref<768x128xbf16, #tpu.memory_space<vmem>>, vector<32xbf16>,
        %add3A_301 = arith.constant 256 : i32
        %add3A_302 = arith.addi %add3A_290, %add3A_301 : i32
        %get3A_303 = arith.index_cast %add3A_302 : i32 to index
        %get3A_304 = arith.constant 0 : index
        %get3A_305 = tpu.vector_load %arg8[%get3A_303, %get3A_304] {strides = array<i32>} : memref<768x128xbf16, #tpu.memory_space<vmem>>, vector<32xbf16>,
        %sub3A_306 = arith.subf %get3A_305, %get3A_300 : vector<32xbf16>
        %add3A_307 = arith.addf %get3A_295, %get3A_295 : vector<32xbf16>
        %sub3A_308 = arith.subf %add3A_307, %get3A_300 : vector<32xbf16>
        %sub3A_309 = arith.subf %sub3A_308, %get3A_305 : vector<32xbf16>
        %mul3A_310 = arith.mulf %sub3A_306, %sub3A_309 : vector<32xbf16>
        %unpack3A_311 = tpu.unpack_subelements %mul3A_310, 0 {pack_format = #tpu.pack_format<interleaved>} : vector<32xbf16> -> vector<16xf32>
        %unpack3A_312 = tpu.unpack_subelements %mul3A_310, 1 {pack_format = #tpu.pack_format<interleaved>} : vector<32xbf16> -> vector<16xf32>
        %add3A_313 = arith.addf %unpack3A_311, %unpack3A_312 : vector<16xf32>
        %add3A_314 = arith.addf %broadcast_in_dim3A_292, %add3A_313 : vector<16xf32>
        %get3A_315 = arith.index_cast %add3A_290 : i32 to index
        %get3A_316 = arith.constant 32 : index
        %get3A_317 = tpu.vector_load %arg8[%get3A_315, %get3A_316] {strides = array<i32>} : memref<768x128xbf16, #tpu.memory_space<vmem>>, vector<32xbf16>,
        %add3A_318 = arith.constant 128 : i32
        %add3A_319 = arith.addi %add3A_290, %add3A_318 : i32
        %get3A_320 = arith.index_cast %add3A_319 : i32 to index
        %get3A_321 = arith.constant 32 : index
        %get3A_322 = tpu.vector_load %arg8[%get3A_320, %get3A_321] {strides = array<i32>} : memref<768x128xbf16, #tpu.memory_space<vmem>>, vector<32xbf16>,
        %add3A_323 = arith.constant 256 : i32
        %add3A_324 = arith.addi %add3A_290, %add3A_323 : i32
        %get3A_325 = arith.index_cast %add3A_324 : i32 to index
        %get3A_326 = arith.constant 32 : index
        %get3A_327 = tpu.vector_load %arg8[%get3A_325, %get3A_326] {strides = array<i32>} : memref<768x128xbf16, #tpu.memory_space<vmem>>, vector<32xbf16>,
        %sub3A_328 = arith.subf %get3A_327, %get3A_322 : vector<32xbf16>
        %add3A_329 = arith.addf %get3A_317, %get3A_317 : vector<32xbf16>
        %sub3A_330 = arith.subf %add3A_329, %get3A_322 : vector<32xbf16>
        %sub3A_331 = arith.subf %sub3A_330, %get3A_327 : vector<32xbf16>
        %mul3A_332 = arith.mulf %sub3A_328, %sub3A_331 : vector<32xbf16>
        %unpack3A_333 = tpu.unpack_subelements %mul3A_332, 0 {pack_format = #tpu.pack_format<interleaved>} : vector<32xbf16> -> vector<16xf32>
        %unpack3A_334 = tpu.unpack_subelements %mul3A_332, 1 {pack_format = #tpu.pack_format<interleaved>} : vector<32xbf16> -> vector<16xf32>
        %add3A_335 = arith.addf %unpack3A_333, %unpack3A_334 : vector<16xf32>
        %add3A_336 = arith.addf %add3A_314, %add3A_335 : vector<16xf32>
        %get3A_337 = arith.index_cast %add3A_290 : i32 to index
        %get3A_338 = arith.constant 64 : index
        %get3A_339 = tpu.vector_load %arg8[%get3A_337, %get3A_338] {strides = array<i32>} : memref<768x128xbf16, #tpu.memory_space<vmem>>, vector<32xbf16>,
        %add3A_340 = arith.constant 128 : i32
        %add3A_341 = arith.addi %add3A_290, %add3A_340 : i32
        %get3A_342 = arith.index_cast %add3A_341 : i32 to index
        %get3A_343 = arith.constant 64 : index
        %get3A_344 = tpu.vector_load %arg8[%get3A_342, %get3A_343] {strides = array<i32>} : memref<768x128xbf16, #tpu.memory_space<vmem>>, vector<32xbf16>,
        %add3A_345 = arith.constant 256 : i32
        %add3A_346 = arith.addi %add3A_290, %add3A_345 : i32
        %get3A_347 = arith.index_cast %add3A_346 : i32 to index
        %get3A_348 = arith.constant 64 : index
        %get3A_349 = tpu.vector_load %arg8[%get3A_347, %get3A_348] {strides = array<i32>} : memref<768x128xbf16, #tpu.memory_space<vmem>>, vector<32xbf16>,
        %sub3A_350 = arith.subf %get3A_349, %get3A_344 : vector<32xbf16>
        %add3A_351 = arith.addf %get3A_339, %get3A_339 : vector<32xbf16>
        %sub3A_352 = arith.subf %add3A_351, %get3A_344 : vector<32xbf16>
        %sub3A_353 = arith.subf %sub3A_352, %get3A_349 : vector<32xbf16>
        %mul3A_354 = arith.mulf %sub3A_350, %sub3A_353 : vector<32xbf16>
        %unpack3A_355 = tpu.unpack_subelements %mul3A_354, 0 {pack_format = #tpu.pack_format<interleaved>} : vector<32xbf16> -> vector<16xf32>
        %unpack3A_356 = tpu.unpack_subelements %mul3A_354, 1 {pack_format = #tpu.pack_format<interleaved>} : vector<32xbf16> -> vector<16xf32>
        %add3A_357 = arith.addf %unpack3A_355, %unpack3A_356 : vector<16xf32>
        %add3A_358 = arith.addf %add3A_336, %add3A_357 : vector<16xf32>
        %get3A_359 = arith.index_cast %add3A_290 : i32 to index
        %get3A_360 = arith.constant 96 : index
        %get3A_361 = tpu.vector_load %arg8[%get3A_359, %get3A_360] {strides = array<i32>} : memref<768x128xbf16, #tpu.memory_space<vmem>>, vector<32xbf16>,
        %add3A_362 = arith.constant 128 : i32
        %add3A_363 = arith.addi %add3A_290, %add3A_362 : i32
        %get3A_364 = arith.index_cast %add3A_363 : i32 to index
        %get3A_365 = arith.constant 96 : index
        %get3A_366 = tpu.vector_load %arg8[%get3A_364, %get3A_365] {strides = array<i32>} : memref<768x128xbf16, #tpu.memory_space<vmem>>, vector<32xbf16>,
        %add3A_367 = arith.constant 256 : i32
        %add3A_368 = arith.addi %add3A_290, %add3A_367 : i32
        %get3A_369 = arith.index_cast %add3A_368 : i32 to index
        %get3A_370 = arith.constant 96 : index
        %get3A_371 = tpu.vector_load %arg8[%get3A_369, %get3A_370] {strides = array<i32>} : memref<768x128xbf16, #tpu.memory_space<vmem>>, vector<32xbf16>,
        %sub3A_372 = arith.subf %get3A_371, %get3A_366 : vector<32xbf16>
        %add3A_373 = arith.addf %get3A_361, %get3A_361 : vector<32xbf16>
        %sub3A_374 = arith.subf %add3A_373, %get3A_366 : vector<32xbf16>
        %sub3A_375 = arith.subf %sub3A_374, %get3A_371 : vector<32xbf16>
        %mul3A_376 = arith.mulf %sub3A_372, %sub3A_375 : vector<32xbf16>
        %unpack3A_377 = tpu.unpack_subelements %mul3A_376, 0 {pack_format = #tpu.pack_format<interleaved>} : vector<32xbf16> -> vector<16xf32>
        %unpack3A_378 = tpu.unpack_subelements %mul3A_376, 1 {pack_format = #tpu.pack_format<interleaved>} : vector<32xbf16> -> vector<16xf32>
        %add3A_379 = arith.addf %unpack3A_377, %unpack3A_378 : vector<16xf32>
        %add3A_380 = arith.addf %add3A_358, %add3A_379 : vector<16xf32>
        %add3A_381 = arith.constant 2 : i32
        %add3A_382 = vector.broadcast %add3A_381 : i32 to vector<16xi32>
        %add3A_383 = arith.addi %mul3A_3, %add3A_382 : vector<16xi32>
        tpu.vector_store_idx %arg9[%add3A_383], %add3A_380 : memref<256xf32, #tpu.memory_space<vmem>>[vector<16xi32>], vector<16xf32>,
        %add3A_384 = arith.constant 3 : i32
        %add3A_385 = arith.addi %add3A_101, %add3A_384 : i32
        %broadcast_in_dim3A_386 = arith.constant 0.000000e+00 : f32
        %broadcast_in_dim3A_387 = vector.broadcast %broadcast_in_dim3A_386 : f32 to vector<16xf32>
        %get3A_388 = arith.index_cast %add3A_385 : i32 to index
        %get3A_389 = arith.constant 0 : index
        %get3A_390 = tpu.vector_load %arg8[%get3A_388, %get3A_389] {strides = array<i32>} : memref<768x128xbf16, #tpu.memory_space<vmem>>, vector<32xbf16>,
        %add3A_391 = arith.constant 128 : i32
        %add3A_392 = arith.addi %add3A_385, %add3A_391 : i32
        %get3A_393 = arith.index_cast %add3A_392 : i32 to index
        %get3A_394 = arith.constant 0 : index
        %get3A_395 = tpu.vector_load %arg8[%get3A_393, %get3A_394] {strides = array<i32>} : memref<768x128xbf16, #tpu.memory_space<vmem>>, vector<32xbf16>,
        %add3A_396 = arith.constant 256 : i32
        %add3A_397 = arith.addi %add3A_385, %add3A_396 : i32
        %get3A_398 = arith.index_cast %add3A_397 : i32 to index
        %get3A_399 = arith.constant 0 : index
        %get3A_400 = tpu.vector_load %arg8[%get3A_398, %get3A_399] {strides = array<i32>} : memref<768x128xbf16, #tpu.memory_space<vmem>>, vector<32xbf16>,
        %sub3A_401 = arith.subf %get3A_400, %get3A_395 : vector<32xbf16>
        %add3A_402 = arith.addf %get3A_390, %get3A_390 : vector<32xbf16>
        %sub3A_403 = arith.subf %add3A_402, %get3A_395 : vector<32xbf16>
        %sub3A_404 = arith.subf %sub3A_403, %get3A_400 : vector<32xbf16>
        %mul3A_405 = arith.mulf %sub3A_401, %sub3A_404 : vector<32xbf16>
        %unpack3A_406 = tpu.unpack_subelements %mul3A_405, 0 {pack_format = #tpu.pack_format<interleaved>} : vector<32xbf16> -> vector<16xf32>
        %unpack3A_407 = tpu.unpack_subelements %mul3A_405, 1 {pack_format = #tpu.pack_format<interleaved>} : vector<32xbf16> -> vector<16xf32>
        %add3A_408 = arith.addf %unpack3A_406, %unpack3A_407 : vector<16xf32>
        %add3A_409 = arith.addf %broadcast_in_dim3A_387, %add3A_408 : vector<16xf32>
        %get3A_410 = arith.index_cast %add3A_385 : i32 to index
        %get3A_411 = arith.constant 32 : index
        %get3A_412 = tpu.vector_load %arg8[%get3A_410, %get3A_411] {strides = array<i32>} : memref<768x128xbf16, #tpu.memory_space<vmem>>, vector<32xbf16>,
        %add3A_413 = arith.constant 128 : i32
        %add3A_414 = arith.addi %add3A_385, %add3A_413 : i32
        %get3A_415 = arith.index_cast %add3A_414 : i32 to index
        %get3A_416 = arith.constant 32 : index
        %get3A_417 = tpu.vector_load %arg8[%get3A_415, %get3A_416] {strides = array<i32>} : memref<768x128xbf16, #tpu.memory_space<vmem>>, vector<32xbf16>,
        %add3A_418 = arith.constant 256 : i32
        %add3A_419 = arith.addi %add3A_385, %add3A_418 : i32
        %get3A_420 = arith.index_cast %add3A_419 : i32 to index
        %get3A_421 = arith.constant 32 : index
        %get3A_422 = tpu.vector_load %arg8[%get3A_420, %get3A_421] {strides = array<i32>} : memref<768x128xbf16, #tpu.memory_space<vmem>>, vector<32xbf16>,
        %sub3A_423 = arith.subf %get3A_422, %get3A_417 : vector<32xbf16>
        %add3A_424 = arith.addf %get3A_412, %get3A_412 : vector<32xbf16>
        %sub3A_425 = arith.subf %add3A_424, %get3A_417 : vector<32xbf16>
        %sub3A_426 = arith.subf %sub3A_425, %get3A_422 : vector<32xbf16>
        %mul3A_427 = arith.mulf %sub3A_423, %sub3A_426 : vector<32xbf16>
        %unpack3A_428 = tpu.unpack_subelements %mul3A_427, 0 {pack_format = #tpu.pack_format<interleaved>} : vector<32xbf16> -> vector<16xf32>
        %unpack3A_429 = tpu.unpack_subelements %mul3A_427, 1 {pack_format = #tpu.pack_format<interleaved>} : vector<32xbf16> -> vector<16xf32>
        %add3A_430 = arith.addf %unpack3A_428, %unpack3A_429 : vector<16xf32>
        %add3A_431 = arith.addf %add3A_409, %add3A_430 : vector<16xf32>
        %get3A_432 = arith.index_cast %add3A_385 : i32 to index
        %get3A_433 = arith.constant 64 : index
        %get3A_434 = tpu.vector_load %arg8[%get3A_432, %get3A_433] {strides = array<i32>} : memref<768x128xbf16, #tpu.memory_space<vmem>>, vector<32xbf16>,
        %add3A_435 = arith.constant 128 : i32
        %add3A_436 = arith.addi %add3A_385, %add3A_435 : i32
        %get3A_437 = arith.index_cast %add3A_436 : i32 to index
        %get3A_438 = arith.constant 64 : index
        %get3A_439 = tpu.vector_load %arg8[%get3A_437, %get3A_438] {strides = array<i32>} : memref<768x128xbf16, #tpu.memory_space<vmem>>, vector<32xbf16>,
        %add3A_440 = arith.constant 256 : i32
        %add3A_441 = arith.addi %add3A_385, %add3A_440 : i32
        %get3A_442 = arith.index_cast %add3A_441 : i32 to index
        %get3A_443 = arith.constant 64 : index
        %get3A_444 = tpu.vector_load %arg8[%get3A_442, %get3A_443] {strides = array<i32>} : memref<768x128xbf16, #tpu.memory_space<vmem>>, vector<32xbf16>,
        %sub3A_445 = arith.subf %get3A_444, %get3A_439 : vector<32xbf16>
        %add3A_446 = arith.addf %get3A_434, %get3A_434 : vector<32xbf16>
        %sub3A_447 = arith.subf %add3A_446, %get3A_439 : vector<32xbf16>
        %sub3A_448 = arith.subf %sub3A_447, %get3A_444 : vector<32xbf16>
        %mul3A_449 = arith.mulf %sub3A_445, %sub3A_448 : vector<32xbf16>
        %unpack3A_450 = tpu.unpack_subelements %mul3A_449, 0 {pack_format = #tpu.pack_format<interleaved>} : vector<32xbf16> -> vector<16xf32>
        %unpack3A_451 = tpu.unpack_subelements %mul3A_449, 1 {pack_format = #tpu.pack_format<interleaved>} : vector<32xbf16> -> vector<16xf32>
        %add3A_452 = arith.addf %unpack3A_450, %unpack3A_451 : vector<16xf32>
        %add3A_453 = arith.addf %add3A_431, %add3A_452 : vector<16xf32>
        %get3A_454 = arith.index_cast %add3A_385 : i32 to index
        %get3A_455 = arith.constant 96 : index
        %get3A_456 = tpu.vector_load %arg8[%get3A_454, %get3A_455] {strides = array<i32>} : memref<768x128xbf16, #tpu.memory_space<vmem>>, vector<32xbf16>,
        %add3A_457 = arith.constant 128 : i32
        %add3A_458 = arith.addi %add3A_385, %add3A_457 : i32
        %get3A_459 = arith.index_cast %add3A_458 : i32 to index
        %get3A_460 = arith.constant 96 : index
        %get3A_461 = tpu.vector_load %arg8[%get3A_459, %get3A_460] {strides = array<i32>} : memref<768x128xbf16, #tpu.memory_space<vmem>>, vector<32xbf16>,
        %add3A_462 = arith.constant 256 : i32
        %add3A_463 = arith.addi %add3A_385, %add3A_462 : i32
        %get3A_464 = arith.index_cast %add3A_463 : i32 to index
        %get3A_465 = arith.constant 96 : index
        %get3A_466 = tpu.vector_load %arg8[%get3A_464, %get3A_465] {strides = array<i32>} : memref<768x128xbf16, #tpu.memory_space<vmem>>, vector<32xbf16>,
        %sub3A_467 = arith.subf %get3A_466, %get3A_461 : vector<32xbf16>
        %add3A_468 = arith.addf %get3A_456, %get3A_456 : vector<32xbf16>
        %sub3A_469 = arith.subf %add3A_468, %get3A_461 : vector<32xbf16>
        %sub3A_470 = arith.subf %sub3A_469, %get3A_466 : vector<32xbf16>
        %mul3A_471 = arith.mulf %sub3A_467, %sub3A_470 : vector<32xbf16>
        %unpack3A_472 = tpu.unpack_subelements %mul3A_471, 0 {pack_format = #tpu.pack_format<interleaved>} : vector<32xbf16> -> vector<16xf32>
        %unpack3A_473 = tpu.unpack_subelements %mul3A_471, 1 {pack_format = #tpu.pack_format<interleaved>} : vector<32xbf16> -> vector<16xf32>
        %add3A_474 = arith.addf %unpack3A_472, %unpack3A_473 : vector<16xf32>
        %add3A_475 = arith.addf %add3A_453, %add3A_474 : vector<16xf32>
        %add3A_476 = arith.constant 3 : i32
        %add3A_477 = vector.broadcast %add3A_476 : i32 to vector<16xi32>
        %add3A_478 = arith.addi %mul3A_3, %add3A_477 : vector<16xi32>
        tpu.vector_store_idx %arg9[%add3A_478], %add3A_475 : memref<256xf32, #tpu.memory_space<vmem>>[vector<16xi32>], vector<16xf32>,
        %add3A_479 = arith.constant 4 : i32
        %add3A_480 = arith.addi %add3A_101, %add3A_479 : i32
        %broadcast_in_dim3A_481 = arith.constant 0.000000e+00 : f32
        %broadcast_in_dim3A_482 = vector.broadcast %broadcast_in_dim3A_481 : f32 to vector<16xf32>
        %get3A_483 = arith.index_cast %add3A_480 : i32 to index
        %get3A_484 = arith.constant 0 : index
        %get3A_485 = tpu.vector_load %arg8[%get3A_483, %get3A_484] {strides = array<i32>} : memref<768x128xbf16, #tpu.memory_space<vmem>>, vector<32xbf16>,
        %add3A_486 = arith.constant 128 : i32
        %add3A_487 = arith.addi %add3A_480, %add3A_486 : i32
        %get3A_488 = arith.index_cast %add3A_487 : i32 to index
        %get3A_489 = arith.constant 0 : index
        %get3A_490 = tpu.vector_load %arg8[%get3A_488, %get3A_489] {strides = array<i32>} : memref<768x128xbf16, #tpu.memory_space<vmem>>, vector<32xbf16>,
        %add3A_491 = arith.constant 256 : i32
        %add3A_492 = arith.addi %add3A_480, %add3A_491 : i32
        %get3A_493 = arith.index_cast %add3A_492 : i32 to index
        %get3A_494 = arith.constant 0 : index
        %get3A_495 = tpu.vector_load %arg8[%get3A_493, %get3A_494] {strides = array<i32>} : memref<768x128xbf16, #tpu.memory_space<vmem>>, vector<32xbf16>,
        %sub3A_496 = arith.subf %get3A_495, %get3A_490 : vector<32xbf16>
        %add3A_497 = arith.addf %get3A_485, %get3A_485 : vector<32xbf16>
        %sub3A_498 = arith.subf %add3A_497, %get3A_490 : vector<32xbf16>
        %sub3A_499 = arith.subf %sub3A_498, %get3A_495 : vector<32xbf16>
        %mul3A_500 = arith.mulf %sub3A_496, %sub3A_499 : vector<32xbf16>
        %unpack3A_501 = tpu.unpack_subelements %mul3A_500, 0 {pack_format = #tpu.pack_format<interleaved>} : vector<32xbf16> -> vector<16xf32>
        %unpack3A_502 = tpu.unpack_subelements %mul3A_500, 1 {pack_format = #tpu.pack_format<interleaved>} : vector<32xbf16> -> vector<16xf32>
        %add3A_503 = arith.addf %unpack3A_501, %unpack3A_502 : vector<16xf32>
        %add3A_504 = arith.addf %broadcast_in_dim3A_482, %add3A_503 : vector<16xf32>
        %get3A_505 = arith.index_cast %add3A_480 : i32 to index
        %get3A_506 = arith.constant 32 : index
        %get3A_507 = tpu.vector_load %arg8[%get3A_505, %get3A_506] {strides = array<i32>} : memref<768x128xbf16, #tpu.memory_space<vmem>>, vector<32xbf16>,
        %add3A_508 = arith.constant 128 : i32
        %add3A_509 = arith.addi %add3A_480, %add3A_508 : i32
        %get3A_510 = arith.index_cast %add3A_509 : i32 to index
        %get3A_511 = arith.constant 32 : index
        %get3A_512 = tpu.vector_load %arg8[%get3A_510, %get3A_511] {strides = array<i32>} : memref<768x128xbf16, #tpu.memory_space<vmem>>, vector<32xbf16>,
        %add3A_513 = arith.constant 256 : i32
        %add3A_514 = arith.addi %add3A_480, %add3A_513 : i32
        %get3A_515 = arith.index_cast %add3A_514 : i32 to index
        %get3A_516 = arith.constant 32 : index
        %get3A_517 = tpu.vector_load %arg8[%get3A_515, %get3A_516] {strides = array<i32>} : memref<768x128xbf16, #tpu.memory_space<vmem>>, vector<32xbf16>,
        %sub3A_518 = arith.subf %get3A_517, %get3A_512 : vector<32xbf16>
        %add3A_519 = arith.addf %get3A_507, %get3A_507 : vector<32xbf16>
        %sub3A_520 = arith.subf %add3A_519, %get3A_512 : vector<32xbf16>
        %sub3A_521 = arith.subf %sub3A_520, %get3A_517 : vector<32xbf16>
        %mul3A_522 = arith.mulf %sub3A_518, %sub3A_521 : vector<32xbf16>
        %unpack3A_523 = tpu.unpack_subelements %mul3A_522, 0 {pack_format = #tpu.pack_format<interleaved>} : vector<32xbf16> -> vector<16xf32>
        %unpack3A_524 = tpu.unpack_subelements %mul3A_522, 1 {pack_format = #tpu.pack_format<interleaved>} : vector<32xbf16> -> vector<16xf32>
        %add3A_525 = arith.addf %unpack3A_523, %unpack3A_524 : vector<16xf32>
        %add3A_526 = arith.addf %add3A_504, %add3A_525 : vector<16xf32>
        %get3A_527 = arith.index_cast %add3A_480 : i32 to index
        %get3A_528 = arith.constant 64 : index
        %get3A_529 = tpu.vector_load %arg8[%get3A_527, %get3A_528] {strides = array<i32>} : memref<768x128xbf16, #tpu.memory_space<vmem>>, vector<32xbf16>,
        %add3A_530 = arith.constant 128 : i32
        %add3A_531 = arith.addi %add3A_480, %add3A_530 : i32
        %get3A_532 = arith.index_cast %add3A_531 : i32 to index
        %get3A_533 = arith.constant 64 : index
        %get3A_534 = tpu.vector_load %arg8[%get3A_532, %get3A_533] {strides = array<i32>} : memref<768x128xbf16, #tpu.memory_space<vmem>>, vector<32xbf16>,
        %add3A_535 = arith.constant 256 : i32
        %add3A_536 = arith.addi %add3A_480, %add3A_535 : i32
        %get3A_537 = arith.index_cast %add3A_536 : i32 to index
        %get3A_538 = arith.constant 64 : index
        %get3A_539 = tpu.vector_load %arg8[%get3A_537, %get3A_538] {strides = array<i32>} : memref<768x128xbf16, #tpu.memory_space<vmem>>, vector<32xbf16>,
        %sub3A_540 = arith.subf %get3A_539, %get3A_534 : vector<32xbf16>
        %add3A_541 = arith.addf %get3A_529, %get3A_529 : vector<32xbf16>
        %sub3A_542 = arith.subf %add3A_541, %get3A_534 : vector<32xbf16>
        %sub3A_543 = arith.subf %sub3A_542, %get3A_539 : vector<32xbf16>
        %mul3A_544 = arith.mulf %sub3A_540, %sub3A_543 : vector<32xbf16>
        %unpack3A_545 = tpu.unpack_subelements %mul3A_544, 0 {pack_format = #tpu.pack_format<interleaved>} : vector<32xbf16> -> vector<16xf32>
        %unpack3A_546 = tpu.unpack_subelements %mul3A_544, 1 {pack_format = #tpu.pack_format<interleaved>} : vector<32xbf16> -> vector<16xf32>
        %add3A_547 = arith.addf %unpack3A_545, %unpack3A_546 : vector<16xf32>
        %add3A_548 = arith.addf %add3A_526, %add3A_547 : vector<16xf32>
        %get3A_549 = arith.index_cast %add3A_480 : i32 to index
        %get3A_550 = arith.constant 96 : index
        %get3A_551 = tpu.vector_load %arg8[%get3A_549, %get3A_550] {strides = array<i32>} : memref<768x128xbf16, #tpu.memory_space<vmem>>, vector<32xbf16>,
        %add3A_552 = arith.constant 128 : i32
        %add3A_553 = arith.addi %add3A_480, %add3A_552 : i32
        %get3A_554 = arith.index_cast %add3A_553 : i32 to index
        %get3A_555 = arith.constant 96 : index
        %get3A_556 = tpu.vector_load %arg8[%get3A_554, %get3A_555] {strides = array<i32>} : memref<768x128xbf16, #tpu.memory_space<vmem>>, vector<32xbf16>,
        %add3A_557 = arith.constant 256 : i32
        %add3A_558 = arith.addi %add3A_480, %add3A_557 : i32
        %get3A_559 = arith.index_cast %add3A_558 : i32 to index
        %get3A_560 = arith.constant 96 : index
        %get3A_561 = tpu.vector_load %arg8[%get3A_559, %get3A_560] {strides = array<i32>} : memref<768x128xbf16, #tpu.memory_space<vmem>>, vector<32xbf16>,
        %sub3A_562 = arith.subf %get3A_561, %get3A_556 : vector<32xbf16>
        %add3A_563 = arith.addf %get3A_551, %get3A_551 : vector<32xbf16>
        %sub3A_564 = arith.subf %add3A_563, %get3A_556 : vector<32xbf16>
        %sub3A_565 = arith.subf %sub3A_564, %get3A_561 : vector<32xbf16>
        %mul3A_566 = arith.mulf %sub3A_562, %sub3A_565 : vector<32xbf16>
        %unpack3A_567 = tpu.unpack_subelements %mul3A_566, 0 {pack_format = #tpu.pack_format<interleaved>} : vector<32xbf16> -> vector<16xf32>
        %unpack3A_568 = tpu.unpack_subelements %mul3A_566, 1 {pack_format = #tpu.pack_format<interleaved>} : vector<32xbf16> -> vector<16xf32>
        %add3A_569 = arith.addf %unpack3A_567, %unpack3A_568 : vector<16xf32>
        %add3A_570 = arith.addf %add3A_548, %add3A_569 : vector<16xf32>
        %add3A_571 = arith.constant 4 : i32
        %add3A_572 = vector.broadcast %add3A_571 : i32 to vector<16xi32>
        %add3A_573 = arith.addi %mul3A_3, %add3A_572 : vector<16xi32>
        tpu.vector_store_idx %arg9[%add3A_573], %add3A_570 : memref<256xf32, #tpu.memory_space<vmem>>[vector<16xi32>], vector<16xf32>,
        %add3A_574 = arith.constant 5 : i32
        %add3A_575 = arith.addi %add3A_101, %add3A_574 : i32
        %broadcast_in_dim3A_576 = arith.constant 0.000000e+00 : f32
        %broadcast_in_dim3A_577 = vector.broadcast %broadcast_in_dim3A_576 : f32 to vector<16xf32>
        %get3A_578 = arith.index_cast %add3A_575 : i32 to index
        %get3A_579 = arith.constant 0 : index
        %get3A_580 = tpu.vector_load %arg8[%get3A_578, %get3A_579] {strides = array<i32>} : memref<768x128xbf16, #tpu.memory_space<vmem>>, vector<32xbf16>,
        %add3A_581 = arith.constant 128 : i32
        %add3A_582 = arith.addi %add3A_575, %add3A_581 : i32
        %get3A_583 = arith.index_cast %add3A_582 : i32 to index
        %get3A_584 = arith.constant 0 : index
        %get3A_585 = tpu.vector_load %arg8[%get3A_583, %get3A_584] {strides = array<i32>} : memref<768x128xbf16, #tpu.memory_space<vmem>>, vector<32xbf16>,
        %add3A_586 = arith.constant 256 : i32
        %add3A_587 = arith.addi %add3A_575, %add3A_586 : i32
        %get3A_588 = arith.index_cast %add3A_587 : i32 to index
        %get3A_589 = arith.constant 0 : index
        %get3A_590 = tpu.vector_load %arg8[%get3A_588, %get3A_589] {strides = array<i32>} : memref<768x128xbf16, #tpu.memory_space<vmem>>, vector<32xbf16>,
        %sub3A_591 = arith.subf %get3A_590, %get3A_585 : vector<32xbf16>
        %add3A_592 = arith.addf %get3A_580, %get3A_580 : vector<32xbf16>
        %sub3A_593 = arith.subf %add3A_592, %get3A_585 : vector<32xbf16>
        %sub3A_594 = arith.subf %sub3A_593, %get3A_590 : vector<32xbf16>
        %mul3A_595 = arith.mulf %sub3A_591, %sub3A_594 : vector<32xbf16>
        %unpack3A_596 = tpu.unpack_subelements %mul3A_595, 0 {pack_format = #tpu.pack_format<interleaved>} : vector<32xbf16> -> vector<16xf32>
        %unpack3A_597 = tpu.unpack_subelements %mul3A_595, 1 {pack_format = #tpu.pack_format<interleaved>} : vector<32xbf16> -> vector<16xf32>
        %add3A_598 = arith.addf %unpack3A_596, %unpack3A_597 : vector<16xf32>
        %add3A_599 = arith.addf %broadcast_in_dim3A_577, %add3A_598 : vector<16xf32>
        %get3A_600 = arith.index_cast %add3A_575 : i32 to index
        %get3A_601 = arith.constant 32 : index
        %get3A_602 = tpu.vector_load %arg8[%get3A_600, %get3A_601] {strides = array<i32>} : memref<768x128xbf16, #tpu.memory_space<vmem>>, vector<32xbf16>,
        %add3A_603 = arith.constant 128 : i32
        %add3A_604 = arith.addi %add3A_575, %add3A_603 : i32
        %get3A_605 = arith.index_cast %add3A_604 : i32 to index
        %get3A_606 = arith.constant 32 : index
        %get3A_607 = tpu.vector_load %arg8[%get3A_605, %get3A_606] {strides = array<i32>} : memref<768x128xbf16, #tpu.memory_space<vmem>>, vector<32xbf16>,
        %add3A_608 = arith.constant 256 : i32
        %add3A_609 = arith.addi %add3A_575, %add3A_608 : i32
        %get3A_610 = arith.index_cast %add3A_609 : i32 to index
        %get3A_611 = arith.constant 32 : index
        %get3A_612 = tpu.vector_load %arg8[%get3A_610, %get3A_611] {strides = array<i32>} : memref<768x128xbf16, #tpu.memory_space<vmem>>, vector<32xbf16>,
        %sub3A_613 = arith.subf %get3A_612, %get3A_607 : vector<32xbf16>
        %add3A_614 = arith.addf %get3A_602, %get3A_602 : vector<32xbf16>
        %sub3A_615 = arith.subf %add3A_614, %get3A_607 : vector<32xbf16>
        %sub3A_616 = arith.subf %sub3A_615, %get3A_612 : vector<32xbf16>
        %mul3A_617 = arith.mulf %sub3A_613, %sub3A_616 : vector<32xbf16>
        %unpack3A_618 = tpu.unpack_subelements %mul3A_617, 0 {pack_format = #tpu.pack_format<interleaved>} : vector<32xbf16> -> vector<16xf32>
        %unpack3A_619 = tpu.unpack_subelements %mul3A_617, 1 {pack_format = #tpu.pack_format<interleaved>} : vector<32xbf16> -> vector<16xf32>
        %add3A_620 = arith.addf %unpack3A_618, %unpack3A_619 : vector<16xf32>
        %add3A_621 = arith.addf %add3A_599, %add3A_620 : vector<16xf32>
        %get3A_622 = arith.index_cast %add3A_575 : i32 to index
        %get3A_623 = arith.constant 64 : index
        %get3A_624 = tpu.vector_load %arg8[%get3A_622, %get3A_623] {strides = array<i32>} : memref<768x128xbf16, #tpu.memory_space<vmem>>, vector<32xbf16>,
        %add3A_625 = arith.constant 128 : i32
        %add3A_626 = arith.addi %add3A_575, %add3A_625 : i32
        %get3A_627 = arith.index_cast %add3A_626 : i32 to index
        %get3A_628 = arith.constant 64 : index
        %get3A_629 = tpu.vector_load %arg8[%get3A_627, %get3A_628] {strides = array<i32>} : memref<768x128xbf16, #tpu.memory_space<vmem>>, vector<32xbf16>,
        %add3A_630 = arith.constant 256 : i32
        %add3A_631 = arith.addi %add3A_575, %add3A_630 : i32
        %get3A_632 = arith.index_cast %add3A_631 : i32 to index
        %get3A_633 = arith.constant 64 : index
        %get3A_634 = tpu.vector_load %arg8[%get3A_632, %get3A_633] {strides = array<i32>} : memref<768x128xbf16, #tpu.memory_space<vmem>>, vector<32xbf16>,
        %sub3A_635 = arith.subf %get3A_634, %get3A_629 : vector<32xbf16>
        %add3A_636 = arith.addf %get3A_624, %get3A_624 : vector<32xbf16>
        %sub3A_637 = arith.subf %add3A_636, %get3A_629 : vector<32xbf16>
        %sub3A_638 = arith.subf %sub3A_637, %get3A_634 : vector<32xbf16>
        %mul3A_639 = arith.mulf %sub3A_635, %sub3A_638 : vector<32xbf16>
        %unpack3A_640 = tpu.unpack_subelements %mul3A_639, 0 {pack_format = #tpu.pack_format<interleaved>} : vector<32xbf16> -> vector<16xf32>
        %unpack3A_641 = tpu.unpack_subelements %mul3A_639, 1 {pack_format = #tpu.pack_format<interleaved>} : vector<32xbf16> -> vector<16xf32>
        %add3A_642 = arith.addf %unpack3A_640, %unpack3A_641 : vector<16xf32>
        %add3A_643 = arith.addf %add3A_621, %add3A_642 : vector<16xf32>
        %get3A_644 = arith.index_cast %add3A_575 : i32 to index
        %get3A_645 = arith.constant 96 : index
        %get3A_646 = tpu.vector_load %arg8[%get3A_644, %get3A_645] {strides = array<i32>} : memref<768x128xbf16, #tpu.memory_space<vmem>>, vector<32xbf16>,
        %add3A_647 = arith.constant 128 : i32
        %add3A_648 = arith.addi %add3A_575, %add3A_647 : i32
        %get3A_649 = arith.index_cast %add3A_648 : i32 to index
        %get3A_650 = arith.constant 96 : index
        %get3A_651 = tpu.vector_load %arg8[%get3A_649, %get3A_650] {strides = array<i32>} : memref<768x128xbf16, #tpu.memory_space<vmem>>, vector<32xbf16>,
        %add3A_652 = arith.constant 256 : i32
        %add3A_653 = arith.addi %add3A_575, %add3A_652 : i32
        %get3A_654 = arith.index_cast %add3A_653 : i32 to index
        %get3A_655 = arith.constant 96 : index
        %get3A_656 = tpu.vector_load %arg8[%get3A_654, %get3A_655] {strides = array<i32>} : memref<768x128xbf16, #tpu.memory_space<vmem>>, vector<32xbf16>,
        %sub3A_657 = arith.subf %get3A_656, %get3A_651 : vector<32xbf16>
        %add3A_658 = arith.addf %get3A_646, %get3A_646 : vector<32xbf16>
        %sub3A_659 = arith.subf %add3A_658, %get3A_651 : vector<32xbf16>
        %sub3A_660 = arith.subf %sub3A_659, %get3A_656 : vector<32xbf16>
        %mul3A_661 = arith.mulf %sub3A_657, %sub3A_660 : vector<32xbf16>
        %unpack3A_662 = tpu.unpack_subelements %mul3A_661, 0 {pack_format = #tpu.pack_format<interleaved>} : vector<32xbf16> -> vector<16xf32>
        %unpack3A_663 = tpu.unpack_subelements %mul3A_661, 1 {pack_format = #tpu.pack_format<interleaved>} : vector<32xbf16> -> vector<16xf32>
        %add3A_664 = arith.addf %unpack3A_662, %unpack3A_663 : vector<16xf32>
        %add3A_665 = arith.addf %add3A_643, %add3A_664 : vector<16xf32>
        %add3A_666 = arith.constant 5 : i32
        %add3A_667 = vector.broadcast %add3A_666 : i32 to vector<16xi32>
        %add3A_668 = arith.addi %mul3A_3, %add3A_667 : vector<16xi32>
        tpu.vector_store_idx %arg9[%add3A_668], %add3A_665 : memref<256xf32, #tpu.memory_space<vmem>>[vector<16xi32>], vector<16xf32>,
        %add3A_669 = arith.constant 6 : i32
        %add3A_670 = arith.addi %add3A_101, %add3A_669 : i32
        %broadcast_in_dim3A_671 = arith.constant 0.000000e+00 : f32
        %broadcast_in_dim3A_672 = vector.broadcast %broadcast_in_dim3A_671 : f32 to vector<16xf32>
        %get3A_673 = arith.index_cast %add3A_670 : i32 to index
        %get3A_674 = arith.constant 0 : index
        %get3A_675 = tpu.vector_load %arg8[%get3A_673, %get3A_674] {strides = array<i32>} : memref<768x128xbf16, #tpu.memory_space<vmem>>, vector<32xbf16>,
        %add3A_676 = arith.constant 128 : i32
        %add3A_677 = arith.addi %add3A_670, %add3A_676 : i32
        %get3A_678 = arith.index_cast %add3A_677 : i32 to index
        %get3A_679 = arith.constant 0 : index
        %get3A_680 = tpu.vector_load %arg8[%get3A_678, %get3A_679] {strides = array<i32>} : memref<768x128xbf16, #tpu.memory_space<vmem>>, vector<32xbf16>,
        %add3A_681 = arith.constant 256 : i32
        %add3A_682 = arith.addi %add3A_670, %add3A_681 : i32
        %get3A_683 = arith.index_cast %add3A_682 : i32 to index
        %get3A_684 = arith.constant 0 : index
        %get3A_685 = tpu.vector_load %arg8[%get3A_683, %get3A_684] {strides = array<i32>} : memref<768x128xbf16, #tpu.memory_space<vmem>>, vector<32xbf16>,
        %sub3A_686 = arith.subf %get3A_685, %get3A_680 : vector<32xbf16>
        %add3A_687 = arith.addf %get3A_675, %get3A_675 : vector<32xbf16>
        %sub3A_688 = arith.subf %add3A_687, %get3A_680 : vector<32xbf16>
        %sub3A_689 = arith.subf %sub3A_688, %get3A_685 : vector<32xbf16>
        %mul3A_690 = arith.mulf %sub3A_686, %sub3A_689 : vector<32xbf16>
        %unpack3A_691 = tpu.unpack_subelements %mul3A_690, 0 {pack_format = #tpu.pack_format<interleaved>} : vector<32xbf16> -> vector<16xf32>
        %unpack3A_692 = tpu.unpack_subelements %mul3A_690, 1 {pack_format = #tpu.pack_format<interleaved>} : vector<32xbf16> -> vector<16xf32>
        %add3A_693 = arith.addf %unpack3A_691, %unpack3A_692 : vector<16xf32>
        %add3A_694 = arith.addf %broadcast_in_dim3A_672, %add3A_693 : vector<16xf32>
        %get3A_695 = arith.index_cast %add3A_670 : i32 to index
        %get3A_696 = arith.constant 32 : index
        %get3A_697 = tpu.vector_load %arg8[%get3A_695, %get3A_696] {strides = array<i32>} : memref<768x128xbf16, #tpu.memory_space<vmem>>, vector<32xbf16>,
        %add3A_698 = arith.constant 128 : i32
        %add3A_699 = arith.addi %add3A_670, %add3A_698 : i32
        %get3A_700 = arith.index_cast %add3A_699 : i32 to index
        %get3A_701 = arith.constant 32 : index
        %get3A_702 = tpu.vector_load %arg8[%get3A_700, %get3A_701] {strides = array<i32>} : memref<768x128xbf16, #tpu.memory_space<vmem>>, vector<32xbf16>,
        %add3A_703 = arith.constant 256 : i32
        %add3A_704 = arith.addi %add3A_670, %add3A_703 : i32
        %get3A_705 = arith.index_cast %add3A_704 : i32 to index
        %get3A_706 = arith.constant 32 : index
        %get3A_707 = tpu.vector_load %arg8[%get3A_705, %get3A_706] {strides = array<i32>} : memref<768x128xbf16, #tpu.memory_space<vmem>>, vector<32xbf16>,
        %sub3A_708 = arith.subf %get3A_707, %get3A_702 : vector<32xbf16>
        %add3A_709 = arith.addf %get3A_697, %get3A_697 : vector<32xbf16>
        %sub3A_710 = arith.subf %add3A_709, %get3A_702 : vector<32xbf16>
        %sub3A_711 = arith.subf %sub3A_710, %get3A_707 : vector<32xbf16>
        %mul3A_712 = arith.mulf %sub3A_708, %sub3A_711 : vector<32xbf16>
        %unpack3A_713 = tpu.unpack_subelements %mul3A_712, 0 {pack_format = #tpu.pack_format<interleaved>} : vector<32xbf16> -> vector<16xf32>
        %unpack3A_714 = tpu.unpack_subelements %mul3A_712, 1 {pack_format = #tpu.pack_format<interleaved>} : vector<32xbf16> -> vector<16xf32>
        %add3A_715 = arith.addf %unpack3A_713, %unpack3A_714 : vector<16xf32>
        %add3A_716 = arith.addf %add3A_694, %add3A_715 : vector<16xf32>
        %get3A_717 = arith.index_cast %add3A_670 : i32 to index
        %get3A_718 = arith.constant 64 : index
        %get3A_719 = tpu.vector_load %arg8[%get3A_717, %get3A_718] {strides = array<i32>} : memref<768x128xbf16, #tpu.memory_space<vmem>>, vector<32xbf16>,
        %add3A_720 = arith.constant 128 : i32
        %add3A_721 = arith.addi %add3A_670, %add3A_720 : i32
        %get3A_722 = arith.index_cast %add3A_721 : i32 to index
        %get3A_723 = arith.constant 64 : index
        %get3A_724 = tpu.vector_load %arg8[%get3A_722, %get3A_723] {strides = array<i32>} : memref<768x128xbf16, #tpu.memory_space<vmem>>, vector<32xbf16>,
        %add3A_725 = arith.constant 256 : i32
        %add3A_726 = arith.addi %add3A_670, %add3A_725 : i32
        %get3A_727 = arith.index_cast %add3A_726 : i32 to index
        %get3A_728 = arith.constant 64 : index
        %get3A_729 = tpu.vector_load %arg8[%get3A_727, %get3A_728] {strides = array<i32>} : memref<768x128xbf16, #tpu.memory_space<vmem>>, vector<32xbf16>,
        %sub3A_730 = arith.subf %get3A_729, %get3A_724 : vector<32xbf16>
        %add3A_731 = arith.addf %get3A_719, %get3A_719 : vector<32xbf16>
        %sub3A_732 = arith.subf %add3A_731, %get3A_724 : vector<32xbf16>
        %sub3A_733 = arith.subf %sub3A_732, %get3A_729 : vector<32xbf16>
        %mul3A_734 = arith.mulf %sub3A_730, %sub3A_733 : vector<32xbf16>
        %unpack3A_735 = tpu.unpack_subelements %mul3A_734, 0 {pack_format = #tpu.pack_format<interleaved>} : vector<32xbf16> -> vector<16xf32>
        %unpack3A_736 = tpu.unpack_subelements %mul3A_734, 1 {pack_format = #tpu.pack_format<interleaved>} : vector<32xbf16> -> vector<16xf32>
        %add3A_737 = arith.addf %unpack3A_735, %unpack3A_736 : vector<16xf32>
        %add3A_738 = arith.addf %add3A_716, %add3A_737 : vector<16xf32>
        %get3A_739 = arith.index_cast %add3A_670 : i32 to index
        %get3A_740 = arith.constant 96 : index
        %get3A_741 = tpu.vector_load %arg8[%get3A_739, %get3A_740] {strides = array<i32>} : memref<768x128xbf16, #tpu.memory_space<vmem>>, vector<32xbf16>,
        %add3A_742 = arith.constant 128 : i32
        %add3A_743 = arith.addi %add3A_670, %add3A_742 : i32
        %get3A_744 = arith.index_cast %add3A_743 : i32 to index
        %get3A_745 = arith.constant 96 : index
        %get3A_746 = tpu.vector_load %arg8[%get3A_744, %get3A_745] {strides = array<i32>} : memref<768x128xbf16, #tpu.memory_space<vmem>>, vector<32xbf16>,
        %add3A_747 = arith.constant 256 : i32
        %add3A_748 = arith.addi %add3A_670, %add3A_747 : i32
        %get3A_749 = arith.index_cast %add3A_748 : i32 to index
        %get3A_750 = arith.constant 96 : index
        %get3A_751 = tpu.vector_load %arg8[%get3A_749, %get3A_750] {strides = array<i32>} : memref<768x128xbf16, #tpu.memory_space<vmem>>, vector<32xbf16>,
        %sub3A_752 = arith.subf %get3A_751, %get3A_746 : vector<32xbf16>
        %add3A_753 = arith.addf %get3A_741, %get3A_741 : vector<32xbf16>
        %sub3A_754 = arith.subf %add3A_753, %get3A_746 : vector<32xbf16>
        %sub3A_755 = arith.subf %sub3A_754, %get3A_751 : vector<32xbf16>
        %mul3A_756 = arith.mulf %sub3A_752, %sub3A_755 : vector<32xbf16>
        %unpack3A_757 = tpu.unpack_subelements %mul3A_756, 0 {pack_format = #tpu.pack_format<interleaved>} : vector<32xbf16> -> vector<16xf32>
        %unpack3A_758 = tpu.unpack_subelements %mul3A_756, 1 {pack_format = #tpu.pack_format<interleaved>} : vector<32xbf16> -> vector<16xf32>
        %add3A_759 = arith.addf %unpack3A_757, %unpack3A_758 : vector<16xf32>
        %add3A_760 = arith.addf %add3A_738, %add3A_759 : vector<16xf32>
        %add3A_761 = arith.constant 6 : i32
        %add3A_762 = vector.broadcast %add3A_761 : i32 to vector<16xi32>
        %add3A_763 = arith.addi %mul3A_3, %add3A_762 : vector<16xi32>
        tpu.vector_store_idx %arg9[%add3A_763], %add3A_760 : memref<256xf32, #tpu.memory_space<vmem>>[vector<16xi32>], vector<16xf32>,
        %add3A_764 = arith.constant 7 : i32
        %add3A_765 = arith.addi %add3A_101, %add3A_764 : i32
        %broadcast_in_dim3A_766 = arith.constant 0.000000e+00 : f32
        %broadcast_in_dim3A_767 = vector.broadcast %broadcast_in_dim3A_766 : f32 to vector<16xf32>
        %get3A_768 = arith.index_cast %add3A_765 : i32 to index
        %get3A_769 = arith.constant 0 : index
        %get3A_770 = tpu.vector_load %arg8[%get3A_768, %get3A_769] {strides = array<i32>} : memref<768x128xbf16, #tpu.memory_space<vmem>>, vector<32xbf16>,
        %add3A_771 = arith.constant 128 : i32
        %add3A_772 = arith.addi %add3A_765, %add3A_771 : i32
        %get3A_773 = arith.index_cast %add3A_772 : i32 to index
        %get3A_774 = arith.constant 0 : index
        %get3A_775 = tpu.vector_load %arg8[%get3A_773, %get3A_774] {strides = array<i32>} : memref<768x128xbf16, #tpu.memory_space<vmem>>, vector<32xbf16>,
        %add3A_776 = arith.constant 256 : i32
        %add3A_777 = arith.addi %add3A_765, %add3A_776 : i32
        %get3A_778 = arith.index_cast %add3A_777 : i32 to index
        %get3A_779 = arith.constant 0 : index
        %get3A_780 = tpu.vector_load %arg8[%get3A_778, %get3A_779] {strides = array<i32>} : memref<768x128xbf16, #tpu.memory_space<vmem>>, vector<32xbf16>,
        %sub3A_781 = arith.subf %get3A_780, %get3A_775 : vector<32xbf16>
        %add3A_782 = arith.addf %get3A_770, %get3A_770 : vector<32xbf16>
        %sub3A_783 = arith.subf %add3A_782, %get3A_775 : vector<32xbf16>
        %sub3A_784 = arith.subf %sub3A_783, %get3A_780 : vector<32xbf16>
        %mul3A_785 = arith.mulf %sub3A_781, %sub3A_784 : vector<32xbf16>
        %unpack3A_786 = tpu.unpack_subelements %mul3A_785, 0 {pack_format = #tpu.pack_format<interleaved>} : vector<32xbf16> -> vector<16xf32>
        %unpack3A_787 = tpu.unpack_subelements %mul3A_785, 1 {pack_format = #tpu.pack_format<interleaved>} : vector<32xbf16> -> vector<16xf32>
        %add3A_788 = arith.addf %unpack3A_786, %unpack3A_787 : vector<16xf32>
        %add3A_789 = arith.addf %broadcast_in_dim3A_767, %add3A_788 : vector<16xf32>
        %get3A_790 = arith.index_cast %add3A_765 : i32 to index
        %get3A_791 = arith.constant 32 : index
        %get3A_792 = tpu.vector_load %arg8[%get3A_790, %get3A_791] {strides = array<i32>} : memref<768x128xbf16, #tpu.memory_space<vmem>>, vector<32xbf16>,
        %add3A_793 = arith.constant 128 : i32
        %add3A_794 = arith.addi %add3A_765, %add3A_793 : i32
        %get3A_795 = arith.index_cast %add3A_794 : i32 to index
        %get3A_796 = arith.constant 32 : index
        %get3A_797 = tpu.vector_load %arg8[%get3A_795, %get3A_796] {strides = array<i32>} : memref<768x128xbf16, #tpu.memory_space<vmem>>, vector<32xbf16>,
        %add3A_798 = arith.constant 256 : i32
        %add3A_799 = arith.addi %add3A_765, %add3A_798 : i32
        %get3A_800 = arith.index_cast %add3A_799 : i32 to index
        %get3A_801 = arith.constant 32 : index
        %get3A_802 = tpu.vector_load %arg8[%get3A_800, %get3A_801] {strides = array<i32>} : memref<768x128xbf16, #tpu.memory_space<vmem>>, vector<32xbf16>,
        %sub3A_803 = arith.subf %get3A_802, %get3A_797 : vector<32xbf16>
        %add3A_804 = arith.addf %get3A_792, %get3A_792 : vector<32xbf16>
        %sub3A_805 = arith.subf %add3A_804, %get3A_797 : vector<32xbf16>
        %sub3A_806 = arith.subf %sub3A_805, %get3A_802 : vector<32xbf16>
        %mul3A_807 = arith.mulf %sub3A_803, %sub3A_806 : vector<32xbf16>
        %unpack3A_808 = tpu.unpack_subelements %mul3A_807, 0 {pack_format = #tpu.pack_format<interleaved>} : vector<32xbf16> -> vector<16xf32>
        %unpack3A_809 = tpu.unpack_subelements %mul3A_807, 1 {pack_format = #tpu.pack_format<interleaved>} : vector<32xbf16> -> vector<16xf32>
        %add3A_810 = arith.addf %unpack3A_808, %unpack3A_809 : vector<16xf32>
        %add3A_811 = arith.addf %add3A_789, %add3A_810 : vector<16xf32>
        %get3A_812 = arith.index_cast %add3A_765 : i32 to index
        %get3A_813 = arith.constant 64 : index
        %get3A_814 = tpu.vector_load %arg8[%get3A_812, %get3A_813] {strides = array<i32>} : memref<768x128xbf16, #tpu.memory_space<vmem>>, vector<32xbf16>,
        %add3A_815 = arith.constant 128 : i32
        %add3A_816 = arith.addi %add3A_765, %add3A_815 : i32
        %get3A_817 = arith.index_cast %add3A_816 : i32 to index
        %get3A_818 = arith.constant 64 : index
        %get3A_819 = tpu.vector_load %arg8[%get3A_817, %get3A_818] {strides = array<i32>} : memref<768x128xbf16, #tpu.memory_space<vmem>>, vector<32xbf16>,
        %add3A_820 = arith.constant 256 : i32
        %add3A_821 = arith.addi %add3A_765, %add3A_820 : i32
        %get3A_822 = arith.index_cast %add3A_821 : i32 to index
        %get3A_823 = arith.constant 64 : index
        %get3A_824 = tpu.vector_load %arg8[%get3A_822, %get3A_823] {strides = array<i32>} : memref<768x128xbf16, #tpu.memory_space<vmem>>, vector<32xbf16>,
        %sub3A_825 = arith.subf %get3A_824, %get3A_819 : vector<32xbf16>
        %add3A_826 = arith.addf %get3A_814, %get3A_814 : vector<32xbf16>
        %sub3A_827 = arith.subf %add3A_826, %get3A_819 : vector<32xbf16>
        %sub3A_828 = arith.subf %sub3A_827, %get3A_824 : vector<32xbf16>
        %mul3A_829 = arith.mulf %sub3A_825, %sub3A_828 : vector<32xbf16>
        %unpack3A_830 = tpu.unpack_subelements %mul3A_829, 0 {pack_format = #tpu.pack_format<interleaved>} : vector<32xbf16> -> vector<16xf32>
        %unpack3A_831 = tpu.unpack_subelements %mul3A_829, 1 {pack_format = #tpu.pack_format<interleaved>} : vector<32xbf16> -> vector<16xf32>
        %add3A_832 = arith.addf %unpack3A_830, %unpack3A_831 : vector<16xf32>
        %add3A_833 = arith.addf %add3A_811, %add3A_832 : vector<16xf32>
        %get3A_834 = arith.index_cast %add3A_765 : i32 to index
        %get3A_835 = arith.constant 96 : index
        %get3A_836 = tpu.vector_load %arg8[%get3A_834, %get3A_835] {strides = array<i32>} : memref<768x128xbf16, #tpu.memory_space<vmem>>, vector<32xbf16>,
        %add3A_837 = arith.constant 128 : i32
        %add3A_838 = arith.addi %add3A_765, %add3A_837 : i32
        %get3A_839 = arith.index_cast %add3A_838 : i32 to index
        %get3A_840 = arith.constant 96 : index
        %get3A_841 = tpu.vector_load %arg8[%get3A_839, %get3A_840] {strides = array<i32>} : memref<768x128xbf16, #tpu.memory_space<vmem>>, vector<32xbf16>,
        %add3A_842 = arith.constant 256 : i32
        %add3A_843 = arith.addi %add3A_765, %add3A_842 : i32
        %get3A_844 = arith.index_cast %add3A_843 : i32 to index
        %get3A_845 = arith.constant 96 : index
        %get3A_846 = tpu.vector_load %arg8[%get3A_844, %get3A_845] {strides = array<i32>} : memref<768x128xbf16, #tpu.memory_space<vmem>>, vector<32xbf16>,
        %sub3A_847 = arith.subf %get3A_846, %get3A_841 : vector<32xbf16>
        %add3A_848 = arith.addf %get3A_836, %get3A_836 : vector<32xbf16>
        %sub3A_849 = arith.subf %add3A_848, %get3A_841 : vector<32xbf16>
        %sub3A_850 = arith.subf %sub3A_849, %get3A_846 : vector<32xbf16>
        %mul3A_851 = arith.mulf %sub3A_847, %sub3A_850 : vector<32xbf16>
        %unpack3A_852 = tpu.unpack_subelements %mul3A_851, 0 {pack_format = #tpu.pack_format<interleaved>} : vector<32xbf16> -> vector<16xf32>
        %unpack3A_853 = tpu.unpack_subelements %mul3A_851, 1 {pack_format = #tpu.pack_format<interleaved>} : vector<32xbf16> -> vector<16xf32>
        %add3A_854 = arith.addf %unpack3A_852, %unpack3A_853 : vector<16xf32>
        %add3A_855 = arith.addf %add3A_833, %add3A_854 : vector<16xf32>
        %add3A_856 = arith.constant 7 : i32
        %add3A_857 = vector.broadcast %add3A_856 : i32 to vector<16xi32>
        %add3A_858 = arith.addi %mul3A_3, %add3A_857 : vector<16xi32>
        tpu.vector_store_idx %arg9[%add3A_858], %add3A_855 : memref<256xf32, #tpu.memory_space<vmem>>[vector<16xi32>], vector<16xf32>,
        %add3A_859 = arith.constant 8 : i32
        %add3A_860 = arith.addi %add3A_101, %add3A_859 : i32
        %broadcast_in_dim3A_861 = arith.constant 0.000000e+00 : f32
        %broadcast_in_dim3A_862 = vector.broadcast %broadcast_in_dim3A_861 : f32 to vector<16xf32>
        %get3A_863 = arith.index_cast %add3A_860 : i32 to index
        %get3A_864 = arith.constant 0 : index
        %get3A_865 = tpu.vector_load %arg8[%get3A_863, %get3A_864] {strides = array<i32>} : memref<768x128xbf16, #tpu.memory_space<vmem>>, vector<32xbf16>,
        %add3A_866 = arith.constant 128 : i32
        %add3A_867 = arith.addi %add3A_860, %add3A_866 : i32
        %get3A_868 = arith.index_cast %add3A_867 : i32 to index
        %get3A_869 = arith.constant 0 : index
        %get3A_870 = tpu.vector_load %arg8[%get3A_868, %get3A_869] {strides = array<i32>} : memref<768x128xbf16, #tpu.memory_space<vmem>>, vector<32xbf16>,
        %add3A_871 = arith.constant 256 : i32
        %add3A_872 = arith.addi %add3A_860, %add3A_871 : i32
        %get3A_873 = arith.index_cast %add3A_872 : i32 to index
        %get3A_874 = arith.constant 0 : index
        %get3A_875 = tpu.vector_load %arg8[%get3A_873, %get3A_874] {strides = array<i32>} : memref<768x128xbf16, #tpu.memory_space<vmem>>, vector<32xbf16>,
        %sub3A_876 = arith.subf %get3A_875, %get3A_870 : vector<32xbf16>
        %add3A_877 = arith.addf %get3A_865, %get3A_865 : vector<32xbf16>
        %sub3A_878 = arith.subf %add3A_877, %get3A_870 : vector<32xbf16>
        %sub3A_879 = arith.subf %sub3A_878, %get3A_875 : vector<32xbf16>
        %mul3A_880 = arith.mulf %sub3A_876, %sub3A_879 : vector<32xbf16>
        %unpack3A_881 = tpu.unpack_subelements %mul3A_880, 0 {pack_format = #tpu.pack_format<interleaved>} : vector<32xbf16> -> vector<16xf32>
        %unpack3A_882 = tpu.unpack_subelements %mul3A_880, 1 {pack_format = #tpu.pack_format<interleaved>} : vector<32xbf16> -> vector<16xf32>
        %add3A_883 = arith.addf %unpack3A_881, %unpack3A_882 : vector<16xf32>
        %add3A_884 = arith.addf %broadcast_in_dim3A_862, %add3A_883 : vector<16xf32>
        %get3A_885 = arith.index_cast %add3A_860 : i32 to index
        %get3A_886 = arith.constant 32 : index
        %get3A_887 = tpu.vector_load %arg8[%get3A_885, %get3A_886] {strides = array<i32>} : memref<768x128xbf16, #tpu.memory_space<vmem>>, vector<32xbf16>,
        %add3A_888 = arith.constant 128 : i32
        %add3A_889 = arith.addi %add3A_860, %add3A_888 : i32
        %get3A_890 = arith.index_cast %add3A_889 : i32 to index
        %get3A_891 = arith.constant 32 : index
        %get3A_892 = tpu.vector_load %arg8[%get3A_890, %get3A_891] {strides = array<i32>} : memref<768x128xbf16, #tpu.memory_space<vmem>>, vector<32xbf16>,
        %add3A_893 = arith.constant 256 : i32
        %add3A_894 = arith.addi %add3A_860, %add3A_893 : i32
        %get3A_895 = arith.index_cast %add3A_894 : i32 to index
        %get3A_896 = arith.constant 32 : index
        %get3A_897 = tpu.vector_load %arg8[%get3A_895, %get3A_896] {strides = array<i32>} : memref<768x128xbf16, #tpu.memory_space<vmem>>, vector<32xbf16>,
        %sub3A_898 = arith.subf %get3A_897, %get3A_892 : vector<32xbf16>
        %add3A_899 = arith.addf %get3A_887, %get3A_887 : vector<32xbf16>
        %sub3A_900 = arith.subf %add3A_899, %get3A_892 : vector<32xbf16>
        %sub3A_901 = arith.subf %sub3A_900, %get3A_897 : vector<32xbf16>
        %mul3A_902 = arith.mulf %sub3A_898, %sub3A_901 : vector<32xbf16>
        %unpack3A_903 = tpu.unpack_subelements %mul3A_902, 0 {pack_format = #tpu.pack_format<interleaved>} : vector<32xbf16> -> vector<16xf32>
        %unpack3A_904 = tpu.unpack_subelements %mul3A_902, 1 {pack_format = #tpu.pack_format<interleaved>} : vector<32xbf16> -> vector<16xf32>
        %add3A_905 = arith.addf %unpack3A_903, %unpack3A_904 : vector<16xf32>
        %add3A_906 = arith.addf %add3A_884, %add3A_905 : vector<16xf32>
        %get3A_907 = arith.index_cast %add3A_860 : i32 to index
        %get3A_908 = arith.constant 64 : index
        %get3A_909 = tpu.vector_load %arg8[%get3A_907, %get3A_908] {strides = array<i32>} : memref<768x128xbf16, #tpu.memory_space<vmem>>, vector<32xbf16>,
        %add3A_910 = arith.constant 128 : i32
        %add3A_911 = arith.addi %add3A_860, %add3A_910 : i32
        %get3A_912 = arith.index_cast %add3A_911 : i32 to index
        %get3A_913 = arith.constant 64 : index
        %get3A_914 = tpu.vector_load %arg8[%get3A_912, %get3A_913] {strides = array<i32>} : memref<768x128xbf16, #tpu.memory_space<vmem>>, vector<32xbf16>,
        %add3A_915 = arith.constant 256 : i32
        %add3A_916 = arith.addi %add3A_860, %add3A_915 : i32
        %get3A_917 = arith.index_cast %add3A_916 : i32 to index
        %get3A_918 = arith.constant 64 : index
        %get3A_919 = tpu.vector_load %arg8[%get3A_917, %get3A_918] {strides = array<i32>} : memref<768x128xbf16, #tpu.memory_space<vmem>>, vector<32xbf16>,
        %sub3A_920 = arith.subf %get3A_919, %get3A_914 : vector<32xbf16>
        %add3A_921 = arith.addf %get3A_909, %get3A_909 : vector<32xbf16>
        %sub3A_922 = arith.subf %add3A_921, %get3A_914 : vector<32xbf16>
        %sub3A_923 = arith.subf %sub3A_922, %get3A_919 : vector<32xbf16>
        %mul3A_924 = arith.mulf %sub3A_920, %sub3A_923 : vector<32xbf16>
        %unpack3A_925 = tpu.unpack_subelements %mul3A_924, 0 {pack_format = #tpu.pack_format<interleaved>} : vector<32xbf16> -> vector<16xf32>
        %unpack3A_926 = tpu.unpack_subelements %mul3A_924, 1 {pack_format = #tpu.pack_format<interleaved>} : vector<32xbf16> -> vector<16xf32>
        %add3A_927 = arith.addf %unpack3A_925, %unpack3A_926 : vector<16xf32>
        %add3A_928 = arith.addf %add3A_906, %add3A_927 : vector<16xf32>
        %get3A_929 = arith.index_cast %add3A_860 : i32 to index
        %get3A_930 = arith.constant 96 : index
        %get3A_931 = tpu.vector_load %arg8[%get3A_929, %get3A_930] {strides = array<i32>} : memref<768x128xbf16, #tpu.memory_space<vmem>>, vector<32xbf16>,
        %add3A_932 = arith.constant 128 : i32
        %add3A_933 = arith.addi %add3A_860, %add3A_932 : i32
        %get3A_934 = arith.index_cast %add3A_933 : i32 to index
        %get3A_935 = arith.constant 96 : index
        %get3A_936 = tpu.vector_load %arg8[%get3A_934, %get3A_935] {strides = array<i32>} : memref<768x128xbf16, #tpu.memory_space<vmem>>, vector<32xbf16>,
        %add3A_937 = arith.constant 256 : i32
        %add3A_938 = arith.addi %add3A_860, %add3A_937 : i32
        %get3A_939 = arith.index_cast %add3A_938 : i32 to index
        %get3A_940 = arith.constant 96 : index
        %get3A_941 = tpu.vector_load %arg8[%get3A_939, %get3A_940] {strides = array<i32>} : memref<768x128xbf16, #tpu.memory_space<vmem>>, vector<32xbf16>,
        %sub3A_942 = arith.subf %get3A_941, %get3A_936 : vector<32xbf16>
        %add3A_943 = arith.addf %get3A_931, %get3A_931 : vector<32xbf16>
        %sub3A_944 = arith.subf %add3A_943, %get3A_936 : vector<32xbf16>
        %sub3A_945 = arith.subf %sub3A_944, %get3A_941 : vector<32xbf16>
        %mul3A_946 = arith.mulf %sub3A_942, %sub3A_945 : vector<32xbf16>
        %unpack3A_947 = tpu.unpack_subelements %mul3A_946, 0 {pack_format = #tpu.pack_format<interleaved>} : vector<32xbf16> -> vector<16xf32>
        %unpack3A_948 = tpu.unpack_subelements %mul3A_946, 1 {pack_format = #tpu.pack_format<interleaved>} : vector<32xbf16> -> vector<16xf32>
        %add3A_949 = arith.addf %unpack3A_947, %unpack3A_948 : vector<16xf32>
        %add3A_950 = arith.addf %add3A_928, %add3A_949 : vector<16xf32>
        %add3A_951 = arith.constant 8 : i32
        %add3A_952 = vector.broadcast %add3A_951 : i32 to vector<16xi32>
        %add3A_953 = arith.addi %mul3A_3, %add3A_952 : vector<16xi32>
        tpu.vector_store_idx %arg9[%add3A_953], %add3A_950 : memref<256xf32, #tpu.memory_space<vmem>>[vector<16xi32>], vector<16xf32>,
        %add3A_954 = arith.constant 9 : i32
        %add3A_955 = arith.addi %add3A_101, %add3A_954 : i32
        %broadcast_in_dim3A_956 = arith.constant 0.000000e+00 : f32
        %broadcast_in_dim3A_957 = vector.broadcast %broadcast_in_dim3A_956 : f32 to vector<16xf32>
        %get3A_958 = arith.index_cast %add3A_955 : i32 to index
        %get3A_959 = arith.constant 0 : index
        %get3A_960 = tpu.vector_load %arg8[%get3A_958, %get3A_959] {strides = array<i32>} : memref<768x128xbf16, #tpu.memory_space<vmem>>, vector<32xbf16>,
        %add3A_961 = arith.constant 128 : i32
        %add3A_962 = arith.addi %add3A_955, %add3A_961 : i32
        %get3A_963 = arith.index_cast %add3A_962 : i32 to index
        %get3A_964 = arith.constant 0 : index
        %get3A_965 = tpu.vector_load %arg8[%get3A_963, %get3A_964] {strides = array<i32>} : memref<768x128xbf16, #tpu.memory_space<vmem>>, vector<32xbf16>,
        %add3A_966 = arith.constant 256 : i32
        %add3A_967 = arith.addi %add3A_955, %add3A_966 : i32
        %get3A_968 = arith.index_cast %add3A_967 : i32 to index
        %get3A_969 = arith.constant 0 : index
        %get3A_970 = tpu.vector_load %arg8[%get3A_968, %get3A_969] {strides = array<i32>} : memref<768x128xbf16, #tpu.memory_space<vmem>>, vector<32xbf16>,
        %sub3A_971 = arith.subf %get3A_970, %get3A_965 : vector<32xbf16>
        %add3A_972 = arith.addf %get3A_960, %get3A_960 : vector<32xbf16>
        %sub3A_973 = arith.subf %add3A_972, %get3A_965 : vector<32xbf16>
        %sub3A_974 = arith.subf %sub3A_973, %get3A_970 : vector<32xbf16>
        %mul3A_975 = arith.mulf %sub3A_971, %sub3A_974 : vector<32xbf16>
        %unpack3A_976 = tpu.unpack_subelements %mul3A_975, 0 {pack_format = #tpu.pack_format<interleaved>} : vector<32xbf16> -> vector<16xf32>
        %unpack3A_977 = tpu.unpack_subelements %mul3A_975, 1 {pack_format = #tpu.pack_format<interleaved>} : vector<32xbf16> -> vector<16xf32>
        %add3A_978 = arith.addf %unpack3A_976, %unpack3A_977 : vector<16xf32>
        %add3A_979 = arith.addf %broadcast_in_dim3A_957, %add3A_978 : vector<16xf32>
        %get3A_980 = arith.index_cast %add3A_955 : i32 to index
        %get3A_981 = arith.constant 32 : index
        %get3A_982 = tpu.vector_load %arg8[%get3A_980, %get3A_981] {strides = array<i32>} : memref<768x128xbf16, #tpu.memory_space<vmem>>, vector<32xbf16>,
        %add3A_983 = arith.constant 128 : i32
        %add3A_984 = arith.addi %add3A_955, %add3A_983 : i32
        %get3A_985 = arith.index_cast %add3A_984 : i32 to index
        %get3A_986 = arith.constant 32 : index
        %get3A_987 = tpu.vector_load %arg8[%get3A_985, %get3A_986] {strides = array<i32>} : memref<768x128xbf16, #tpu.memory_space<vmem>>, vector<32xbf16>,
        %add3A_988 = arith.constant 256 : i32
        %add3A_989 = arith.addi %add3A_955, %add3A_988 : i32
        %get3A_990 = arith.index_cast %add3A_989 : i32 to index
        %get3A_991 = arith.constant 32 : index
        %get3A_992 = tpu.vector_load %arg8[%get3A_990, %get3A_991] {strides = array<i32>} : memref<768x128xbf16, #tpu.memory_space<vmem>>, vector<32xbf16>,
        %sub3A_993 = arith.subf %get3A_992, %get3A_987 : vector<32xbf16>
        %add3A_994 = arith.addf %get3A_982, %get3A_982 : vector<32xbf16>
        %sub3A_995 = arith.subf %add3A_994, %get3A_987 : vector<32xbf16>
        %sub3A_996 = arith.subf %sub3A_995, %get3A_992 : vector<32xbf16>
        %mul3A_997 = arith.mulf %sub3A_993, %sub3A_996 : vector<32xbf16>
        %unpack3A_998 = tpu.unpack_subelements %mul3A_997, 0 {pack_format = #tpu.pack_format<interleaved>} : vector<32xbf16> -> vector<16xf32>
        %unpack3A_999 = tpu.unpack_subelements %mul3A_997, 1 {pack_format = #tpu.pack_format<interleaved>} : vector<32xbf16> -> vector<16xf32>
        %add3A_1000 = arith.addf %unpack3A_998, %unpack3A_999 : vector<16xf32>
        %add3A_1001 = arith.addf %add3A_979, %add3A_1000 : vector<16xf32>
        %get3A_1002 = arith.index_cast %add3A_955 : i32 to index
        %get3A_1003 = arith.constant 64 : index
        %get3A_1004 = tpu.vector_load %arg8[%get3A_1002, %get3A_1003] {strides = array<i32>} : memref<768x128xbf16, #tpu.memory_space<vmem>>, vector<32xbf16>,
        %add3A_1005 = arith.constant 128 : i32
        %add3A_1006 = arith.addi %add3A_955, %add3A_1005 : i32
        %get3A_1007 = arith.index_cast %add3A_1006 : i32 to index
        %get3A_1008 = arith.constant 64 : index
        %get3A_1009 = tpu.vector_load %arg8[%get3A_1007, %get3A_1008] {strides = array<i32>} : memref<768x128xbf16, #tpu.memory_space<vmem>>, vector<32xbf16>,
        %add3A_1010 = arith.constant 256 : i32
        %add3A_1011 = arith.addi %add3A_955, %add3A_1010 : i32
        %get3A_1012 = arith.index_cast %add3A_1011 : i32 to index
        %get3A_1013 = arith.constant 64 : index
        %get3A_1014 = tpu.vector_load %arg8[%get3A_1012, %get3A_1013] {strides = array<i32>} : memref<768x128xbf16, #tpu.memory_space<vmem>>, vector<32xbf16>,
        %sub3A_1015 = arith.subf %get3A_1014, %get3A_1009 : vector<32xbf16>
        %add3A_1016 = arith.addf %get3A_1004, %get3A_1004 : vector<32xbf16>
        %sub3A_1017 = arith.subf %add3A_1016, %get3A_1009 : vector<32xbf16>
        %sub3A_1018 = arith.subf %sub3A_1017, %get3A_1014 : vector<32xbf16>
        %mul3A_1019 = arith.mulf %sub3A_1015, %sub3A_1018 : vector<32xbf16>
        %unpack3A_1020 = tpu.unpack_subelements %mul3A_1019, 0 {pack_format = #tpu.pack_format<interleaved>} : vector<32xbf16> -> vector<16xf32>
        %unpack3A_1021 = tpu.unpack_subelements %mul3A_1019, 1 {pack_format = #tpu.pack_format<interleaved>} : vector<32xbf16> -> vector<16xf32>
        %add3A_1022 = arith.addf %unpack3A_1020, %unpack3A_1021 : vector<16xf32>
        %add3A_1023 = arith.addf %add3A_1001, %add3A_1022 : vector<16xf32>
        %get3A_1024 = arith.index_cast %add3A_955 : i32 to index
        %get3A_1025 = arith.constant 96 : index
        %get3A_1026 = tpu.vector_load %arg8[%get3A_1024, %get3A_1025] {strides = array<i32>} : memref<768x128xbf16, #tpu.memory_space<vmem>>, vector<32xbf16>,
        %add3A_1027 = arith.constant 128 : i32
        %add3A_1028 = arith.addi %add3A_955, %add3A_1027 : i32
        %get3A_1029 = arith.index_cast %add3A_1028 : i32 to index
        %get3A_1030 = arith.constant 96 : index
        %get3A_1031 = tpu.vector_load %arg8[%get3A_1029, %get3A_1030] {strides = array<i32>} : memref<768x128xbf16, #tpu.memory_space<vmem>>, vector<32xbf16>,
        %add3A_1032 = arith.constant 256 : i32
        %add3A_1033 = arith.addi %add3A_955, %add3A_1032 : i32
        %get3A_1034 = arith.index_cast %add3A_1033 : i32 to index
        %get3A_1035 = arith.constant 96 : index
        %get3A_1036 = tpu.vector_load %arg8[%get3A_1034, %get3A_1035] {strides = array<i32>} : memref<768x128xbf16, #tpu.memory_space<vmem>>, vector<32xbf16>,
        %sub3A_1037 = arith.subf %get3A_1036, %get3A_1031 : vector<32xbf16>
        %add3A_1038 = arith.addf %get3A_1026, %get3A_1026 : vector<32xbf16>
        %sub3A_1039 = arith.subf %add3A_1038, %get3A_1031 : vector<32xbf16>
        %sub3A_1040 = arith.subf %sub3A_1039, %get3A_1036 : vector<32xbf16>
        %mul3A_1041 = arith.mulf %sub3A_1037, %sub3A_1040 : vector<32xbf16>
        %unpack3A_1042 = tpu.unpack_subelements %mul3A_1041, 0 {pack_format = #tpu.pack_format<interleaved>} : vector<32xbf16> -> vector<16xf32>
        %unpack3A_1043 = tpu.unpack_subelements %mul3A_1041, 1 {pack_format = #tpu.pack_format<interleaved>} : vector<32xbf16> -> vector<16xf32>
        %add3A_1044 = arith.addf %unpack3A_1042, %unpack3A_1043 : vector<16xf32>
        %add3A_1045 = arith.addf %add3A_1023, %add3A_1044 : vector<16xf32>
        %add3A_1046 = arith.constant 9 : i32
        %add3A_1047 = vector.broadcast %add3A_1046 : i32 to vector<16xi32>
        %add3A_1048 = arith.addi %mul3A_3, %add3A_1047 : vector<16xi32>
        tpu.vector_store_idx %arg9[%add3A_1048], %add3A_1045 : memref<256xf32, #tpu.memory_space<vmem>>[vector<16xi32>], vector<16xf32>,
        %add3A_1049 = arith.constant 10 : i32
        %add3A_1050 = arith.addi %add3A_101, %add3A_1049 : i32
        %broadcast_in_dim3A_1051 = arith.constant 0.000000e+00 : f32
        %broadcast_in_dim3A_1052 = vector.broadcast %broadcast_in_dim3A_1051 : f32 to vector<16xf32>
        %get3A_1053 = arith.index_cast %add3A_1050 : i32 to index
        %get3A_1054 = arith.constant 0 : index
        %get3A_1055 = tpu.vector_load %arg8[%get3A_1053, %get3A_1054] {strides = array<i32>} : memref<768x128xbf16, #tpu.memory_space<vmem>>, vector<32xbf16>,
        %add3A_1056 = arith.constant 128 : i32
        %add3A_1057 = arith.addi %add3A_1050, %add3A_1056 : i32
        %get3A_1058 = arith.index_cast %add3A_1057 : i32 to index
        %get3A_1059 = arith.constant 0 : index
        %get3A_1060 = tpu.vector_load %arg8[%get3A_1058, %get3A_1059] {strides = array<i32>} : memref<768x128xbf16, #tpu.memory_space<vmem>>, vector<32xbf16>,
        %add3A_1061 = arith.constant 256 : i32
        %add3A_1062 = arith.addi %add3A_1050, %add3A_1061 : i32
        %get3A_1063 = arith.index_cast %add3A_1062 : i32 to index
        %get3A_1064 = arith.constant 0 : index
        %get3A_1065 = tpu.vector_load %arg8[%get3A_1063, %get3A_1064] {strides = array<i32>} : memref<768x128xbf16, #tpu.memory_space<vmem>>, vector<32xbf16>,
        %sub3A_1066 = arith.subf %get3A_1065, %get3A_1060 : vector<32xbf16>
        %add3A_1067 = arith.addf %get3A_1055, %get3A_1055 : vector<32xbf16>
        %sub3A_1068 = arith.subf %add3A_1067, %get3A_1060 : vector<32xbf16>
        %sub3A_1069 = arith.subf %sub3A_1068, %get3A_1065 : vector<32xbf16>
        %mul3A_1070 = arith.mulf %sub3A_1066, %sub3A_1069 : vector<32xbf16>
        %unpack3A_1071 = tpu.unpack_subelements %mul3A_1070, 0 {pack_format = #tpu.pack_format<interleaved>} : vector<32xbf16> -> vector<16xf32>
        %unpack3A_1072 = tpu.unpack_subelements %mul3A_1070, 1 {pack_format = #tpu.pack_format<interleaved>} : vector<32xbf16> -> vector<16xf32>
        %add3A_1073 = arith.addf %unpack3A_1071, %unpack3A_1072 : vector<16xf32>
        %add3A_1074 = arith.addf %broadcast_in_dim3A_1052, %add3A_1073 : vector<16xf32>
        %get3A_1075 = arith.index_cast %add3A_1050 : i32 to index
        %get3A_1076 = arith.constant 32 : index
        %get3A_1077 = tpu.vector_load %arg8[%get3A_1075, %get3A_1076] {strides = array<i32>} : memref<768x128xbf16, #tpu.memory_space<vmem>>, vector<32xbf16>,
        %add3A_1078 = arith.constant 128 : i32
        %add3A_1079 = arith.addi %add3A_1050, %add3A_1078 : i32
        %get3A_1080 = arith.index_cast %add3A_1079 : i32 to index
        %get3A_1081 = arith.constant 32 : index
        %get3A_1082 = tpu.vector_load %arg8[%get3A_1080, %get3A_1081] {strides = array<i32>} : memref<768x128xbf16, #tpu.memory_space<vmem>>, vector<32xbf16>,
        %add3A_1083 = arith.constant 256 : i32
        %add3A_1084 = arith.addi %add3A_1050, %add3A_1083 : i32
        %get3A_1085 = arith.index_cast %add3A_1084 : i32 to index
        %get3A_1086 = arith.constant 32 : index
        %get3A_1087 = tpu.vector_load %arg8[%get3A_1085, %get3A_1086] {strides = array<i32>} : memref<768x128xbf16, #tpu.memory_space<vmem>>, vector<32xbf16>,
        %sub3A_1088 = arith.subf %get3A_1087, %get3A_1082 : vector<32xbf16>
        %add3A_1089 = arith.addf %get3A_1077, %get3A_1077 : vector<32xbf16>
        %sub3A_1090 = arith.subf %add3A_1089, %get3A_1082 : vector<32xbf16>
        %sub3A_1091 = arith.subf %sub3A_1090, %get3A_1087 : vector<32xbf16>
        %mul3A_1092 = arith.mulf %sub3A_1088, %sub3A_1091 : vector<32xbf16>
        %unpack3A_1093 = tpu.unpack_subelements %mul3A_1092, 0 {pack_format = #tpu.pack_format<interleaved>} : vector<32xbf16> -> vector<16xf32>
        %unpack3A_1094 = tpu.unpack_subelements %mul3A_1092, 1 {pack_format = #tpu.pack_format<interleaved>} : vector<32xbf16> -> vector<16xf32>
        %add3A_1095 = arith.addf %unpack3A_1093, %unpack3A_1094 : vector<16xf32>
        %add3A_1096 = arith.addf %add3A_1074, %add3A_1095 : vector<16xf32>
        %get3A_1097 = arith.index_cast %add3A_1050 : i32 to index
        %get3A_1098 = arith.constant 64 : index
        %get3A_1099 = tpu.vector_load %arg8[%get3A_1097, %get3A_1098] {strides = array<i32>} : memref<768x128xbf16, #tpu.memory_space<vmem>>, vector<32xbf16>,
        %add3A_1100 = arith.constant 128 : i32
        %add3A_1101 = arith.addi %add3A_1050, %add3A_1100 : i32
        %get3A_1102 = arith.index_cast %add3A_1101 : i32 to index
        %get3A_1103 = arith.constant 64 : index
        %get3A_1104 = tpu.vector_load %arg8[%get3A_1102, %get3A_1103] {strides = array<i32>} : memref<768x128xbf16, #tpu.memory_space<vmem>>, vector<32xbf16>,
        %add3A_1105 = arith.constant 256 : i32
        %add3A_1106 = arith.addi %add3A_1050, %add3A_1105 : i32
        %get3A_1107 = arith.index_cast %add3A_1106 : i32 to index
        %get3A_1108 = arith.constant 64 : index
        %get3A_1109 = tpu.vector_load %arg8[%get3A_1107, %get3A_1108] {strides = array<i32>} : memref<768x128xbf16, #tpu.memory_space<vmem>>, vector<32xbf16>,
        %sub3A_1110 = arith.subf %get3A_1109, %get3A_1104 : vector<32xbf16>
        %add3A_1111 = arith.addf %get3A_1099, %get3A_1099 : vector<32xbf16>
        %sub3A_1112 = arith.subf %add3A_1111, %get3A_1104 : vector<32xbf16>
        %sub3A_1113 = arith.subf %sub3A_1112, %get3A_1109 : vector<32xbf16>
        %mul3A_1114 = arith.mulf %sub3A_1110, %sub3A_1113 : vector<32xbf16>
        %unpack3A_1115 = tpu.unpack_subelements %mul3A_1114, 0 {pack_format = #tpu.pack_format<interleaved>} : vector<32xbf16> -> vector<16xf32>
        %unpack3A_1116 = tpu.unpack_subelements %mul3A_1114, 1 {pack_format = #tpu.pack_format<interleaved>} : vector<32xbf16> -> vector<16xf32>
        %add3A_1117 = arith.addf %unpack3A_1115, %unpack3A_1116 : vector<16xf32>
        %add3A_1118 = arith.addf %add3A_1096, %add3A_1117 : vector<16xf32>
        %get3A_1119 = arith.index_cast %add3A_1050 : i32 to index
        %get3A_1120 = arith.constant 96 : index
        %get3A_1121 = tpu.vector_load %arg8[%get3A_1119, %get3A_1120] {strides = array<i32>} : memref<768x128xbf16, #tpu.memory_space<vmem>>, vector<32xbf16>,
        %add3A_1122 = arith.constant 128 : i32
        %add3A_1123 = arith.addi %add3A_1050, %add3A_1122 : i32
        %get3A_1124 = arith.index_cast %add3A_1123 : i32 to index
        %get3A_1125 = arith.constant 96 : index
        %get3A_1126 = tpu.vector_load %arg8[%get3A_1124, %get3A_1125] {strides = array<i32>} : memref<768x128xbf16, #tpu.memory_space<vmem>>, vector<32xbf16>,
        %add3A_1127 = arith.constant 256 : i32
        %add3A_1128 = arith.addi %add3A_1050, %add3A_1127 : i32
        %get3A_1129 = arith.index_cast %add3A_1128 : i32 to index
        %get3A_1130 = arith.constant 96 : index
        %get3A_1131 = tpu.vector_load %arg8[%get3A_1129, %get3A_1130] {strides = array<i32>} : memref<768x128xbf16, #tpu.memory_space<vmem>>, vector<32xbf16>,
        %sub3A_1132 = arith.subf %get3A_1131, %get3A_1126 : vector<32xbf16>
        %add3A_1133 = arith.addf %get3A_1121, %get3A_1121 : vector<32xbf16>
        %sub3A_1134 = arith.subf %add3A_1133, %get3A_1126 : vector<32xbf16>
        %sub3A_1135 = arith.subf %sub3A_1134, %get3A_1131 : vector<32xbf16>
        %mul3A_1136 = arith.mulf %sub3A_1132, %sub3A_1135 : vector<32xbf16>
        %unpack3A_1137 = tpu.unpack_subelements %mul3A_1136, 0 {pack_format = #tpu.pack_format<interleaved>} : vector<32xbf16> -> vector<16xf32>
        %unpack3A_1138 = tpu.unpack_subelements %mul3A_1136, 1 {pack_format = #tpu.pack_format<interleaved>} : vector<32xbf16> -> vector<16xf32>
        %add3A_1139 = arith.addf %unpack3A_1137, %unpack3A_1138 : vector<16xf32>
        %add3A_1140 = arith.addf %add3A_1118, %add3A_1139 : vector<16xf32>
        %add3A_1141 = arith.constant 10 : i32
        %add3A_1142 = vector.broadcast %add3A_1141 : i32 to vector<16xi32>
        %add3A_1143 = arith.addi %mul3A_3, %add3A_1142 : vector<16xi32>
        tpu.vector_store_idx %arg9[%add3A_1143], %add3A_1140 : memref<256xf32, #tpu.memory_space<vmem>>[vector<16xi32>], vector<16xf32>,
        %add3A_1144 = arith.constant 11 : i32
        %add3A_1145 = arith.addi %add3A_101, %add3A_1144 : i32
        %broadcast_in_dim3A_1146 = arith.constant 0.000000e+00 : f32
        %broadcast_in_dim3A_1147 = vector.broadcast %broadcast_in_dim3A_1146 : f32 to vector<16xf32>
        %get3A_1148 = arith.index_cast %add3A_1145 : i32 to index
        %get3A_1149 = arith.constant 0 : index
        %get3A_1150 = tpu.vector_load %arg8[%get3A_1148, %get3A_1149] {strides = array<i32>} : memref<768x128xbf16, #tpu.memory_space<vmem>>, vector<32xbf16>,
        %add3A_1151 = arith.constant 128 : i32
        %add3A_1152 = arith.addi %add3A_1145, %add3A_1151 : i32
        %get3A_1153 = arith.index_cast %add3A_1152 : i32 to index
        %get3A_1154 = arith.constant 0 : index
        %get3A_1155 = tpu.vector_load %arg8[%get3A_1153, %get3A_1154] {strides = array<i32>} : memref<768x128xbf16, #tpu.memory_space<vmem>>, vector<32xbf16>,
        %add3A_1156 = arith.constant 256 : i32
        %add3A_1157 = arith.addi %add3A_1145, %add3A_1156 : i32
        %get3A_1158 = arith.index_cast %add3A_1157 : i32 to index
        %get3A_1159 = arith.constant 0 : index
        %get3A_1160 = tpu.vector_load %arg8[%get3A_1158, %get3A_1159] {strides = array<i32>} : memref<768x128xbf16, #tpu.memory_space<vmem>>, vector<32xbf16>,
        %sub3A_1161 = arith.subf %get3A_1160, %get3A_1155 : vector<32xbf16>
        %add3A_1162 = arith.addf %get3A_1150, %get3A_1150 : vector<32xbf16>
        %sub3A_1163 = arith.subf %add3A_1162, %get3A_1155 : vector<32xbf16>
        %sub3A_1164 = arith.subf %sub3A_1163, %get3A_1160 : vector<32xbf16>
        %mul3A_1165 = arith.mulf %sub3A_1161, %sub3A_1164 : vector<32xbf16>
        %unpack3A_1166 = tpu.unpack_subelements %mul3A_1165, 0 {pack_format = #tpu.pack_format<interleaved>} : vector<32xbf16> -> vector<16xf32>
        %unpack3A_1167 = tpu.unpack_subelements %mul3A_1165, 1 {pack_format = #tpu.pack_format<interleaved>} : vector<32xbf16> -> vector<16xf32>
        %add3A_1168 = arith.addf %unpack3A_1166, %unpack3A_1167 : vector<16xf32>
        %add3A_1169 = arith.addf %broadcast_in_dim3A_1147, %add3A_1168 : vector<16xf32>
        %get3A_1170 = arith.index_cast %add3A_1145 : i32 to index
        %get3A_1171 = arith.constant 32 : index
        %get3A_1172 = tpu.vector_load %arg8[%get3A_1170, %get3A_1171] {strides = array<i32>} : memref<768x128xbf16, #tpu.memory_space<vmem>>, vector<32xbf16>,
        %add3A_1173 = arith.constant 128 : i32
        %add3A_1174 = arith.addi %add3A_1145, %add3A_1173 : i32
        %get3A_1175 = arith.index_cast %add3A_1174 : i32 to index
        %get3A_1176 = arith.constant 32 : index
        %get3A_1177 = tpu.vector_load %arg8[%get3A_1175, %get3A_1176] {strides = array<i32>} : memref<768x128xbf16, #tpu.memory_space<vmem>>, vector<32xbf16>,
        %add3A_1178 = arith.constant 256 : i32
        %add3A_1179 = arith.addi %add3A_1145, %add3A_1178 : i32
        %get3A_1180 = arith.index_cast %add3A_1179 : i32 to index
        %get3A_1181 = arith.constant 32 : index
        %get3A_1182 = tpu.vector_load %arg8[%get3A_1180, %get3A_1181] {strides = array<i32>} : memref<768x128xbf16, #tpu.memory_space<vmem>>, vector<32xbf16>,
        %sub3A_1183 = arith.subf %get3A_1182, %get3A_1177 : vector<32xbf16>
        %add3A_1184 = arith.addf %get3A_1172, %get3A_1172 : vector<32xbf16>
        %sub3A_1185 = arith.subf %add3A_1184, %get3A_1177 : vector<32xbf16>
        %sub3A_1186 = arith.subf %sub3A_1185, %get3A_1182 : vector<32xbf16>
        %mul3A_1187 = arith.mulf %sub3A_1183, %sub3A_1186 : vector<32xbf16>
        %unpack3A_1188 = tpu.unpack_subelements %mul3A_1187, 0 {pack_format = #tpu.pack_format<interleaved>} : vector<32xbf16> -> vector<16xf32>
        %unpack3A_1189 = tpu.unpack_subelements %mul3A_1187, 1 {pack_format = #tpu.pack_format<interleaved>} : vector<32xbf16> -> vector<16xf32>
        %add3A_1190 = arith.addf %unpack3A_1188, %unpack3A_1189 : vector<16xf32>
        %add3A_1191 = arith.addf %add3A_1169, %add3A_1190 : vector<16xf32>
        %get3A_1192 = arith.index_cast %add3A_1145 : i32 to index
        %get3A_1193 = arith.constant 64 : index
        %get3A_1194 = tpu.vector_load %arg8[%get3A_1192, %get3A_1193] {strides = array<i32>} : memref<768x128xbf16, #tpu.memory_space<vmem>>, vector<32xbf16>,
        %add3A_1195 = arith.constant 128 : i32
        %add3A_1196 = arith.addi %add3A_1145, %add3A_1195 : i32
        %get3A_1197 = arith.index_cast %add3A_1196 : i32 to index
        %get3A_1198 = arith.constant 64 : index
        %get3A_1199 = tpu.vector_load %arg8[%get3A_1197, %get3A_1198] {strides = array<i32>} : memref<768x128xbf16, #tpu.memory_space<vmem>>, vector<32xbf16>,
        %add3A_1200 = arith.constant 256 : i32
        %add3A_1201 = arith.addi %add3A_1145, %add3A_1200 : i32
        %get3A_1202 = arith.index_cast %add3A_1201 : i32 to index
        %get3A_1203 = arith.constant 64 : index
        %get3A_1204 = tpu.vector_load %arg8[%get3A_1202, %get3A_1203] {strides = array<i32>} : memref<768x128xbf16, #tpu.memory_space<vmem>>, vector<32xbf16>,
        %sub3A_1205 = arith.subf %get3A_1204, %get3A_1199 : vector<32xbf16>
        %add3A_1206 = arith.addf %get3A_1194, %get3A_1194 : vector<32xbf16>
        %sub3A_1207 = arith.subf %add3A_1206, %get3A_1199 : vector<32xbf16>
        %sub3A_1208 = arith.subf %sub3A_1207, %get3A_1204 : vector<32xbf16>
        %mul3A_1209 = arith.mulf %sub3A_1205, %sub3A_1208 : vector<32xbf16>
        %unpack3A_1210 = tpu.unpack_subelements %mul3A_1209, 0 {pack_format = #tpu.pack_format<interleaved>} : vector<32xbf16> -> vector<16xf32>
        %unpack3A_1211 = tpu.unpack_subelements %mul3A_1209, 1 {pack_format = #tpu.pack_format<interleaved>} : vector<32xbf16> -> vector<16xf32>
        %add3A_1212 = arith.addf %unpack3A_1210, %unpack3A_1211 : vector<16xf32>
        %add3A_1213 = arith.addf %add3A_1191, %add3A_1212 : vector<16xf32>
        %get3A_1214 = arith.index_cast %add3A_1145 : i32 to index
        %get3A_1215 = arith.constant 96 : index
        %get3A_1216 = tpu.vector_load %arg8[%get3A_1214, %get3A_1215] {strides = array<i32>} : memref<768x128xbf16, #tpu.memory_space<vmem>>, vector<32xbf16>,
        %add3A_1217 = arith.constant 128 : i32
        %add3A_1218 = arith.addi %add3A_1145, %add3A_1217 : i32
        %get3A_1219 = arith.index_cast %add3A_1218 : i32 to index
        %get3A_1220 = arith.constant 96 : index
        %get3A_1221 = tpu.vector_load %arg8[%get3A_1219, %get3A_1220] {strides = array<i32>} : memref<768x128xbf16, #tpu.memory_space<vmem>>, vector<32xbf16>,
        %add3A_1222 = arith.constant 256 : i32
        %add3A_1223 = arith.addi %add3A_1145, %add3A_1222 : i32
        %get3A_1224 = arith.index_cast %add3A_1223 : i32 to index
        %get3A_1225 = arith.constant 96 : index
        %get3A_1226 = tpu.vector_load %arg8[%get3A_1224, %get3A_1225] {strides = array<i32>} : memref<768x128xbf16, #tpu.memory_space<vmem>>, vector<32xbf16>,
        %sub3A_1227 = arith.subf %get3A_1226, %get3A_1221 : vector<32xbf16>
        %add3A_1228 = arith.addf %get3A_1216, %get3A_1216 : vector<32xbf16>
        %sub3A_1229 = arith.subf %add3A_1228, %get3A_1221 : vector<32xbf16>
        %sub3A_1230 = arith.subf %sub3A_1229, %get3A_1226 : vector<32xbf16>
        %mul3A_1231 = arith.mulf %sub3A_1227, %sub3A_1230 : vector<32xbf16>
        %unpack3A_1232 = tpu.unpack_subelements %mul3A_1231, 0 {pack_format = #tpu.pack_format<interleaved>} : vector<32xbf16> -> vector<16xf32>
        %unpack3A_1233 = tpu.unpack_subelements %mul3A_1231, 1 {pack_format = #tpu.pack_format<interleaved>} : vector<32xbf16> -> vector<16xf32>
        %add3A_1234 = arith.addf %unpack3A_1232, %unpack3A_1233 : vector<16xf32>
        %add3A_1235 = arith.addf %add3A_1213, %add3A_1234 : vector<16xf32>
        %add3A_1236 = arith.constant 11 : i32
        %add3A_1237 = vector.broadcast %add3A_1236 : i32 to vector<16xi32>
        %add3A_1238 = arith.addi %mul3A_3, %add3A_1237 : vector<16xi32>
        tpu.vector_store_idx %arg9[%add3A_1238], %add3A_1235 : memref<256xf32, #tpu.memory_space<vmem>>[vector<16xi32>], vector<16xf32>,
        %add3A_1239 = arith.constant 12 : i32
        %add3A_1240 = arith.addi %add3A_101, %add3A_1239 : i32
        %broadcast_in_dim3A_1241 = arith.constant 0.000000e+00 : f32
        %broadcast_in_dim3A_1242 = vector.broadcast %broadcast_in_dim3A_1241 : f32 to vector<16xf32>
        %get3A_1243 = arith.index_cast %add3A_1240 : i32 to index
        %get3A_1244 = arith.constant 0 : index
        %get3A_1245 = tpu.vector_load %arg8[%get3A_1243, %get3A_1244] {strides = array<i32>} : memref<768x128xbf16, #tpu.memory_space<vmem>>, vector<32xbf16>,
        %add3A_1246 = arith.constant 128 : i32
        %add3A_1247 = arith.addi %add3A_1240, %add3A_1246 : i32
        %get3A_1248 = arith.index_cast %add3A_1247 : i32 to index
        %get3A_1249 = arith.constant 0 : index
        %get3A_1250 = tpu.vector_load %arg8[%get3A_1248, %get3A_1249] {strides = array<i32>} : memref<768x128xbf16, #tpu.memory_space<vmem>>, vector<32xbf16>,
        %add3A_1251 = arith.constant 256 : i32
        %add3A_1252 = arith.addi %add3A_1240, %add3A_1251 : i32
        %get3A_1253 = arith.index_cast %add3A_1252 : i32 to index
        %get3A_1254 = arith.constant 0 : index
        %get3A_1255 = tpu.vector_load %arg8[%get3A_1253, %get3A_1254] {strides = array<i32>} : memref<768x128xbf16, #tpu.memory_space<vmem>>, vector<32xbf16>,
        %sub3A_1256 = arith.subf %get3A_1255, %get3A_1250 : vector<32xbf16>
        %add3A_1257 = arith.addf %get3A_1245, %get3A_1245 : vector<32xbf16>
        %sub3A_1258 = arith.subf %add3A_1257, %get3A_1250 : vector<32xbf16>
        %sub3A_1259 = arith.subf %sub3A_1258, %get3A_1255 : vector<32xbf16>
        %mul3A_1260 = arith.mulf %sub3A_1256, %sub3A_1259 : vector<32xbf16>
        %unpack3A_1261 = tpu.unpack_subelements %mul3A_1260, 0 {pack_format = #tpu.pack_format<interleaved>} : vector<32xbf16> -> vector<16xf32>
        %unpack3A_1262 = tpu.unpack_subelements %mul3A_1260, 1 {pack_format = #tpu.pack_format<interleaved>} : vector<32xbf16> -> vector<16xf32>
        %add3A_1263 = arith.addf %unpack3A_1261, %unpack3A_1262 : vector<16xf32>
        %add3A_1264 = arith.addf %broadcast_in_dim3A_1242, %add3A_1263 : vector<16xf32>
        %get3A_1265 = arith.index_cast %add3A_1240 : i32 to index
        %get3A_1266 = arith.constant 32 : index
        %get3A_1267 = tpu.vector_load %arg8[%get3A_1265, %get3A_1266] {strides = array<i32>} : memref<768x128xbf16, #tpu.memory_space<vmem>>, vector<32xbf16>,
        %add3A_1268 = arith.constant 128 : i32
        %add3A_1269 = arith.addi %add3A_1240, %add3A_1268 : i32
        %get3A_1270 = arith.index_cast %add3A_1269 : i32 to index
        %get3A_1271 = arith.constant 32 : index
        %get3A_1272 = tpu.vector_load %arg8[%get3A_1270, %get3A_1271] {strides = array<i32>} : memref<768x128xbf16, #tpu.memory_space<vmem>>, vector<32xbf16>,
        %add3A_1273 = arith.constant 256 : i32
        %add3A_1274 = arith.addi %add3A_1240, %add3A_1273 : i32
        %get3A_1275 = arith.index_cast %add3A_1274 : i32 to index
        %get3A_1276 = arith.constant 32 : index
        %get3A_1277 = tpu.vector_load %arg8[%get3A_1275, %get3A_1276] {strides = array<i32>} : memref<768x128xbf16, #tpu.memory_space<vmem>>, vector<32xbf16>,
        %sub3A_1278 = arith.subf %get3A_1277, %get3A_1272 : vector<32xbf16>
        %add3A_1279 = arith.addf %get3A_1267, %get3A_1267 : vector<32xbf16>
        %sub3A_1280 = arith.subf %add3A_1279, %get3A_1272 : vector<32xbf16>
        %sub3A_1281 = arith.subf %sub3A_1280, %get3A_1277 : vector<32xbf16>
        %mul3A_1282 = arith.mulf %sub3A_1278, %sub3A_1281 : vector<32xbf16>
        %unpack3A_1283 = tpu.unpack_subelements %mul3A_1282, 0 {pack_format = #tpu.pack_format<interleaved>} : vector<32xbf16> -> vector<16xf32>
        %unpack3A_1284 = tpu.unpack_subelements %mul3A_1282, 1 {pack_format = #tpu.pack_format<interleaved>} : vector<32xbf16> -> vector<16xf32>
        %add3A_1285 = arith.addf %unpack3A_1283, %unpack3A_1284 : vector<16xf32>
        %add3A_1286 = arith.addf %add3A_1264, %add3A_1285 : vector<16xf32>
        %get3A_1287 = arith.index_cast %add3A_1240 : i32 to index
        %get3A_1288 = arith.constant 64 : index
        %get3A_1289 = tpu.vector_load %arg8[%get3A_1287, %get3A_1288] {strides = array<i32>} : memref<768x128xbf16, #tpu.memory_space<vmem>>, vector<32xbf16>,
        %add3A_1290 = arith.constant 128 : i32
        %add3A_1291 = arith.addi %add3A_1240, %add3A_1290 : i32
        %get3A_1292 = arith.index_cast %add3A_1291 : i32 to index
        %get3A_1293 = arith.constant 64 : index
        %get3A_1294 = tpu.vector_load %arg8[%get3A_1292, %get3A_1293] {strides = array<i32>} : memref<768x128xbf16, #tpu.memory_space<vmem>>, vector<32xbf16>,
        %add3A_1295 = arith.constant 256 : i32
        %add3A_1296 = arith.addi %add3A_1240, %add3A_1295 : i32
        %get3A_1297 = arith.index_cast %add3A_1296 : i32 to index
        %get3A_1298 = arith.constant 64 : index
        %get3A_1299 = tpu.vector_load %arg8[%get3A_1297, %get3A_1298] {strides = array<i32>} : memref<768x128xbf16, #tpu.memory_space<vmem>>, vector<32xbf16>,
        %sub3A_1300 = arith.subf %get3A_1299, %get3A_1294 : vector<32xbf16>
        %add3A_1301 = arith.addf %get3A_1289, %get3A_1289 : vector<32xbf16>
        %sub3A_1302 = arith.subf %add3A_1301, %get3A_1294 : vector<32xbf16>
        %sub3A_1303 = arith.subf %sub3A_1302, %get3A_1299 : vector<32xbf16>
        %mul3A_1304 = arith.mulf %sub3A_1300, %sub3A_1303 : vector<32xbf16>
        %unpack3A_1305 = tpu.unpack_subelements %mul3A_1304, 0 {pack_format = #tpu.pack_format<interleaved>} : vector<32xbf16> -> vector<16xf32>
        %unpack3A_1306 = tpu.unpack_subelements %mul3A_1304, 1 {pack_format = #tpu.pack_format<interleaved>} : vector<32xbf16> -> vector<16xf32>
        %add3A_1307 = arith.addf %unpack3A_1305, %unpack3A_1306 : vector<16xf32>
        %add3A_1308 = arith.addf %add3A_1286, %add3A_1307 : vector<16xf32>
        %get3A_1309 = arith.index_cast %add3A_1240 : i32 to index
        %get3A_1310 = arith.constant 96 : index
        %get3A_1311 = tpu.vector_load %arg8[%get3A_1309, %get3A_1310] {strides = array<i32>} : memref<768x128xbf16, #tpu.memory_space<vmem>>, vector<32xbf16>,
        %add3A_1312 = arith.constant 128 : i32
        %add3A_1313 = arith.addi %add3A_1240, %add3A_1312 : i32
        %get3A_1314 = arith.index_cast %add3A_1313 : i32 to index
        %get3A_1315 = arith.constant 96 : index
        %get3A_1316 = tpu.vector_load %arg8[%get3A_1314, %get3A_1315] {strides = array<i32>} : memref<768x128xbf16, #tpu.memory_space<vmem>>, vector<32xbf16>,
        %add3A_1317 = arith.constant 256 : i32
        %add3A_1318 = arith.addi %add3A_1240, %add3A_1317 : i32
        %get3A_1319 = arith.index_cast %add3A_1318 : i32 to index
        %get3A_1320 = arith.constant 96 : index
        %get3A_1321 = tpu.vector_load %arg8[%get3A_1319, %get3A_1320] {strides = array<i32>} : memref<768x128xbf16, #tpu.memory_space<vmem>>, vector<32xbf16>,
        %sub3A_1322 = arith.subf %get3A_1321, %get3A_1316 : vector<32xbf16>
        %add3A_1323 = arith.addf %get3A_1311, %get3A_1311 : vector<32xbf16>
        %sub3A_1324 = arith.subf %add3A_1323, %get3A_1316 : vector<32xbf16>
        %sub3A_1325 = arith.subf %sub3A_1324, %get3A_1321 : vector<32xbf16>
        %mul3A_1326 = arith.mulf %sub3A_1322, %sub3A_1325 : vector<32xbf16>
        %unpack3A_1327 = tpu.unpack_subelements %mul3A_1326, 0 {pack_format = #tpu.pack_format<interleaved>} : vector<32xbf16> -> vector<16xf32>
        %unpack3A_1328 = tpu.unpack_subelements %mul3A_1326, 1 {pack_format = #tpu.pack_format<interleaved>} : vector<32xbf16> -> vector<16xf32>
        %add3A_1329 = arith.addf %unpack3A_1327, %unpack3A_1328 : vector<16xf32>
        %add3A_1330 = arith.addf %add3A_1308, %add3A_1329 : vector<16xf32>
        %add3A_1331 = arith.constant 12 : i32
        %add3A_1332 = vector.broadcast %add3A_1331 : i32 to vector<16xi32>
        %add3A_1333 = arith.addi %mul3A_3, %add3A_1332 : vector<16xi32>
        tpu.vector_store_idx %arg9[%add3A_1333], %add3A_1330 : memref<256xf32, #tpu.memory_space<vmem>>[vector<16xi32>], vector<16xf32>,
        %add3A_1334 = arith.constant 13 : i32
        %add3A_1335 = arith.addi %add3A_101, %add3A_1334 : i32
        %broadcast_in_dim3A_1336 = arith.constant 0.000000e+00 : f32
        %broadcast_in_dim3A_1337 = vector.broadcast %broadcast_in_dim3A_1336 : f32 to vector<16xf32>
        %get3A_1338 = arith.index_cast %add3A_1335 : i32 to index
        %get3A_1339 = arith.constant 0 : index
        %get3A_1340 = tpu.vector_load %arg8[%get3A_1338, %get3A_1339] {strides = array<i32>} : memref<768x128xbf16, #tpu.memory_space<vmem>>, vector<32xbf16>,
        %add3A_1341 = arith.constant 128 : i32
        %add3A_1342 = arith.addi %add3A_1335, %add3A_1341 : i32
        %get3A_1343 = arith.index_cast %add3A_1342 : i32 to index
        %get3A_1344 = arith.constant 0 : index
        %get3A_1345 = tpu.vector_load %arg8[%get3A_1343, %get3A_1344] {strides = array<i32>} : memref<768x128xbf16, #tpu.memory_space<vmem>>, vector<32xbf16>,
        %add3A_1346 = arith.constant 256 : i32
        %add3A_1347 = arith.addi %add3A_1335, %add3A_1346 : i32
        %get3A_1348 = arith.index_cast %add3A_1347 : i32 to index
        %get3A_1349 = arith.constant 0 : index
        %get3A_1350 = tpu.vector_load %arg8[%get3A_1348, %get3A_1349] {strides = array<i32>} : memref<768x128xbf16, #tpu.memory_space<vmem>>, vector<32xbf16>,
        %sub3A_1351 = arith.subf %get3A_1350, %get3A_1345 : vector<32xbf16>
        %add3A_1352 = arith.addf %get3A_1340, %get3A_1340 : vector<32xbf16>
        %sub3A_1353 = arith.subf %add3A_1352, %get3A_1345 : vector<32xbf16>
        %sub3A_1354 = arith.subf %sub3A_1353, %get3A_1350 : vector<32xbf16>
        %mul3A_1355 = arith.mulf %sub3A_1351, %sub3A_1354 : vector<32xbf16>
        %unpack3A_1356 = tpu.unpack_subelements %mul3A_1355, 0 {pack_format = #tpu.pack_format<interleaved>} : vector<32xbf16> -> vector<16xf32>
        %unpack3A_1357 = tpu.unpack_subelements %mul3A_1355, 1 {pack_format = #tpu.pack_format<interleaved>} : vector<32xbf16> -> vector<16xf32>
        %add3A_1358 = arith.addf %unpack3A_1356, %unpack3A_1357 : vector<16xf32>
        %add3A_1359 = arith.addf %broadcast_in_dim3A_1337, %add3A_1358 : vector<16xf32>
        %get3A_1360 = arith.index_cast %add3A_1335 : i32 to index
        %get3A_1361 = arith.constant 32 : index
        %get3A_1362 = tpu.vector_load %arg8[%get3A_1360, %get3A_1361] {strides = array<i32>} : memref<768x128xbf16, #tpu.memory_space<vmem>>, vector<32xbf16>,
        %add3A_1363 = arith.constant 128 : i32
        %add3A_1364 = arith.addi %add3A_1335, %add3A_1363 : i32
        %get3A_1365 = arith.index_cast %add3A_1364 : i32 to index
        %get3A_1366 = arith.constant 32 : index
        %get3A_1367 = tpu.vector_load %arg8[%get3A_1365, %get3A_1366] {strides = array<i32>} : memref<768x128xbf16, #tpu.memory_space<vmem>>, vector<32xbf16>,
        %add3A_1368 = arith.constant 256 : i32
        %add3A_1369 = arith.addi %add3A_1335, %add3A_1368 : i32
        %get3A_1370 = arith.index_cast %add3A_1369 : i32 to index
        %get3A_1371 = arith.constant 32 : index
        %get3A_1372 = tpu.vector_load %arg8[%get3A_1370, %get3A_1371] {strides = array<i32>} : memref<768x128xbf16, #tpu.memory_space<vmem>>, vector<32xbf16>,
        %sub3A_1373 = arith.subf %get3A_1372, %get3A_1367 : vector<32xbf16>
        %add3A_1374 = arith.addf %get3A_1362, %get3A_1362 : vector<32xbf16>
        %sub3A_1375 = arith.subf %add3A_1374, %get3A_1367 : vector<32xbf16>
        %sub3A_1376 = arith.subf %sub3A_1375, %get3A_1372 : vector<32xbf16>
        %mul3A_1377 = arith.mulf %sub3A_1373, %sub3A_1376 : vector<32xbf16>
        %unpack3A_1378 = tpu.unpack_subelements %mul3A_1377, 0 {pack_format = #tpu.pack_format<interleaved>} : vector<32xbf16> -> vector<16xf32>
        %unpack3A_1379 = tpu.unpack_subelements %mul3A_1377, 1 {pack_format = #tpu.pack_format<interleaved>} : vector<32xbf16> -> vector<16xf32>
        %add3A_1380 = arith.addf %unpack3A_1378, %unpack3A_1379 : vector<16xf32>
        %add3A_1381 = arith.addf %add3A_1359, %add3A_1380 : vector<16xf32>
        %get3A_1382 = arith.index_cast %add3A_1335 : i32 to index
        %get3A_1383 = arith.constant 64 : index
        %get3A_1384 = tpu.vector_load %arg8[%get3A_1382, %get3A_1383] {strides = array<i32>} : memref<768x128xbf16, #tpu.memory_space<vmem>>, vector<32xbf16>,
        %add3A_1385 = arith.constant 128 : i32
        %add3A_1386 = arith.addi %add3A_1335, %add3A_1385 : i32
        %get3A_1387 = arith.index_cast %add3A_1386 : i32 to index
        %get3A_1388 = arith.constant 64 : index
        %get3A_1389 = tpu.vector_load %arg8[%get3A_1387, %get3A_1388] {strides = array<i32>} : memref<768x128xbf16, #tpu.memory_space<vmem>>, vector<32xbf16>,
        %add3A_1390 = arith.constant 256 : i32
        %add3A_1391 = arith.addi %add3A_1335, %add3A_1390 : i32
        %get3A_1392 = arith.index_cast %add3A_1391 : i32 to index
        %get3A_1393 = arith.constant 64 : index
        %get3A_1394 = tpu.vector_load %arg8[%get3A_1392, %get3A_1393] {strides = array<i32>} : memref<768x128xbf16, #tpu.memory_space<vmem>>, vector<32xbf16>,
        %sub3A_1395 = arith.subf %get3A_1394, %get3A_1389 : vector<32xbf16>
        %add3A_1396 = arith.addf %get3A_1384, %get3A_1384 : vector<32xbf16>
        %sub3A_1397 = arith.subf %add3A_1396, %get3A_1389 : vector<32xbf16>
        %sub3A_1398 = arith.subf %sub3A_1397, %get3A_1394 : vector<32xbf16>
        %mul3A_1399 = arith.mulf %sub3A_1395, %sub3A_1398 : vector<32xbf16>
        %unpack3A_1400 = tpu.unpack_subelements %mul3A_1399, 0 {pack_format = #tpu.pack_format<interleaved>} : vector<32xbf16> -> vector<16xf32>
        %unpack3A_1401 = tpu.unpack_subelements %mul3A_1399, 1 {pack_format = #tpu.pack_format<interleaved>} : vector<32xbf16> -> vector<16xf32>
        %add3A_1402 = arith.addf %unpack3A_1400, %unpack3A_1401 : vector<16xf32>
        %add3A_1403 = arith.addf %add3A_1381, %add3A_1402 : vector<16xf32>
        %get3A_1404 = arith.index_cast %add3A_1335 : i32 to index
        %get3A_1405 = arith.constant 96 : index
        %get3A_1406 = tpu.vector_load %arg8[%get3A_1404, %get3A_1405] {strides = array<i32>} : memref<768x128xbf16, #tpu.memory_space<vmem>>, vector<32xbf16>,
        %add3A_1407 = arith.constant 128 : i32
        %add3A_1408 = arith.addi %add3A_1335, %add3A_1407 : i32
        %get3A_1409 = arith.index_cast %add3A_1408 : i32 to index
        %get3A_1410 = arith.constant 96 : index
        %get3A_1411 = tpu.vector_load %arg8[%get3A_1409, %get3A_1410] {strides = array<i32>} : memref<768x128xbf16, #tpu.memory_space<vmem>>, vector<32xbf16>,
        %add3A_1412 = arith.constant 256 : i32
        %add3A_1413 = arith.addi %add3A_1335, %add3A_1412 : i32
        %get3A_1414 = arith.index_cast %add3A_1413 : i32 to index
        %get3A_1415 = arith.constant 96 : index
        %get3A_1416 = tpu.vector_load %arg8[%get3A_1414, %get3A_1415] {strides = array<i32>} : memref<768x128xbf16, #tpu.memory_space<vmem>>, vector<32xbf16>,
        %sub3A_1417 = arith.subf %get3A_1416, %get3A_1411 : vector<32xbf16>
        %add3A_1418 = arith.addf %get3A_1406, %get3A_1406 : vector<32xbf16>
        %sub3A_1419 = arith.subf %add3A_1418, %get3A_1411 : vector<32xbf16>
        %sub3A_1420 = arith.subf %sub3A_1419, %get3A_1416 : vector<32xbf16>
        %mul3A_1421 = arith.mulf %sub3A_1417, %sub3A_1420 : vector<32xbf16>
        %unpack3A_1422 = tpu.unpack_subelements %mul3A_1421, 0 {pack_format = #tpu.pack_format<interleaved>} : vector<32xbf16> -> vector<16xf32>
        %unpack3A_1423 = tpu.unpack_subelements %mul3A_1421, 1 {pack_format = #tpu.pack_format<interleaved>} : vector<32xbf16> -> vector<16xf32>
        %add3A_1424 = arith.addf %unpack3A_1422, %unpack3A_1423 : vector<16xf32>
        %add3A_1425 = arith.addf %add3A_1403, %add3A_1424 : vector<16xf32>
        %add3A_1426 = arith.constant 13 : i32
        %add3A_1427 = vector.broadcast %add3A_1426 : i32 to vector<16xi32>
        %add3A_1428 = arith.addi %mul3A_3, %add3A_1427 : vector<16xi32>
        tpu.vector_store_idx %arg9[%add3A_1428], %add3A_1425 : memref<256xf32, #tpu.memory_space<vmem>>[vector<16xi32>], vector<16xf32>,
        %add3A_1429 = arith.constant 14 : i32
        %add3A_1430 = arith.addi %add3A_101, %add3A_1429 : i32
        %broadcast_in_dim3A_1431 = arith.constant 0.000000e+00 : f32
        %broadcast_in_dim3A_1432 = vector.broadcast %broadcast_in_dim3A_1431 : f32 to vector<16xf32>
        %get3A_1433 = arith.index_cast %add3A_1430 : i32 to index
        %get3A_1434 = arith.constant 0 : index
        %get3A_1435 = tpu.vector_load %arg8[%get3A_1433, %get3A_1434] {strides = array<i32>} : memref<768x128xbf16, #tpu.memory_space<vmem>>, vector<32xbf16>,
        %add3A_1436 = arith.constant 128 : i32
        %add3A_1437 = arith.addi %add3A_1430, %add3A_1436 : i32
        %get3A_1438 = arith.index_cast %add3A_1437 : i32 to index
        %get3A_1439 = arith.constant 0 : index
        %get3A_1440 = tpu.vector_load %arg8[%get3A_1438, %get3A_1439] {strides = array<i32>} : memref<768x128xbf16, #tpu.memory_space<vmem>>, vector<32xbf16>,
        %add3A_1441 = arith.constant 256 : i32
        %add3A_1442 = arith.addi %add3A_1430, %add3A_1441 : i32
        %get3A_1443 = arith.index_cast %add3A_1442 : i32 to index
        %get3A_1444 = arith.constant 0 : index
        %get3A_1445 = tpu.vector_load %arg8[%get3A_1443, %get3A_1444] {strides = array<i32>} : memref<768x128xbf16, #tpu.memory_space<vmem>>, vector<32xbf16>,
        %sub3A_1446 = arith.subf %get3A_1445, %get3A_1440 : vector<32xbf16>
        %add3A_1447 = arith.addf %get3A_1435, %get3A_1435 : vector<32xbf16>
        %sub3A_1448 = arith.subf %add3A_1447, %get3A_1440 : vector<32xbf16>
        %sub3A_1449 = arith.subf %sub3A_1448, %get3A_1445 : vector<32xbf16>
        %mul3A_1450 = arith.mulf %sub3A_1446, %sub3A_1449 : vector<32xbf16>
        %unpack3A_1451 = tpu.unpack_subelements %mul3A_1450, 0 {pack_format = #tpu.pack_format<interleaved>} : vector<32xbf16> -> vector<16xf32>
        %unpack3A_1452 = tpu.unpack_subelements %mul3A_1450, 1 {pack_format = #tpu.pack_format<interleaved>} : vector<32xbf16> -> vector<16xf32>
        %add3A_1453 = arith.addf %unpack3A_1451, %unpack3A_1452 : vector<16xf32>
        %add3A_1454 = arith.addf %broadcast_in_dim3A_1432, %add3A_1453 : vector<16xf32>
        %get3A_1455 = arith.index_cast %add3A_1430 : i32 to index
        %get3A_1456 = arith.constant 32 : index
        %get3A_1457 = tpu.vector_load %arg8[%get3A_1455, %get3A_1456] {strides = array<i32>} : memref<768x128xbf16, #tpu.memory_space<vmem>>, vector<32xbf16>,
        %add3A_1458 = arith.constant 128 : i32
        %add3A_1459 = arith.addi %add3A_1430, %add3A_1458 : i32
        %get3A_1460 = arith.index_cast %add3A_1459 : i32 to index
        %get3A_1461 = arith.constant 32 : index
        %get3A_1462 = tpu.vector_load %arg8[%get3A_1460, %get3A_1461] {strides = array<i32>} : memref<768x128xbf16, #tpu.memory_space<vmem>>, vector<32xbf16>,
        %add3A_1463 = arith.constant 256 : i32
        %add3A_1464 = arith.addi %add3A_1430, %add3A_1463 : i32
        %get3A_1465 = arith.index_cast %add3A_1464 : i32 to index
        %get3A_1466 = arith.constant 32 : index
        %get3A_1467 = tpu.vector_load %arg8[%get3A_1465, %get3A_1466] {strides = array<i32>} : memref<768x128xbf16, #tpu.memory_space<vmem>>, vector<32xbf16>,
        %sub3A_1468 = arith.subf %get3A_1467, %get3A_1462 : vector<32xbf16>
        %add3A_1469 = arith.addf %get3A_1457, %get3A_1457 : vector<32xbf16>
        %sub3A_1470 = arith.subf %add3A_1469, %get3A_1462 : vector<32xbf16>
        %sub3A_1471 = arith.subf %sub3A_1470, %get3A_1467 : vector<32xbf16>
        %mul3A_1472 = arith.mulf %sub3A_1468, %sub3A_1471 : vector<32xbf16>
        %unpack3A_1473 = tpu.unpack_subelements %mul3A_1472, 0 {pack_format = #tpu.pack_format<interleaved>} : vector<32xbf16> -> vector<16xf32>
        %unpack3A_1474 = tpu.unpack_subelements %mul3A_1472, 1 {pack_format = #tpu.pack_format<interleaved>} : vector<32xbf16> -> vector<16xf32>
        %add3A_1475 = arith.addf %unpack3A_1473, %unpack3A_1474 : vector<16xf32>
        %add3A_1476 = arith.addf %add3A_1454, %add3A_1475 : vector<16xf32>
        %get3A_1477 = arith.index_cast %add3A_1430 : i32 to index
        %get3A_1478 = arith.constant 64 : index
        %get3A_1479 = tpu.vector_load %arg8[%get3A_1477, %get3A_1478] {strides = array<i32>} : memref<768x128xbf16, #tpu.memory_space<vmem>>, vector<32xbf16>,
        %add3A_1480 = arith.constant 128 : i32
        %add3A_1481 = arith.addi %add3A_1430, %add3A_1480 : i32
        %get3A_1482 = arith.index_cast %add3A_1481 : i32 to index
        %get3A_1483 = arith.constant 64 : index
        %get3A_1484 = tpu.vector_load %arg8[%get3A_1482, %get3A_1483] {strides = array<i32>} : memref<768x128xbf16, #tpu.memory_space<vmem>>, vector<32xbf16>,
        %add3A_1485 = arith.constant 256 : i32
        %add3A_1486 = arith.addi %add3A_1430, %add3A_1485 : i32
        %get3A_1487 = arith.index_cast %add3A_1486 : i32 to index
        %get3A_1488 = arith.constant 64 : index
        %get3A_1489 = tpu.vector_load %arg8[%get3A_1487, %get3A_1488] {strides = array<i32>} : memref<768x128xbf16, #tpu.memory_space<vmem>>, vector<32xbf16>,
        %sub3A_1490 = arith.subf %get3A_1489, %get3A_1484 : vector<32xbf16>
        %add3A_1491 = arith.addf %get3A_1479, %get3A_1479 : vector<32xbf16>
        %sub3A_1492 = arith.subf %add3A_1491, %get3A_1484 : vector<32xbf16>
        %sub3A_1493 = arith.subf %sub3A_1492, %get3A_1489 : vector<32xbf16>
        %mul3A_1494 = arith.mulf %sub3A_1490, %sub3A_1493 : vector<32xbf16>
        %unpack3A_1495 = tpu.unpack_subelements %mul3A_1494, 0 {pack_format = #tpu.pack_format<interleaved>} : vector<32xbf16> -> vector<16xf32>
        %unpack3A_1496 = tpu.unpack_subelements %mul3A_1494, 1 {pack_format = #tpu.pack_format<interleaved>} : vector<32xbf16> -> vector<16xf32>
        %add3A_1497 = arith.addf %unpack3A_1495, %unpack3A_1496 : vector<16xf32>
        %add3A_1498 = arith.addf %add3A_1476, %add3A_1497 : vector<16xf32>
        %get3A_1499 = arith.index_cast %add3A_1430 : i32 to index
        %get3A_1500 = arith.constant 96 : index
        %get3A_1501 = tpu.vector_load %arg8[%get3A_1499, %get3A_1500] {strides = array<i32>} : memref<768x128xbf16, #tpu.memory_space<vmem>>, vector<32xbf16>,
        %add3A_1502 = arith.constant 128 : i32
        %add3A_1503 = arith.addi %add3A_1430, %add3A_1502 : i32
        %get3A_1504 = arith.index_cast %add3A_1503 : i32 to index
        %get3A_1505 = arith.constant 96 : index
        %get3A_1506 = tpu.vector_load %arg8[%get3A_1504, %get3A_1505] {strides = array<i32>} : memref<768x128xbf16, #tpu.memory_space<vmem>>, vector<32xbf16>,
        %add3A_1507 = arith.constant 256 : i32
        %add3A_1508 = arith.addi %add3A_1430, %add3A_1507 : i32
        %get3A_1509 = arith.index_cast %add3A_1508 : i32 to index
        %get3A_1510 = arith.constant 96 : index
        %get3A_1511 = tpu.vector_load %arg8[%get3A_1509, %get3A_1510] {strides = array<i32>} : memref<768x128xbf16, #tpu.memory_space<vmem>>, vector<32xbf16>,
        %sub3A_1512 = arith.subf %get3A_1511, %get3A_1506 : vector<32xbf16>
        %add3A_1513 = arith.addf %get3A_1501, %get3A_1501 : vector<32xbf16>
        %sub3A_1514 = arith.subf %add3A_1513, %get3A_1506 : vector<32xbf16>
        %sub3A_1515 = arith.subf %sub3A_1514, %get3A_1511 : vector<32xbf16>
        %mul3A_1516 = arith.mulf %sub3A_1512, %sub3A_1515 : vector<32xbf16>
        %unpack3A_1517 = tpu.unpack_subelements %mul3A_1516, 0 {pack_format = #tpu.pack_format<interleaved>} : vector<32xbf16> -> vector<16xf32>
        %unpack3A_1518 = tpu.unpack_subelements %mul3A_1516, 1 {pack_format = #tpu.pack_format<interleaved>} : vector<32xbf16> -> vector<16xf32>
        %add3A_1519 = arith.addf %unpack3A_1517, %unpack3A_1518 : vector<16xf32>
        %add3A_1520 = arith.addf %add3A_1498, %add3A_1519 : vector<16xf32>
        %add3A_1521 = arith.constant 14 : i32
        %add3A_1522 = vector.broadcast %add3A_1521 : i32 to vector<16xi32>
        %add3A_1523 = arith.addi %mul3A_3, %add3A_1522 : vector<16xi32>
        tpu.vector_store_idx %arg9[%add3A_1523], %add3A_1520 : memref<256xf32, #tpu.memory_space<vmem>>[vector<16xi32>], vector<16xf32>,
        %add3A_1524 = arith.constant 15 : i32
        %add3A_1525 = arith.addi %add3A_101, %add3A_1524 : i32
        %broadcast_in_dim3A_1526 = arith.constant 0.000000e+00 : f32
        %broadcast_in_dim3A_1527 = vector.broadcast %broadcast_in_dim3A_1526 : f32 to vector<16xf32>
        %get3A_1528 = arith.index_cast %add3A_1525 : i32 to index
        %get3A_1529 = arith.constant 0 : index
        %get3A_1530 = tpu.vector_load %arg8[%get3A_1528, %get3A_1529] {strides = array<i32>} : memref<768x128xbf16, #tpu.memory_space<vmem>>, vector<32xbf16>,
        %add3A_1531 = arith.constant 128 : i32
        %add3A_1532 = arith.addi %add3A_1525, %add3A_1531 : i32
        %get3A_1533 = arith.index_cast %add3A_1532 : i32 to index
        %get3A_1534 = arith.constant 0 : index
        %get3A_1535 = tpu.vector_load %arg8[%get3A_1533, %get3A_1534] {strides = array<i32>} : memref<768x128xbf16, #tpu.memory_space<vmem>>, vector<32xbf16>,
        %add3A_1536 = arith.constant 256 : i32
        %add3A_1537 = arith.addi %add3A_1525, %add3A_1536 : i32
        %get3A_1538 = arith.index_cast %add3A_1537 : i32 to index
        %get3A_1539 = arith.constant 0 : index
        %get3A_1540 = tpu.vector_load %arg8[%get3A_1538, %get3A_1539] {strides = array<i32>} : memref<768x128xbf16, #tpu.memory_space<vmem>>, vector<32xbf16>,
        %sub3A_1541 = arith.subf %get3A_1540, %get3A_1535 : vector<32xbf16>
        %add3A_1542 = arith.addf %get3A_1530, %get3A_1530 : vector<32xbf16>
        %sub3A_1543 = arith.subf %add3A_1542, %get3A_1535 : vector<32xbf16>
        %sub3A_1544 = arith.subf %sub3A_1543, %get3A_1540 : vector<32xbf16>
        %mul3A_1545 = arith.mulf %sub3A_1541, %sub3A_1544 : vector<32xbf16>
        %unpack3A_1546 = tpu.unpack_subelements %mul3A_1545, 0 {pack_format = #tpu.pack_format<interleaved>} : vector<32xbf16> -> vector<16xf32>
        %unpack3A_1547 = tpu.unpack_subelements %mul3A_1545, 1 {pack_format = #tpu.pack_format<interleaved>} : vector<32xbf16> -> vector<16xf32>
        %add3A_1548 = arith.addf %unpack3A_1546, %unpack3A_1547 : vector<16xf32>
        %add3A_1549 = arith.addf %broadcast_in_dim3A_1527, %add3A_1548 : vector<16xf32>
        %get3A_1550 = arith.index_cast %add3A_1525 : i32 to index
        %get3A_1551 = arith.constant 32 : index
        %get3A_1552 = tpu.vector_load %arg8[%get3A_1550, %get3A_1551] {strides = array<i32>} : memref<768x128xbf16, #tpu.memory_space<vmem>>, vector<32xbf16>,
        %add3A_1553 = arith.constant 128 : i32
        %add3A_1554 = arith.addi %add3A_1525, %add3A_1553 : i32
        %get3A_1555 = arith.index_cast %add3A_1554 : i32 to index
        %get3A_1556 = arith.constant 32 : index
        %get3A_1557 = tpu.vector_load %arg8[%get3A_1555, %get3A_1556] {strides = array<i32>} : memref<768x128xbf16, #tpu.memory_space<vmem>>, vector<32xbf16>,
        %add3A_1558 = arith.constant 256 : i32
        %add3A_1559 = arith.addi %add3A_1525, %add3A_1558 : i32
        %get3A_1560 = arith.index_cast %add3A_1559 : i32 to index
        %get3A_1561 = arith.constant 32 : index
        %get3A_1562 = tpu.vector_load %arg8[%get3A_1560, %get3A_1561] {strides = array<i32>} : memref<768x128xbf16, #tpu.memory_space<vmem>>, vector<32xbf16>,
        %sub3A_1563 = arith.subf %get3A_1562, %get3A_1557 : vector<32xbf16>
        %add3A_1564 = arith.addf %get3A_1552, %get3A_1552 : vector<32xbf16>
        %sub3A_1565 = arith.subf %add3A_1564, %get3A_1557 : vector<32xbf16>
        %sub3A_1566 = arith.subf %sub3A_1565, %get3A_1562 : vector<32xbf16>
        %mul3A_1567 = arith.mulf %sub3A_1563, %sub3A_1566 : vector<32xbf16>
        %unpack3A_1568 = tpu.unpack_subelements %mul3A_1567, 0 {pack_format = #tpu.pack_format<interleaved>} : vector<32xbf16> -> vector<16xf32>
        %unpack3A_1569 = tpu.unpack_subelements %mul3A_1567, 1 {pack_format = #tpu.pack_format<interleaved>} : vector<32xbf16> -> vector<16xf32>
        %add3A_1570 = arith.addf %unpack3A_1568, %unpack3A_1569 : vector<16xf32>
        %add3A_1571 = arith.addf %add3A_1549, %add3A_1570 : vector<16xf32>
        %get3A_1572 = arith.index_cast %add3A_1525 : i32 to index
        %get3A_1573 = arith.constant 64 : index
        %get3A_1574 = tpu.vector_load %arg8[%get3A_1572, %get3A_1573] {strides = array<i32>} : memref<768x128xbf16, #tpu.memory_space<vmem>>, vector<32xbf16>,
        %add3A_1575 = arith.constant 128 : i32
        %add3A_1576 = arith.addi %add3A_1525, %add3A_1575 : i32
        %get3A_1577 = arith.index_cast %add3A_1576 : i32 to index
        %get3A_1578 = arith.constant 64 : index
        %get3A_1579 = tpu.vector_load %arg8[%get3A_1577, %get3A_1578] {strides = array<i32>} : memref<768x128xbf16, #tpu.memory_space<vmem>>, vector<32xbf16>,
        %add3A_1580 = arith.constant 256 : i32
        %add3A_1581 = arith.addi %add3A_1525, %add3A_1580 : i32
        %get3A_1582 = arith.index_cast %add3A_1581 : i32 to index
        %get3A_1583 = arith.constant 64 : index
        %get3A_1584 = tpu.vector_load %arg8[%get3A_1582, %get3A_1583] {strides = array<i32>} : memref<768x128xbf16, #tpu.memory_space<vmem>>, vector<32xbf16>,
        %sub3A_1585 = arith.subf %get3A_1584, %get3A_1579 : vector<32xbf16>
        %add3A_1586 = arith.addf %get3A_1574, %get3A_1574 : vector<32xbf16>
        %sub3A_1587 = arith.subf %add3A_1586, %get3A_1579 : vector<32xbf16>
        %sub3A_1588 = arith.subf %sub3A_1587, %get3A_1584 : vector<32xbf16>
        %mul3A_1589 = arith.mulf %sub3A_1585, %sub3A_1588 : vector<32xbf16>
        %unpack3A_1590 = tpu.unpack_subelements %mul3A_1589, 0 {pack_format = #tpu.pack_format<interleaved>} : vector<32xbf16> -> vector<16xf32>
        %unpack3A_1591 = tpu.unpack_subelements %mul3A_1589, 1 {pack_format = #tpu.pack_format<interleaved>} : vector<32xbf16> -> vector<16xf32>
        %add3A_1592 = arith.addf %unpack3A_1590, %unpack3A_1591 : vector<16xf32>
        %add3A_1593 = arith.addf %add3A_1571, %add3A_1592 : vector<16xf32>
        %get3A_1594 = arith.index_cast %add3A_1525 : i32 to index
        %get3A_1595 = arith.constant 96 : index
        %get3A_1596 = tpu.vector_load %arg8[%get3A_1594, %get3A_1595] {strides = array<i32>} : memref<768x128xbf16, #tpu.memory_space<vmem>>, vector<32xbf16>,
        %add3A_1597 = arith.constant 128 : i32
        %add3A_1598 = arith.addi %add3A_1525, %add3A_1597 : i32
        %get3A_1599 = arith.index_cast %add3A_1598 : i32 to index
        %get3A_1600 = arith.constant 96 : index
        %get3A_1601 = tpu.vector_load %arg8[%get3A_1599, %get3A_1600] {strides = array<i32>} : memref<768x128xbf16, #tpu.memory_space<vmem>>, vector<32xbf16>,
        %add3A_1602 = arith.constant 256 : i32
        %add3A_1603 = arith.addi %add3A_1525, %add3A_1602 : i32
        %get3A_1604 = arith.index_cast %add3A_1603 : i32 to index
        %get3A_1605 = arith.constant 96 : index
        %get3A_1606 = tpu.vector_load %arg8[%get3A_1604, %get3A_1605] {strides = array<i32>} : memref<768x128xbf16, #tpu.memory_space<vmem>>, vector<32xbf16>,
        %sub3A_1607 = arith.subf %get3A_1606, %get3A_1601 : vector<32xbf16>
        %add3A_1608 = arith.addf %get3A_1596, %get3A_1596 : vector<32xbf16>
        %sub3A_1609 = arith.subf %add3A_1608, %get3A_1601 : vector<32xbf16>
        %sub3A_1610 = arith.subf %sub3A_1609, %get3A_1606 : vector<32xbf16>
        %mul3A_1611 = arith.mulf %sub3A_1607, %sub3A_1610 : vector<32xbf16>
        %unpack3A_1612 = tpu.unpack_subelements %mul3A_1611, 0 {pack_format = #tpu.pack_format<interleaved>} : vector<32xbf16> -> vector<16xf32>
        %unpack3A_1613 = tpu.unpack_subelements %mul3A_1611, 1 {pack_format = #tpu.pack_format<interleaved>} : vector<32xbf16> -> vector<16xf32>
        %add3A_1614 = arith.addf %unpack3A_1612, %unpack3A_1613 : vector<16xf32>
        %add3A_1615 = arith.addf %add3A_1593, %add3A_1614 : vector<16xf32>
        %add3A_1616 = arith.constant 15 : i32
        %add3A_1617 = vector.broadcast %add3A_1616 : i32 to vector<16xi32>
        %add3A_1618 = arith.addi %mul3A_3, %add3A_1617 : vector<16xi32>
        tpu.vector_store_idx %arg9[%add3A_1618], %add3A_1615 : memref<256xf32, #tpu.memory_space<vmem>>[vector<16xi32>], vector<16xf32>,
        %get3A_1619 = arith.constant 0 : index
        %get3A_1620 = tpu.vector_load %arg9[%get3A_1619] {strides = array<i32>} : memref<256xf32, #tpu.memory_space<vmem>>, vector<16xf32>,
        %get3A_1621 = arith.constant 16 : index
        %get3A_1622 = tpu.vector_load %arg9[%get3A_1621] {strides = array<i32>} : memref<256xf32, #tpu.memory_space<vmem>>, vector<16xf32>,
        %get3A_1623 = arith.constant 32 : index
        %get3A_1624 = tpu.vector_load %arg9[%get3A_1623] {strides = array<i32>} : memref<256xf32, #tpu.memory_space<vmem>>, vector<16xf32>,
        %get3A_1625 = arith.constant 48 : index
        %get3A_1626 = tpu.vector_load %arg9[%get3A_1625] {strides = array<i32>} : memref<256xf32, #tpu.memory_space<vmem>>, vector<16xf32>,
        %get3A_1627 = arith.constant 64 : index
        %get3A_1628 = tpu.vector_load %arg9[%get3A_1627] {strides = array<i32>} : memref<256xf32, #tpu.memory_space<vmem>>, vector<16xf32>,
        %get3A_1629 = arith.constant 80 : index
        %get3A_1630 = tpu.vector_load %arg9[%get3A_1629] {strides = array<i32>} : memref<256xf32, #tpu.memory_space<vmem>>, vector<16xf32>,
        %get3A_1631 = arith.constant 96 : index
        %get3A_1632 = tpu.vector_load %arg9[%get3A_1631] {strides = array<i32>} : memref<256xf32, #tpu.memory_space<vmem>>, vector<16xf32>,
        %get3A_1633 = arith.constant 112 : index
        %get3A_1634 = tpu.vector_load %arg9[%get3A_1633] {strides = array<i32>} : memref<256xf32, #tpu.memory_space<vmem>>, vector<16xf32>,
        %get3A_1635 = arith.constant 128 : index
        %get3A_1636 = tpu.vector_load %arg9[%get3A_1635] {strides = array<i32>} : memref<256xf32, #tpu.memory_space<vmem>>, vector<16xf32>,
        %get3A_1637 = arith.constant 144 : index
        %get3A_1638 = tpu.vector_load %arg9[%get3A_1637] {strides = array<i32>} : memref<256xf32, #tpu.memory_space<vmem>>, vector<16xf32>,
        %get3A_1639 = arith.constant 160 : index
        %get3A_1640 = tpu.vector_load %arg9[%get3A_1639] {strides = array<i32>} : memref<256xf32, #tpu.memory_space<vmem>>, vector<16xf32>,
        %get3A_1641 = arith.constant 176 : index
        %get3A_1642 = tpu.vector_load %arg9[%get3A_1641] {strides = array<i32>} : memref<256xf32, #tpu.memory_space<vmem>>, vector<16xf32>,
        %get3A_1643 = arith.constant 192 : index
        %get3A_1644 = tpu.vector_load %arg9[%get3A_1643] {strides = array<i32>} : memref<256xf32, #tpu.memory_space<vmem>>, vector<16xf32>,
        %get3A_1645 = arith.constant 208 : index
        %get3A_1646 = tpu.vector_load %arg9[%get3A_1645] {strides = array<i32>} : memref<256xf32, #tpu.memory_space<vmem>>, vector<16xf32>,
        %get3A_1647 = arith.constant 224 : index
        %get3A_1648 = tpu.vector_load %arg9[%get3A_1647] {strides = array<i32>} : memref<256xf32, #tpu.memory_space<vmem>>, vector<16xf32>,
        %get3A_1649 = arith.constant 240 : index
        %get3A_1650 = tpu.vector_load %arg9[%get3A_1649] {strides = array<i32>} : memref<256xf32, #tpu.memory_space<vmem>>, vector<16xf32>,
        %add3A_1651 = arith.addf %get3A_1620, %get3A_1622 : vector<16xf32>
        %add3A_1652 = arith.addf %get3A_1624, %get3A_1626 : vector<16xf32>
        %add3A_1653 = arith.addf %get3A_1628, %get3A_1630 : vector<16xf32>
        %add3A_1654 = arith.addf %get3A_1632, %get3A_1634 : vector<16xf32>
        %add3A_1655 = arith.addf %get3A_1636, %get3A_1638 : vector<16xf32>
        %add3A_1656 = arith.addf %get3A_1640, %get3A_1642 : vector<16xf32>
        %add3A_1657 = arith.addf %get3A_1644, %get3A_1646 : vector<16xf32>
        %add3A_1658 = arith.addf %get3A_1648, %get3A_1650 : vector<16xf32>
        %add3A_1659 = arith.addf %add3A_1651, %add3A_1652 : vector<16xf32>
        %add3A_1660 = arith.addf %add3A_1653, %add3A_1654 : vector<16xf32>
        %add3A_1661 = arith.addf %add3A_1655, %add3A_1656 : vector<16xf32>
        %add3A_1662 = arith.addf %add3A_1657, %add3A_1658 : vector<16xf32>
        %add3A_1663 = arith.addf %add3A_1659, %add3A_1660 : vector<16xf32>
        %add3A_1664 = arith.addf %add3A_1661, %add3A_1662 : vector<16xf32>
        %add3A_1665 = arith.addf %add3A_1663, %add3A_1664 : vector<16xf32>
        %add3A_1666 = arith.constant 1.000000e+00 : f32
        %add3A_1667 = vector.broadcast %add3A_1666 : f32 to vector<16xf32>
        %add3A_1668 = arith.addf %add3A_1665, %add3A_1667 : vector<16xf32>
        %max3A = arith.constant 0.000000e+00 : f32
        %max3A_1669 = vector.broadcast %max3A : f32 to vector<16xf32>
        %max3A_1670 = arith.maximumf %add3A_1668, %max3A_1669 : vector<16xf32>
        %add3A_1671 = arith.addf %scan3A_98, %max3A_1670 : vector<16xf32>
        scf.yield %add3A_1671 : vector<16xf32>
      }
      %scan3A_96 = arith.constant 8 : i32
      scf.yield %scan3A_95 : vector<16xf32>
    }
    %scan3A_40 = arith.constant 4 : i32
    %swap3A = arith.constant 0 : index
    %swap3A_41 = tpu.vector_load %arg10[%swap3A] {strides = array<i32>} : memref<16xf32, #tpu.memory_space<vmem>>, vector<16xf32>,
    tpu.vector_store %arg10[%swap3A], %scan3A_39 {strides = array<i32>} : memref<16xf32, #tpu.memory_space<vmem>>, vector<16xf32>,
    %mul3A_42 = arith.constant 16 : i32
    %mul3A_43 = arith.muli %add3A, %mul3A_42 : i32
    "tpu.region"() ({
      %run_scoped3A_44 = tpu.sem_alloc : memref<!tpu.dma_semaphore, #tpu.memory_space<semaphore_mem>>
      %dma_start3A_45 = tpu.memref_slice %arg4[%mul3A_43] : memref<512xf32, #tpu.memory_space<hbm>> -> memref<16xf32, #tpu.memory_space<hbm>>
      %dma_start3A_46 = tpu.memref_slice %arg4[%mul3A_43] : memref<512xf32, #tpu.memory_space<hbm>> -> memref<16xf32, #tpu.memory_space<hbm>>
      tpu.enqueue_dma source(%arg10 : memref<16xf32, #tpu.memory_space<vmem>>) target(%dma_start3A_46 : memref<16xf32, #tpu.memory_space<hbm>>) target_semaphore(%run_scoped3A_44 : memref<!tpu.dma_semaphore, #tpu.memory_space<semaphore_mem>>)
      %dma_wait3A = tpu.memref_slice %arg4[%mul3A_43] : memref<512xf32, #tpu.memory_space<hbm>> -> memref<16xf32, #tpu.memory_space<hbm>>
      %dma_wait3A_47 = tpu.memref_slice %arg4[%mul3A_43] : memref<512xf32, #tpu.memory_space<hbm>> -> memref<16xf32, #tpu.memory_space<hbm>>
      tpu.wait_dma2 semaphore(%run_scoped3A_44 : memref<!tpu.dma_semaphore, #tpu.memory_space<semaphore_mem>>) src(%arg10 : memref<16xf32, #tpu.memory_space<vmem>>) dst(%dma_wait3A_47 : memref<16xf32, #tpu.memory_space<hbm>>)
      tpu.yield
    }) : () -> ()
    return
  }
}

</mosaic_0001>

<sc_bundles>
// kernel: _triplet_loss_sc.3.cloned.1.call-start
scs
__scs_entry_jumppad:
0x0: {  	(pc) =	sbr.rel $0x88, $3  }
0x1: {  	(tag) =	ssettag $0x0;
	lr =	simm.s32 $0x1  }
0x2: {  	[smem:$0x3F9F] =	sst lr;
	_ =	strace $0xD0000000  }
0x3: {  	_ = 	snop  }
0x4: {  	_ = 	snop  }
0x5: {  	_ = 	snop  }
0x6: {  	_ = 	snop  }
0x7: {  	_ = 	snop  }
__scs_overlays_trampoline_lowered:
0x8: {  	[smem:$0x3FAE] =	sst s0  }
0x9: {  	[smem:$0x3FAF] =	sst s1  }
0xa: {  	[smem:$0x3FB0] =	sst s2  }
0xb: {  	[smem:$0x3FB1] =	sst s3  }
0xc: {  	[smem:$0x3FB2] =	sst s4  }
0xd: {  	[smem:$0x3FB3] =	sst s5  }
0xe: {  	[smem:$0x3FB4] =	sst s6  }
0xf: {  	[smem:$0x3FB5] =	sst s7  }
0x10: {  	[smem:$0x3FB6] =	sst s8  }
0x11: {  	[smem:$0x3FB7] =	sst s9;
	s0 =	simm.s32 @!p0 $0x0  }
0x12: {  	s1 =	sld [smem:$0x3F9D];
	s0 =	simm.s32 @p0 $0x1  }
0x13: {  	[smem:$0x3FB8] =	sst s0;
	s0 =	simm.s32 @!p1 $0x0  }
0x14: {  	s2 =	sld [smem:$0x3F9C];
	s0 =	simm.s32 @p1 $0x1  }
0x15: {  	[smem:$0x3FB9] =	sst s0;
	s0 =	simm.s32 @!p2 $0x0  }
0x16: {  	s3 =	sld [smem:$0x3FDB];
	s0 =	simm.s32 @p2 $0x1  }
0x17: {  	s4 =	simm.s32 $0x1BF5;
	[smem:$0x3FBB] =	sst s0  }
0x18: {  	s0 =	sld [smem:$0x3F9E];
	_ =	swait.ge [sflag:s4], $0x0  }
0x19: {  	s7 =	sld [smem:$0x3F9F]  }
0x1a: {  	s8 =	sadd.s32 $0xFFFFE003, lr  }
0x1b: {  	s9 =	sadd.s32 $0xFFFFFEF7, lr;
	s5 =	simm.s32 $0xFFFFFFFF;
	p2 =	slt.u32 s8, $0xFFFFF086  }
0x1c: {  	p1 =	slt.u32 s9, $0xF7A;
	s5 =	simm.s32 @!p2 $0x0  }
0x1d: {  	s5 =	simm.s32 @p1 $0x1;
	p0 =	seq.s32 s7, s2  }
0x1e: {  	s7 =	smul.u32 @!p0 $0xF7A, s2;
	p2 =	seq.s32 @!p0 s5, $0x0  }
0x1f: {  	s9 =	smul.u32 $0xF7A, s1;
	s8 =	simm.s32 @!p0 $0x1BF5;
	p2 =	por !p2, p0  }
0x20: {  	[sflag:s8] =	ssyncset.s32 @!p0 $0xFFFFF086;
	s6 =	sadd.s32 @!p0 s3, s7;
	s7 =	simm.s32 @!p0 $0x108  }
0x21: {  	s3 =	sadd.s32 s3, s9;
	s6 =	sadd.s32 @!p0 $0x88, s6;
	s7 =	simm.s32 @p2 $0x1082  }
0x22: {  	[simem:s7], [sflag:s8] =	dma.local @!p0 [hbm:s6], $0xF7A  }
0x23: {  	s9 =	sor.u32 $0xD0000000, s2;
	s6 =	simm.s32 $0x108;
	_ =	swait.ge @!p0 [sflag:s8], $0x0  }
0x24: {  	s3 =	sadd.s32 $0x88, s3;
	s6 =	simm.s32 @!p1 $0x1082;
	[sflag:s4] =	ssyncset.s32 $0xFFFFF086  }
0x25: {  	[simem:s6], [sflag:s4] =	dma.local [hbm:s3], $0xF7A  }
0x26: {  	[smem:$0x3F9F] =	sst s1;
	(tag) =	ssettag s2;
	_ =	strace s9  }
0x27: {  	s1 =	sld [smem:$0x3FAF]  }
0x28: {  	s2 =	sld [smem:$0x3FB0]  }
0x29: {  	s4 =	sld [smem:$0x3FB2]  }
0x2a: {  	p0 =	seq.s32 s5, $0x0;
	s5 =	sld [smem:$0x3FB3]  }
0x2b: {  	s6 =	sld [smem:$0x3FB4]  }
0x2c: {  	s7 =	sld [smem:$0x3FB5]  }
0x2d: {  	s3 =	simm.s32 $0x108;
	s8 =	sld [smem:$0x3FB6]  }
0x2e: {  	s3 =	simm.s32 @!p0 $0x1082;
	s9 =	sld [smem:$0x3FB7]  }
0x2f: {  	lr =	sadd.s32 s0, s3;
	s0 =	sld [smem:$0x3FAE]  }
0x30: {  	s3 =	sld [smem:$0x3FB1]  }
0x31: {  	[smem:$0x3FBA] =	sst s10  }
0x32: {  	s10 =	sld [smem:$0x3FB8];
	_ =	sdelay $0x3  }
0x33: {  	p0 =	seq.s32 s10, $0x1;
	s10 =	sld [smem:$0x3FBA];
	_ =	sdelay $0x3  }
0x34: {  	[smem:$0x3FBA] =	sst s10  }
0x35: {  	s10 =	sld [smem:$0x3FB9];
	_ =	sdelay $0x3  }
0x36: {  	p1 =	seq.s32 s10, $0x1;
	s10 =	sld [smem:$0x3FBA];
	_ =	sdelay $0x3  }
0x37: {  	[smem:$0x3FBA] =	sst s10  }
0x38: {  	s10 =	sld [smem:$0x3FBB]  }
0x39: {  	_ = 	snop;
	(pc) =	sbr.ind lr, $3  }
0x3a: {  	_ = 	snop  }
0x3b: {  	_ = 	snop  }
0x3c: {  	p2 =	seq.s32 s10, $0x1;
	s10 =	sld [smem:$0x3FBA]  }
0x3d: {  	_ =	shalt  }
0x3e: {  	_ =	shalt  }
0x3f: {  	_ =	shalt  }
0x40: {  	_ =	shalt  }
0x41: {  	_ =	shalt  }
0x42: {  	_ =	shalt  }
0x43: {  	_ =	shalt  }
0x44: {  	_ =	shalt  }
0x45: {  	_ =	shalt  }
0x46: {  	_ =	shalt  }
0x47: {  	_ =	shalt  }
0x48: {  	_ =	shalt  }
0x49: {  	_ =	shalt  }
0x4a: {  	_ =	shalt  }
0x4b: {  	_ =	shalt  }
0x4c: {  	_ =	shalt  }
0x4d: {  	_ =	shalt  }
0x4e: {  	_ =	shalt  }
0x4f: {  	_ =	shalt  }
0x50: {  	_ =	shalt  }
0x51: {  	_ =	shalt  }
0x52: {  	_ =	shalt  }
0x53: {  	_ =	shalt  }
0x54: {  	_ =	shalt  }
0x55: {  	_ =	shalt  }
0x56: {  	_ =	shalt  }
0x57: {  	_ =	shalt  }
0x58: {  	_ =	shalt  }
0x59: {  	_ =	shalt  }
0x5a: {  	_ =	shalt  }
0x5b: {  	_ =	shalt  }
0x5c: {  	_ =	shalt  }
0x5d: {  	_ =	shalt  }
0x5e: {  	_ =	shalt  }
0x5f: {  	_ =	shalt  }
0x60: {  	_ =	shalt  }
0x61: {  	_ =	shalt  }
0x62: {  	_ =	shalt  }
0x63: {  	_ =	shalt  }
0x64: {  	_ =	shalt  }
0x65: {  	_ =	shalt  }
0x66: {  	_ =	shalt  }
0x67: {  	_ =	shalt  }
0x68: {  	_ =	shalt  }
0x69: {  	_ =	shalt  }
0x6a: {  	_ =	shalt  }
0x6b: {  	_ =	shalt  }
0x6c: {  	_ =	shalt  }
0x6d: {  	_ =	shalt  }
0x6e: {  	_ =	shalt  }
0x6f: {  	_ =	shalt  }
0x70: {  	_ =	shalt  }
0x71: {  	_ =	shalt  }
0x72: {  	_ =	shalt  }
0x73: {  	_ =	shalt  }
0x74: {  	_ =	shalt  }
0x75: {  	_ =	shalt  }
0x76: {  	_ =	shalt  }
0x77: {  	_ =	shalt  }
0x78: {  	_ =	shalt  }
0x79: {  	_ =	shalt  }
0x7a: {  	_ =	shalt  }
0x7b: {  	_ =	shalt  }
0x7c: {  	_ =	shalt  }
0x7d: {  	_ =	shalt  }
0x7e: {  	_ =	shalt  }
0x7f: {  	_ =	shalt  }
0x80: {  	_ =	shalt  }
0x81: {  	_ =	shalt  }
0x82: {  	_ =	shalt  }
0x83: {  	_ =	shalt  }
0x84: {  	_ =	shalt  }
0x85: {  	_ =	shalt  }
0x86: {  	_ =	shalt  }
0x87: {  	_ =	shalt  }
.Lfunc_end0:
.L_simem_size_0:
called_computation_lowered:
.L_overlay_start_0:
0x88: {  	s2 =	sld [smem:$0x3FD9]  }
0x89: {  	s3 =	sld [smem:$0x3FFE];
	_ =	sdelay $0x1  }
0x8a: {  	s1 =	srdreg.scid  }
0x8b: {  	s0 =	sand.u32 $0x1, s1  }
0x8c: {  	s17 =	sshll.u32 s0, $0xA;
	s2 =	sadd.s32 s3, s2  }
0x8d: {  	s2 =	sadd.s32 s2, s17  }
0x8e: {  	[smem:$0x3FC6] =	sst s2  }
0x8f: {  	_ = 	snop  }
0x90: {  	s2 =	sld [smem:$0x3FC8];
	(tm) =	ssettm $0x1  }
0x91: {  	s18 =	sld [smem:$0x3FFB];
	_ =	sdelay $0x3  }
0x92: {  	_ =	strace s18  }
0x93: {  	s3 =	sld [smem:$0x3FFC];
	_ =	sdelay $0x3  }
0x94: {  	_ =	strace s3  }
0x95: {  	s3 =	sld [smem:$0x3FFD];
	_ =	sdelay $0x3  }
0x96: {  	_ =	strace s3  }
0x97: {  	_ =	strace $0x8FFFFFFF  }
0x98: {  	s19 =	sld [smem:$0x3FDB];
	_ =	sdelay $0x1  }
0x99: {  	s4 =	simm.s32 $_scs_section_size  }
0x9a: {  	s5 =	simm.s32 $_size__tile_overlayer_lowered;
	s6 =	simm.s32 $_tile_overlayer_lowered  }
0x9b: {  	s22 =	simm.s32 $0x1BFF;
	s21 =	sshll.u32 s6, $0x1;
	s3 =	sadd.s32 s4, s19  }
0x9c: {  	s7 =	simm.s32 $0x0;
	s20 =	sshll.u32 s5, $0x1;
	s5 =	sadd.s32 s21, s3  }
0x9d: {  	[timem:s7], [sflag:s22] =	dma.local [hbm:s5], s20  }
0x9e: {  	_ =	swait.ge [sflag:s22], s20  }
0x9f: {  	s4 =	ssub.s32 $0x0, s20;
	[sflag:s22] =	ssyncset.done $0x0  }
0xa0: {  	[sflag:s22] =	ssyncadd.s32 s4;
	_ =	sdelay $0x1  }
0xa1: {  	s23 =	simm.s32 $0x1B8B  }
0xa2: {  	_ =	swait.ge [sflag:s23], $0x1  }
0xa3: {  	[sflag:s23] =	ssyncset.done $0x0  }
0xa4: {  	s25 =	simm.s32 $0x1B8E;
	s24 =	sld [smem:$0x3FFE];
	[sflag:s23] =	ssyncadd.s32 $0xFFFFFFFF  }
0xa5: {  	s26 =	simm.s32 $execute0_lowered;
	[smem:$0x3FD2] =	sst s25  }
0xa6: {  	s5 =	sshll.u32 s26, $0x1;
	_ =	strace $0x80000046;
	[dreg:$0x1] =	wrdreg $0xFFFFFFFF  }
0xa7: {  	s28 =	simm.s32 $_size_execute0_lowered;
	s3 =	sadd.s32 s3, s5;
	[dreg:$0x0] =	wrdreg $0x0  }
0xa8: {  	s5 =	sshll.u32 s28, $0x1;
	[dreg:$0x2] =	wrdreg s3  }
0xa9: {  	[dreg:$0x3] =	wrdreg s5  }
0xaa: {  	[dreg:$0x4] =	wrdreg $0xC0  }
0xab: {  	_ =	task [dreg:s7], $0x5FFFF  }
0xac: {  	[dreg:$0x1] =	wrdreg $0xFFFFFFFF  }
0xad: {  	[dreg:$0x0] =	wrdreg $0x60  }
0xae: {  	[dreg:$0x2] =	wrdreg s24  }
0xaf: {  	[dreg:$0x3] =	wrdreg s2  }
0xb0: {  	[dreg:$0x4] =	wrdreg $0x9  }
0xb1: {  	_ =	task.clear_ibuf [dreg:s7], $0x5FFFF;
	_ =	strace $0x90000046  }
0xb2: {  	s29 =	simm.s32 $0x9;
	_ =	strace $0x80000048  }
0xb3: {  	_ =	swait.ge [sflag:s29], $0x1  }
0xb4: {  	[sflag:s29] =	ssyncadd.s32 $0xFFFFFFFF  }
0xb5: {  	_ =	strace $0x90000048  }
0xb6: {  	_ =	sfence  }
0xb7: {  	s30 =	sld [smem:$0x0];
	_ =	sdelay $0x2  }
0xb8: {  	s31 =	sshll.u32 s1, $0xD;
	s1 =	sshrl.u32 s1, $0x2  }
0xb9: {  	s3 =	sand.u32 $0x4000, s31;
	s1 =	sadd.s32 s1, s30  }
0xba: {  	s0 =	sor.u32 s3, s0;
	s1 =	sshll.u32 s1, $0x11  }
0xbb: {  	s0 =	sor.u32 s1, s0  }
0xbc: {  	s0 =	sadd.s32 $0x8F2B, s0  }
0xbd: {  	[sflag:s0] =	ssyncadd.remote.s32 $0x1  }
0xbe: {  	_ =	sfence.sel $0xFFFF  }
0xbf: {  	[dreg:$0x0] =	wrdreg $0xFFFFFFFF;
	(pc) =	sbr.abs _section_cstart, $3  }
0xc0: {  	[dreg:$0x1] =	wrdreg $0xFFFFFFFF  }
0xc1: {  	_ =	task.clear_ibuf [dreg:s7], $0x2FFFF;
	_ =	strace $0x9FFFFFFF  }
0xc2: {  	(tm) =	ssettm $0x7FFFFFFF  }
0xc3: {  	_ =	shalt  }
tec
execute0_lowered:
.L_overlay_start_1:
0x0: {  	(tag) =	ssettag $0x1  }
0x1: {  	s1 =	rddreg [dreg:$0x0]  }
0x2: {  	s4 =	rddreg [dreg:$0x1]  }
0x3: {  	s0 =	rddreg [dreg:$0x2]  }
0x4: {  	s3 =	simm.s32 $0x0;
	s5 =	srdreg.scid;
	s2 =	stileid.u32  }
0x5: {  	s9 =	simm.s32 $0x2;
	s10 =	simm.s32 $0x200;
	s11 =	simm.s32 $0x400  }
0x6: {  	v0 =	vlaneseq.u32;
	s12 =	simm.s32 $0x80;
	s13 =	simm.s32 $0x600;
	s14 =	simm.s32 $0x2600  }
0x7: {  	s15 =	simm.s32 $0x4600;
	s16 =	simm.s32 $0x1;
	s17 =	simm.s32 $0xC600;
	v0 =	vmul.u32 $0x10, v0  }
0x8: {  	s18 =	simm.s32 $0xC700;
	s5 =	sand.u32 $0x1, s5;
	s6 =	sshll.u32 s2, $0x1  }
0x9: {  	s19 =	simm.s32 $0x0;
	[smem:$0x7FF] =	sst s3;
	s6 =	sor.u32 s5, s6;
	v1 =	vor.u32 $0x1, v0;
	v2 =	vor.u32 $0x2, v0;
	v3 =	vor.u32 $0x3, v0  }
0xa: {  	s5 =	ssub.s32 $0x2, s5;
	s7 =	sshll.u32 s6, $0x1;
	s6 =	sshll.u32 s6, $0x6;
	v4 =	vor.u32 $0x4, v0;
	v5 =	vor.u32 $0x5, v0;
	v6 =	vor.u32 $0x6, v0  }
0xb: {  	_ =	strace $0x80000047;
	s8 =	sshrl.u32 s5, $0x1;
	v7 =	vor.u32 $0x7, v0;
	v8 =	vor.u32 $0x8, v0;
	v9 =	vor.u32 $0x9, v0;
	s4 =	sadd.s32 s4, s6  }
0xc: {  	v10 =	vor.u32 $0xA, v0;
	v11 =	vor.u32 $0xB, v0;
	v12 =	vor.u32 $0xC, v0;
	s7 =	sadd.s32 s7, s1;
	s8 =	ssub.s32 s5, s8;
	s5 =	sadd.s32 $0x800, s4  }
0xd: {  	v13 =	vor.u32 $0xD, v0;
	v14 =	vor.u32 $0xE, v0;
	v15 =	vor.u32 $0xF, v0;
	s6 =	sadd.s32 $0x1000, s4;
	s7 =	sadd.s32 $0x8000, s7;
	s8 =	smax.u32 s8, $0x1  }
.LBB2_1:
0xe: {  	[tilespmem:s3], [sflag:$0x2] =	stream.linear.gather [hbm4b:s4+s3], $0x200, $0x38;
	[tilespmem:$0xC710] =	vst v63  }
0xf: {  	_ =	swait.ge [sflag:s9], $0x200  }
0x10: {  	[sflag:s9] =	ssyncset.done $0x0  }
0x11: {  	[sflag:s9] =	ssyncadd.s32 $0xFFFFFE00  }
0x12: {  	[tilespmem:s10], [sflag:$0x2] =	stream.linear.gather [hbm4b:s5+s3], $0x200, $0x38;
	[tilespmem:$0xC710] =	vst v63  }
0x13: {  	_ =	swait.ge [sflag:s9], $0x200  }
0x14: {  	[sflag:s9] =	ssyncset.done $0x0  }
0x15: {  	[sflag:s9] =	ssyncadd.s32 $0xFFFFFE00  }
0x16: {  	[tilespmem:s11], [sflag:$0x2] =	stream.linear.gather [hbm4b:s6+s3], $0x200, $0x38;
	[tilespmem:$0xC710] =	vst v63  }
0x17: {  	_ =	swait.ge [sflag:s9], $0x200  }
0x18: {  	[sflag:s9] =	ssyncset.done $0x0  }
0x19: {  	[sflag:s9] =	ssyncadd.s32 $0xFFFFFE00  }
0x1a: {  	[tilespmem:s13], [sflag:$0x1] =	stream.indirect.gather [hbm4b:s1+s12], $0x40, s3, s12, $0xb8;
	[tilespmem:$0xC710] =	vst v63  }
0x1b: {  	_ = 	snop  }
0x1c: {  	[tilespmem:s14], [sflag:$0x1] =	stream.indirect.gather [hbm4b:s1+s12], $0x40, s10, s12, $0xb8;
	[tilespmem:$0xC710] =	vst v63  }
0x1d: {  	s20 =	simm.s32 $0x0  }
0x1e: {  	v16 =	vimm.f32 $0.0e+00;
	[tilespmem:s15], [sflag:$0x1] =	stream.indirect.gather [hbm4b:s1+s12], $0x40, s11, s12, $0xb8;
	[tilespmem:$0xC710] =	vst v63  }
.LBB2_3:
0x1f: {  	_ =	swait.ge [sflag:s16], $0x2000  }
0x20: {  	[sflag:s16] =	ssyncset.done $0x0  }
0x21: {  	s21 =	smov.u32 s20;
	[sflag:s16] =	ssyncadd.s32 $0xFFFFE000  }
0x22: {  	s20 =	sadd.s32 $0x1, s20;
	p0 =	seq.s32 s21, $0x3;
	_ =	swait.ge [sflag:s16], $0x2000  }
0x23: {  	s21 =	sand.u32 $0x1, s21;
	s22 =	sand.u32 @!p0 $0x1, s20;
	[sflag:s16] =	ssyncset.done $0x0  }
0x24: {  	s23 =	sshll.u32 @!p0 s20, $0x7;
	p1 =	seq.s32 @!p0 s22, $0x1;
	[sflag:s16] =	ssyncadd.s32 $0xFFFFE000  }
0x25: {  	s22 =	simm.s32 @!p0 $0x6000;
	p1 =	por !p1, p0;
	_ =	swait.ge [sflag:s16], $0x2000  }
0x26: {  	s24 =	simm.s32 @!p0 $0x80;
	s22 =	simm.s32 @p1 $0x0;
	[sflag:s16] =	ssyncset.done $0x0  }
0x27: {  	p1 =	seq.s32 s21, $0x1;
	s21 =	sor.u32 @!p0 $0x600, s22;
	[sflag:s16] =	ssyncadd.s32 $0xFFFFE000  }
0x28: {  	[tilespmem:s21], [sflag:$0x1] =	stream.indirect.gather @!p0 [hbm4b:s1+s24], $0x40, s23, s24, $0xb8;
	[tilespmem:$0xC710] =	vst v63  }
0x29: {  	s21 =	simm.s32 $0xC000  }
0x2a: {  	s21 =	simm.s32 @!p1 $0x0  }
0x2b: {  	s21 =	sshrl.u32 s21, $0x1  }
0x2c: {  	s31 =	sadd.s32 $0x600, s21  }
0x2d: {  	s26 =	sadd.s32 @!p0 $0x200, s23;
	s25 =	sadd.s32 @!p0 $0x2600, s22;
	v17 =	vmov s31  }
0x2e: {  	[tilespmem:s25], [sflag:$0x1] =	stream.indirect.gather @!p0 [hbm4b:s1+s24], $0x40, s26, s24, $0xb8;
	[tilespmem:$0xC710] =	vst v63  }
0x2f: {  	s22 =	sadd.s32 @!p0 $0x4600, s22;
	s23 =	sadd.s32 @!p0 $0x400, s23;
	s21 =	simm.s32 $0x0  }
0x30: {  	[tilespmem:s22], [sflag:$0x1] =	stream.indirect.gather @!p0 [hbm4b:s1+s24], $0x40, s23, s24, $0xb8;
	[tilespmem:$0xC710] =	vst v63  }
.LBB2_4:
0x31: {  	s22 =	sshra.s32 s21, $0x2  }
0x32: {  	v18 =	vld.idx.msk [tilespmem:v17+s22+$0x0 ss:$0x1], $0xffff  }
0x33: {  	v19 =	vld.idx.msk [tilespmem:v17+s22+$0x2000 ss:$0x1], $0xffff  }
0x34: {  	v20 =	vld.idx.msk [tilespmem:v17+s22+$0x4000 ss:$0x1], $0xffff  }
0x35: {  	v21 =	vld.idx.msk [tilespmem:v17+s22+$0x10 ss:$0x1], $0xffff  }
0x36: {  	v24 =	vld.idx.msk [tilespmem:v17+s22+$0x20 ss:$0x1], $0xffff  }
0x37: {  	v25 =	vld.idx.msk [tilespmem:v17+s22+$0x2020 ss:$0x1], $0xffff  }
0x38: {  	v26 =	vld.idx.msk [tilespmem:v17+s22+$0x30 ss:$0x1], $0xffff  }
0x39: {  	v27 =	vld.idx.msk [tilespmem:v17+s22+$0x4020 ss:$0x1], $0xffff  }
0x3a: {  	v22 =	vld.idx.msk [tilespmem:v17+s22+$0x2010 ss:$0x1], $0xffff  }
0x3b: {  	v31 =	vld.idx.msk [tilespmem:v17+s22+$0x2030 ss:$0x1], $0xffff;
	v18 =	vadd.bf16 v18, v18  }
0x3c: {  	v23 =	vld.idx.msk [tilespmem:v17+s22+$0x4010 ss:$0x1], $0xffff;
	v21 =	vadd.bf16 v21, v21;
	v24 =	vadd.bf16 v24, v24  }
0x3d: {  	v32 =	vld.idx.msk [tilespmem:v17+s22+$0x4030 ss:$0x1], $0xffff;
	v34 =	vadd.bf16 v26, v26;
	v18 =	vsub.bf16 v18, v19  }
0x3e: {  	v36 =	vsub.bf16 v27, v25;
	v19 =	vsub.bf16 v20, v19  }
0x3f: {  	v30 =	vsub.bf16 v21, v22;
	v18 =	vsub.bf16 v18, v20  }
0x40: {  	v33 =	vsub.bf16 v24, v25;
	v24 =	vsub.bf16 v34, v31  }
0x41: {  	v20 =	vsub.bf16 v30, v23;
	v18 =	vmul.bf16 v18, v19;
	v19 =	vsub.bf16 v23, v22  }
0x42: {  	v21 =	vsub.bf16 v32, v31;
	v23 =	vsub.bf16 v33, v27  }
0x43: {  	v35 =	vunpack.i.u.bf16.f32 v18;
	v19 =	vmul.bf16 v20, v19;
	v18 =	vunpack.i.l.bf16.f32 v18  }
0x44: {  	v22 =	vsub.bf16 v24, v32;
	v18 =	vadd.f32 v18, v35  }
0x45: {  	v20 =	vmul.bf16 v23, v36;
	v37 =	vunpack.i.u.bf16.f32 v19;
	v19 =	vunpack.i.l.bf16.f32 v19  }
0x46: {  	v18 =	vadd.f32 $0.0e+00, v18;
	v19 =	vadd.f32 v19, v37  }
0x47: {  	v21 =	vmul.bf16 v22, v21;
	v23 =	vunpack.i.u.bf16.f32 v20;
	v20 =	vunpack.i.l.bf16.f32 v20  }
0x48: {  	v18 =	vadd.f32 v19, v18;
	v19 =	vadd.f32 v20, v23  }
0x49: {  	v38 =	vunpack.i.u.bf16.f32 v21;
	v21 =	vunpack.i.l.bf16.f32 v21  }
0x4a: {  	v18 =	vadd.f32 v19, v18;
	v19 =	vadd.f32 v21, v38;
	_ =	sdelay $0x1  }
0x4b: {  	v18 =	vadd.f32 v19, v18;
	_ =	sdelay $0x1  }
0x4c: {  	[tilespmem:v0+s17+$0x0] =	vst.idx.msk $0xffff, v18  }
0x4d: {  	v18 =	vld.idx.msk [tilespmem:v17+s22+$0x40 ss:$0x1], $0xffff  }
0x4e: {  	v19 =	vld.idx.msk [tilespmem:v17+s22+$0x2040 ss:$0x1], $0xffff  }
0x4f: {  	v39 =	vld.idx.msk [tilespmem:v17+s22+$0x4040 ss:$0x1], $0xffff  }
0x50: {  	v40 =	vld.idx.msk [tilespmem:v17+s22+$0x50 ss:$0x1], $0xffff  }
0x51: {  	v43 =	vld.idx.msk [tilespmem:v17+s22+$0x60 ss:$0x1], $0xffff  }
0x52: {  	v44 =	vld.idx.msk [tilespmem:v17+s22+$0x2060 ss:$0x1], $0xffff  }
0x53: {  	v45 =	vld.idx.msk [tilespmem:v17+s22+$0x70 ss:$0x1], $0xffff  }
0x54: {  	v46 =	vld.idx.msk [tilespmem:v17+s22+$0x4060 ss:$0x1], $0xffff  }
0x55: {  	v41 =	vld.idx.msk [tilespmem:v17+s22+$0x2050 ss:$0x1], $0xffff  }
0x56: {  	v48 =	vld.idx.msk [tilespmem:v17+s22+$0x2070 ss:$0x1], $0xffff;
	v18 =	vadd.bf16 v18, v18  }
0x57: {  	v42 =	vld.idx.msk [tilespmem:v17+s22+$0x4050 ss:$0x1], $0xffff;
	v21 =	vadd.bf16 v40, v40;
	v24 =	vadd.bf16 v43, v43  }
0x58: {  	v49 =	vld.idx.msk [tilespmem:v17+s22+$0x4070 ss:$0x1], $0xffff;
	v51 =	vadd.bf16 v45, v45;
	v18 =	vsub.bf16 v18, v19  }
0x59: {  	v53 =	vsub.bf16 v46, v44;
	v19 =	vsub.bf16 v39, v19  }
0x5a: {  	v47 =	vsub.bf16 v21, v41;
	v18 =	vsub.bf16 v18, v39  }
0x5b: {  	v50 =	vsub.bf16 v24, v44;
	v24 =	vsub.bf16 v51, v48  }
0x5c: {  	v20 =	vsub.bf16 v47, v42;
	v18 =	vmul.bf16 v18, v19;
	v19 =	vsub.bf16 v42, v41  }
0x5d: {  	v21 =	vsub.bf16 v49, v48;
	v23 =	vsub.bf16 v50, v46  }
0x5e: {  	v52 =	vunpack.i.u.bf16.f32 v18;
	v19 =	vmul.bf16 v20, v19;
	v18 =	vunpack.i.l.bf16.f32 v18  }
0x5f: {  	v22 =	vsub.bf16 v24, v49;
	v18 =	vadd.f32 v18, v52  }
0x60: {  	v20 =	vmul.bf16 v23, v53;
	v54 =	vunpack.i.u.bf16.f32 v19;
	v19 =	vunpack.i.l.bf16.f32 v19  }
0x61: {  	v18 =	vadd.f32 $0.0e+00, v18;
	v19 =	vadd.f32 v19, v54  }
0x62: {  	v21 =	vmul.bf16 v22, v21;
	v23 =	vunpack.i.u.bf16.f32 v20;
	v20 =	vunpack.i.l.bf16.f32 v20  }
0x63: {  	v18 =	vadd.f32 v19, v18;
	v19 =	vadd.f32 v20, v23  }
0x64: {  	v55 =	vunpack.i.u.bf16.f32 v21;
	v21 =	vunpack.i.l.bf16.f32 v21  }
0x65: {  	v18 =	vadd.f32 v19, v18;
	v19 =	vadd.f32 v21, v55;
	_ =	sdelay $0x1  }
0x66: {  	v18 =	vadd.f32 v19, v18;
	_ =	sdelay $0x1  }
0x67: {  	[tilespmem:v1+s17+$0x0] =	vst.idx.msk $0xffff, v18  }
0x68: {  	v18 =	vld.idx.msk [tilespmem:v17+s22+$0x80 ss:$0x1], $0xffff  }
0x69: {  	v19 =	vld.idx.msk [tilespmem:v17+s22+$0x2080 ss:$0x1], $0xffff  }
0x6a: {  	v56 =	vld.idx.msk [tilespmem:v17+s22+$0x4080 ss:$0x1], $0xffff  }
0x6b: {  	v57 =	vld.idx.msk [tilespmem:v17+s22+$0x90 ss:$0x1], $0xffff  }
0x6c: {  	v60 =	vld.idx.msk [tilespmem:v17+s22+$0xA0 ss:$0x1], $0xffff  }
0x6d: {  	v61 =	vld.idx.msk [tilespmem:v17+s22+$0x20A0 ss:$0x1], $0xffff  }
0x6e: {  	v62 =	vld.idx.msk [tilespmem:v17+s22+$0xB0 ss:$0x1], $0xffff  }
0x6f: {  	v63 =	vld.idx.msk [tilespmem:v17+s22+$0x40A0 ss:$0x1], $0xffff  }
0x70: {  	v58 =	vld.idx.msk [tilespmem:v17+s22+$0x2090 ss:$0x1], $0xffff  }
0x71: {  	v31 =	vld.idx.msk [tilespmem:v17+s22+$0x20B0 ss:$0x1], $0xffff;
	v18 =	vadd.bf16 v18, v18  }
0x72: {  	v59 =	vld.idx.msk [tilespmem:v17+s22+$0x4090 ss:$0x1], $0xffff;
	v21 =	vadd.bf16 v57, v57;
	v24 =	vadd.bf16 v60, v60  }
0x73: {  	v32 =	vld.idx.msk [tilespmem:v17+s22+$0x40B0 ss:$0x1], $0xffff;
	v34 =	vadd.bf16 v62, v62;
	v18 =	vsub.bf16 v18, v19  }
0x74: {  	v36 =	vsub.bf16 v63, v61;
	v19 =	vsub.bf16 v56, v19  }
0x75: {  	v30 =	vsub.bf16 v21, v58;
	v18 =	vsub.bf16 v18, v56  }
0x76: {  	v33 =	vsub.bf16 v24, v61;
	v24 =	vsub.bf16 v34, v31  }
0x77: {  	v20 =	vsub.bf16 v30, v59;
	v18 =	vmul.bf16 v18, v19;
	v19 =	vsub.bf16 v59, v58  }
0x78: {  	v21 =	vsub.bf16 v32, v31;
	v23 =	vsub.bf16 v33, v63  }
0x79: {  	v35 =	vunpack.i.u.bf16.f32 v18;
	v19 =	vmul.bf16 v20, v19;
	v18 =	vunpack.i.l.bf16.f32 v18  }
0x7a: {  	v22 =	vsub.bf16 v24, v32;
	v18 =	vadd.f32 v18, v35  }
0x7b: {  	v20 =	vmul.bf16 v23, v36;
	v37 =	vunpack.i.u.bf16.f32 v19;
	v19 =	vunpack.i.l.bf16.f32 v19  }
0x7c: {  	v18 =	vadd.f32 $0.0e+00, v18;
	v19 =	vadd.f32 v19, v37  }
0x7d: {  	v21 =	vmul.bf16 v22, v21;
	v23 =	vunpack.i.u.bf16.f32 v20;
	v20 =	vunpack.i.l.bf16.f32 v20  }
0x7e: {  	v18 =	vadd.f32 v19, v18;
	v19 =	vadd.f32 v20, v23  }
0x7f: {  	v38 =	vunpack.i.u.bf16.f32 v21;
	v21 =	vunpack.i.l.bf16.f32 v21  }
0x80: {  	v18 =	vadd.f32 v19, v18;
	v19 =	vadd.f32 v21, v38;
	_ =	sdelay $0x1  }
0x81: {  	v18 =	vadd.f32 v19, v18;
	_ =	sdelay $0x1  }
0x82: {  	[tilespmem:v2+s17+$0x0] =	vst.idx.msk $0xffff, v18  }
0x83: {  	v18 =	vld.idx.msk [tilespmem:v17+s22+$0xC0 ss:$0x1], $0xffff  }
0x84: {  	v19 =	vld.idx.msk [tilespmem:v17+s22+$0x20C0 ss:$0x1], $0xffff  }
0x85: {  	v39 =	vld.idx.msk [tilespmem:v17+s22+$0x40C0 ss:$0x1], $0xffff  }
0x86: {  	v40 =	vld.idx.msk [tilespmem:v17+s22+$0xD0 ss:$0x1], $0xffff  }
0x87: {  	v43 =	vld.idx.msk [tilespmem:v17+s22+$0xE0 ss:$0x1], $0xffff  }
0x88: {  	v44 =	vld.idx.msk [tilespmem:v17+s22+$0x20E0 ss:$0x1], $0xffff  }
0x89: {  	v45 =	vld.idx.msk [tilespmem:v17+s22+$0xF0 ss:$0x1], $0xffff  }
0x8a: {  	v46 =	vld.idx.msk [tilespmem:v17+s22+$0x40E0 ss:$0x1], $0xffff  }
0x8b: {  	v41 =	vld.idx.msk [tilespmem:v17+s22+$0x20D0 ss:$0x1], $0xffff  }
0x8c: {  	v48 =	vld.idx.msk [tilespmem:v17+s22+$0x20F0 ss:$0x1], $0xffff;
	v18 =	vadd.bf16 v18, v18  }
0x8d: {  	v42 =	vld.idx.msk [tilespmem:v17+s22+$0x40D0 ss:$0x1], $0xffff;
	v21 =	vadd.bf16 v40, v40;
	v24 =	vadd.bf16 v43, v43  }
0x8e: {  	v49 =	vld.idx.msk [tilespmem:v17+s22+$0x40F0 ss:$0x1], $0xffff;
	v51 =	vadd.bf16 v45, v45;
	v18 =	vsub.bf16 v18, v19  }
0x8f: {  	v53 =	vsub.bf16 v46, v44;
	v19 =	vsub.bf16 v39, v19  }
0x90: {  	v47 =	vsub.bf16 v21, v41;
	v18 =	vsub.bf16 v18, v39  }
0x91: {  	v50 =	vsub.bf16 v24, v44;
	v24 =	vsub.bf16 v51, v48  }
0x92: {  	v20 =	vsub.bf16 v47, v42;
	v18 =	vmul.bf16 v18, v19;
	v19 =	vsub.bf16 v42, v41  }
0x93: {  	v21 =	vsub.bf16 v49, v48;
	v23 =	vsub.bf16 v50, v46  }
0x94: {  	v52 =	vunpack.i.u.bf16.f32 v18;
	v19 =	vmul.bf16 v20, v19;
	v18 =	vunpack.i.l.bf16.f32 v18  }
0x95: {  	v22 =	vsub.bf16 v24, v49;
	v18 =	vadd.f32 v18, v52  }
0x96: {  	v20 =	vmul.bf16 v23, v53;
	v54 =	vunpack.i.u.bf16.f32 v19;
	v19 =	vunpack.i.l.bf16.f32 v19  }
0x97: {  	v18 =	vadd.f32 $0.0e+00, v18;
	v19 =	vadd.f32 v19, v54  }
0x98: {  	v21 =	vmul.bf16 v22, v21;
	v23 =	vunpack.i.u.bf16.f32 v20;
	v20 =	vunpack.i.l.bf16.f32 v20  }
0x99: {  	v18 =	vadd.f32 v19, v18;
	v19 =	vadd.f32 v20, v23  }
0x9a: {  	v55 =	vunpack.i.u.bf16.f32 v21;
	v21 =	vunpack.i.l.bf16.f32 v21  }
0x9b: {  	v18 =	vadd.f32 v19, v18;
	v19 =	vadd.f32 v21, v55;
	_ =	sdelay $0x1  }
0x9c: {  	v18 =	vadd.f32 v19, v18;
	_ =	sdelay $0x1  }
0x9d: {  	[tilespmem:v3+s17+$0x0] =	vst.idx.msk $0xffff, v18  }
0x9e: {  	v18 =	vld.idx.msk [tilespmem:v17+s22+$0x100 ss:$0x1], $0xffff  }
0x9f: {  	v19 =	vld.idx.msk [tilespmem:v17+s22+$0x2100 ss:$0x1], $0xffff  }
0xa0: {  	v56 =	vld.idx.msk [tilespmem:v17+s22+$0x4100 ss:$0x1], $0xffff  }
0xa1: {  	v57 =	vld.idx.msk [tilespmem:v17+s22+$0x110 ss:$0x1], $0xffff  }
0xa2: {  	v60 =	vld.idx.msk [tilespmem:v17+s22+$0x120 ss:$0x1], $0xffff  }
0xa3: {  	v61 =	vld.idx.msk [tilespmem:v17+s22+$0x2120 ss:$0x1], $0xffff  }
0xa4: {  	v62 =	vld.idx.msk [tilespmem:v17+s22+$0x130 ss:$0x1], $0xffff  }
0xa5: {  	v63 =	vld.idx.msk [tilespmem:v17+s22+$0x4120 ss:$0x1], $0xffff  }
0xa6: {  	v58 =	vld.idx.msk [tilespmem:v17+s22+$0x2110 ss:$0x1], $0xffff  }
0xa7: {  	v31 =	vld.idx.msk [tilespmem:v17+s22+$0x2130 ss:$0x1], $0xffff;
	v18 =	vadd.bf16 v18, v18  }
0xa8: {  	v59 =	vld.idx.msk [tilespmem:v17+s22+$0x4110 ss:$0x1], $0xffff;
	v21 =	vadd.bf16 v57, v57;
	v24 =	vadd.bf16 v60, v60  }
0xa9: {  	v32 =	vld.idx.msk [tilespmem:v17+s22+$0x4130 ss:$0x1], $0xffff;
	v34 =	vadd.bf16 v62, v62;
	v18 =	vsub.bf16 v18, v19  }
0xaa: {  	v36 =	vsub.bf16 v63, v61;
	v19 =	vsub.bf16 v56, v19  }
0xab: {  	v30 =	vsub.bf16 v21, v58;
	v18 =	vsub.bf16 v18, v56  }
0xac: {  	v33 =	vsub.bf16 v24, v61;
	v24 =	vsub.bf16 v34, v31  }
0xad: {  	v20 =	vsub.bf16 v30, v59;
	v18 =	vmul.bf16 v18, v19;
	v19 =	vsub.bf16 v59, v58  }
0xae: {  	v21 =	vsub.bf16 v32, v31;
	v23 =	vsub.bf16 v33, v63  }
0xaf: {  	v35 =	vunpack.i.u.bf16.f32 v18;
	v19 =	vmul.bf16 v20, v19;
	v18 =	vunpack.i.l.bf16.f32 v18  }
0xb0: {  	v22 =	vsub.bf16 v24, v32;
	v18 =	vadd.f32 v18, v35  }
0xb1: {  	v20 =	vmul.bf16 v23, v36;
	v37 =	vunpack.i.u.bf16.f32 v19;
	v19 =	vunpack.i.l.bf16.f32 v19  }
0xb2: {  	v18 =	vadd.f32 $0.0e+00, v18;
	v19 =	vadd.f32 v19, v37  }
0xb3: {  	v21 =	vmul.bf16 v22, v21;
	v23 =	vunpack.i.u.bf16.f32 v20;
	v20 =	vunpack.i.l.bf16.f32 v20  }
0xb4: {  	v18 =	vadd.f32 v19, v18;
	v19 =	vadd.f32 v20, v23  }
0xb5: {  	v38 =	vunpack.i.u.bf16.f32 v21;
	v21 =	vunpack.i.l.bf16.f32 v21  }
0xb6: {  	v18 =	vadd.f32 v19, v18;
	v19 =	vadd.f32 v21, v38;
	_ =	sdelay $0x1  }
0xb7: {  	v18 =	vadd.f32 v19, v18;
	_ =	sdelay $0x1  }
0xb8: {  	[tilespmem:v4+s17+$0x0] =	vst.idx.msk $0xffff, v18  }
0xb9: {  	v18 =	vld.idx.msk [tilespmem:v17+s22+$0x140 ss:$0x1], $0xffff  }
0xba: {  	v19 =	vld.idx.msk [tilespmem:v17+s22+$0x2140 ss:$0x1], $0xffff  }
0xbb: {  	v39 =	vld.idx.msk [tilespmem:v17+s22+$0x4140 ss:$0x1], $0xffff  }
0xbc: {  	v40 =	vld.idx.msk [tilespmem:v17+s22+$0x150 ss:$0x1], $0xffff  }
0xbd: {  	v43 =	vld.idx.msk [tilespmem:v17+s22+$0x160 ss:$0x1], $0xffff  }
0xbe: {  	v44 =	vld.idx.msk [tilespmem:v17+s22+$0x2160 ss:$0x1], $0xffff  }
0xbf: {  	v45 =	vld.idx.msk [tilespmem:v17+s22+$0x170 ss:$0x1], $0xffff  }
0xc0: {  	v46 =	vld.idx.msk [tilespmem:v17+s22+$0x4160 ss:$0x1], $0xffff  }
0xc1: {  	v41 =	vld.idx.msk [tilespmem:v17+s22+$0x2150 ss:$0x1], $0xffff  }
0xc2: {  	v48 =	vld.idx.msk [tilespmem:v17+s22+$0x2170 ss:$0x1], $0xffff;
	v18 =	vadd.bf16 v18, v18  }
0xc3: {  	v42 =	vld.idx.msk [tilespmem:v17+s22+$0x4150 ss:$0x1], $0xffff;
	v21 =	vadd.bf16 v40, v40;
	v24 =	vadd.bf16 v43, v43  }
0xc4: {  	v49 =	vld.idx.msk [tilespmem:v17+s22+$0x4170 ss:$0x1], $0xffff;
	v51 =	vadd.bf16 v45, v45;
	v18 =	vsub.bf16 v18, v19  }
0xc5: {  	v53 =	vsub.bf16 v46, v44;
	v19 =	vsub.bf16 v39, v19  }
0xc6: {  	v47 =	vsub.bf16 v21, v41;
	v18 =	vsub.bf16 v18, v39  }
0xc7: {  	v50 =	vsub.bf16 v24, v44;
	v24 =	vsub.bf16 v51, v48  }
0xc8: {  	v20 =	vsub.bf16 v47, v42;
	v18 =	vmul.bf16 v18, v19;
	v19 =	vsub.bf16 v42, v41  }
0xc9: {  	v21 =	vsub.bf16 v49, v48;
	v23 =	vsub.bf16 v50, v46  }
0xca: {  	v52 =	vunpack.i.u.bf16.f32 v18;
	v19 =	vmul.bf16 v20, v19;
	v18 =	vunpack.i.l.bf16.f32 v18  }
0xcb: {  	v22 =	vsub.bf16 v24, v49;
	v18 =	vadd.f32 v18, v52  }
0xcc: {  	v20 =	vmul.bf16 v23, v53;
	v54 =	vunpack.i.u.bf16.f32 v19;
	v19 =	vunpack.i.l.bf16.f32 v19  }
0xcd: {  	v18 =	vadd.f32 $0.0e+00, v18;
	v19 =	vadd.f32 v19, v54  }
0xce: {  	v21 =	vmul.bf16 v22, v21;
	v23 =	vunpack.i.u.bf16.f32 v20;
	v20 =	vunpack.i.l.bf16.f32 v20  }
0xcf: {  	v18 =	vadd.f32 v19, v18;
	v19 =	vadd.f32 v20, v23  }
0xd0: {  	v55 =	vunpack.i.u.bf16.f32 v21;
	v21 =	vunpack.i.l.bf16.f32 v21  }
0xd1: {  	v18 =	vadd.f32 v19, v18;
	v19 =	vadd.f32 v21, v55;
	_ =	sdelay $0x1  }
0xd2: {  	v18 =	vadd.f32 v19, v18;
	_ =	sdelay $0x1  }
0xd3: {  	[tilespmem:v5+s17+$0x0] =	vst.idx.msk $0xffff, v18  }
0xd4: {  	v18 =	vld.idx.msk [tilespmem:v17+s22+$0x180 ss:$0x1], $0xffff  }
0xd5: {  	v19 =	vld.idx.msk [tilespmem:v17+s22+$0x2180 ss:$0x1], $0xffff  }
0xd6: {  	v56 =	vld.idx.msk [tilespmem:v17+s22+$0x4180 ss:$0x1], $0xffff  }
0xd7: {  	v57 =	vld.idx.msk [tilespmem:v17+s22+$0x190 ss:$0x1], $0xffff  }
0xd8: {  	v60 =	vld.idx.msk [tilespmem:v17+s22+$0x1A0 ss:$0x1], $0xffff  }
0xd9: {  	v61 =	vld.idx.msk [tilespmem:v17+s22+$0x21A0 ss:$0x1], $0xffff  }
0xda: {  	v62 =	vld.idx.msk [tilespmem:v17+s22+$0x1B0 ss:$0x1], $0xffff  }
0xdb: {  	v63 =	vld.idx.msk [tilespmem:v17+s22+$0x41A0 ss:$0x1], $0xffff  }
0xdc: {  	v58 =	vld.idx.msk [tilespmem:v17+s22+$0x2190 ss:$0x1], $0xffff  }
0xdd: {  	v31 =	vld.idx.msk [tilespmem:v17+s22+$0x21B0 ss:$0x1], $0xffff;
	v18 =	vadd.bf16 v18, v18  }
0xde: {  	v59 =	vld.idx.msk [tilespmem:v17+s22+$0x4190 ss:$0x1], $0xffff;
	v21 =	vadd.bf16 v57, v57;
	v24 =	vadd.bf16 v60, v60  }
0xdf: {  	v32 =	vld.idx.msk [tilespmem:v17+s22+$0x41B0 ss:$0x1], $0xffff;
	v34 =	vadd.bf16 v62, v62;
	v18 =	vsub.bf16 v18, v19  }
0xe0: {  	v36 =	vsub.bf16 v63, v61;
	v19 =	vsub.bf16 v56, v19  }
0xe1: {  	v30 =	vsub.bf16 v21, v58;
	v18 =	vsub.bf16 v18, v56  }
0xe2: {  	v33 =	vsub.bf16 v24, v61;
	v24 =	vsub.bf16 v34, v31  }
0xe3: {  	v20 =	vsub.bf16 v30, v59;
	v18 =	vmul.bf16 v18, v19;
	v19 =	vsub.bf16 v59, v58  }
0xe4: {  	v21 =	vsub.bf16 v32, v31;
	v23 =	vsub.bf16 v33, v63  }
0xe5: {  	v35 =	vunpack.i.u.bf16.f32 v18;
	v19 =	vmul.bf16 v20, v19;
	v18 =	vunpack.i.l.bf16.f32 v18  }
0xe6: {  	v22 =	vsub.bf16 v24, v32;
	v18 =	vadd.f32 v18, v35  }
0xe7: {  	v20 =	vmul.bf16 v23, v36;
	v37 =	vunpack.i.u.bf16.f32 v19;
	v19 =	vunpack.i.l.bf16.f32 v19  }
0xe8: {  	v18 =	vadd.f32 $0.0e+00, v18;
	v19 =	vadd.f32 v19, v37  }
0xe9: {  	v21 =	vmul.bf16 v22, v21;
	v23 =	vunpack.i.u.bf16.f32 v20;
	v20 =	vunpack.i.l.bf16.f32 v20  }
0xea: {  	v18 =	vadd.f32 v19, v18;
	v19 =	vadd.f32 v20, v23  }
0xeb: {  	v38 =	vunpack.i.u.bf16.f32 v21;
	v21 =	vunpack.i.l.bf16.f32 v21  }
0xec: {  	v18 =	vadd.f32 v19, v18;
	v19 =	vadd.f32 v21, v38;
	_ =	sdelay $0x1  }
0xed: {  	v18 =	vadd.f32 v19, v18;
	_ =	sdelay $0x1  }
0xee: {  	[tilespmem:v6+s17+$0x0] =	vst.idx.msk $0xffff, v18  }
0xef: {  	v18 =	vld.idx.msk [tilespmem:v17+s22+$0x1C0 ss:$0x1], $0xffff  }
0xf0: {  	v19 =	vld.idx.msk [tilespmem:v17+s22+$0x21C0 ss:$0x1], $0xffff  }
0xf1: {  	v39 =	vld.idx.msk [tilespmem:v17+s22+$0x41C0 ss:$0x1], $0xffff  }
0xf2: {  	v40 =	vld.idx.msk [tilespmem:v17+s22+$0x1D0 ss:$0x1], $0xffff  }
0xf3: {  	v43 =	vld.idx.msk [tilespmem:v17+s22+$0x1E0 ss:$0x1], $0xffff  }
0xf4: {  	v44 =	vld.idx.msk [tilespmem:v17+s22+$0x21E0 ss:$0x1], $0xffff  }
0xf5: {  	v45 =	vld.idx.msk [tilespmem:v17+s22+$0x1F0 ss:$0x1], $0xffff  }
0xf6: {  	v46 =	vld.idx.msk [tilespmem:v17+s22+$0x41E0 ss:$0x1], $0xffff  }
0xf7: {  	v41 =	vld.idx.msk [tilespmem:v17+s22+$0x21D0 ss:$0x1], $0xffff  }
0xf8: {  	v48 =	vld.idx.msk [tilespmem:v17+s22+$0x21F0 ss:$0x1], $0xffff;
	v18 =	vadd.bf16 v18, v18  }
0xf9: {  	v42 =	vld.idx.msk [tilespmem:v17+s22+$0x41D0 ss:$0x1], $0xffff;
	v21 =	vadd.bf16 v40, v40;
	v24 =	vadd.bf16 v43, v43  }
0xfa: {  	v49 =	vld.idx.msk [tilespmem:v17+s22+$0x41F0 ss:$0x1], $0xffff;
	v51 =	vadd.bf16 v45, v45;
	v18 =	vsub.bf16 v18, v19  }
0xfb: {  	v53 =	vsub.bf16 v46, v44;
	v19 =	vsub.bf16 v39, v19  }
0xfc: {  	v47 =	vsub.bf16 v21, v41;
	v18 =	vsub.bf16 v18, v39  }
0xfd: {  	v50 =	vsub.bf16 v24, v44;
	v24 =	vsub.bf16 v51, v48  }
0xfe: {  	v20 =	vsub.bf16 v47, v42;
	v18 =	vmul.bf16 v18, v19;
	v19 =	vsub.bf16 v42, v41  }
0xff: {  	v21 =	vsub.bf16 v49, v48;
	v23 =	vsub.bf16 v50, v46  }
0x100: {  	v52 =	vunpack.i.u.bf16.f32 v18;
	v19 =	vmul.bf16 v20, v19;
	v18 =	vunpack.i.l.bf16.f32 v18  }
0x101: {  	v22 =	vsub.bf16 v24, v49;
	v18 =	vadd.f32 v18, v52  }
0x102: {  	v20 =	vmul.bf16 v23, v53;
	v54 =	vunpack.i.u.bf16.f32 v19;
	v19 =	vunpack.i.l.bf16.f32 v19  }
0x103: {  	v18 =	vadd.f32 $0.0e+00, v18;
	v19 =	vadd.f32 v19, v54  }
0x104: {  	v21 =	vmul.bf16 v22, v21;
	v23 =	vunpack.i.u.bf16.f32 v20;
	v20 =	vunpack.i.l.bf16.f32 v20  }
0x105: {  	v18 =	vadd.f32 v19, v18;
	v19 =	vadd.f32 v20, v23  }
0x106: {  	v55 =	vunpack.i.u.bf16.f32 v21;
	v21 =	vunpack.i.l.bf16.f32 v21  }
0x107: {  	v18 =	vadd.f32 v19, v18;
	v19 =	vadd.f32 v21, v55;
	_ =	sdelay $0x1  }
0x108: {  	v18 =	vadd.f32 v19, v18;
	_ =	sdelay $0x1  }
0x109: {  	[tilespmem:v7+s17+$0x0] =	vst.idx.msk $0xffff, v18  }
0x10a: {  	v18 =	vld.idx.msk [tilespmem:v17+s22+$0x200 ss:$0x1], $0xffff  }
0x10b: {  	v19 =	vld.idx.msk [tilespmem:v17+s22+$0x2200 ss:$0x1], $0xffff  }
0x10c: {  	v56 =	vld.idx.msk [tilespmem:v17+s22+$0x4200 ss:$0x1], $0xffff  }
0x10d: {  	v57 =	vld.idx.msk [tilespmem:v17+s22+$0x210 ss:$0x1], $0xffff  }
0x10e: {  	v60 =	vld.idx.msk [tilespmem:v17+s22+$0x220 ss:$0x1], $0xffff  }
0x10f: {  	v61 =	vld.idx.msk [tilespmem:v17+s22+$0x2220 ss:$0x1], $0xffff  }
0x110: {  	v62 =	vld.idx.msk [tilespmem:v17+s22+$0x230 ss:$0x1], $0xffff  }
0x111: {  	v63 =	vld.idx.msk [tilespmem:v17+s22+$0x4220 ss:$0x1], $0xffff  }
0x112: {  	v58 =	vld.idx.msk [tilespmem:v17+s22+$0x2210 ss:$0x1], $0xffff  }
0x113: {  	v29 =	vld.idx.msk [tilespmem:v17+s22+$0x2230 ss:$0x1], $0xffff;
	v18 =	vadd.bf16 v18, v18  }
0x114: {  	v59 =	vld.idx.msk [tilespmem:v17+s22+$0x4210 ss:$0x1], $0xffff;
	v21 =	vadd.bf16 v57, v57;
	v24 =	vadd.bf16 v60, v60  }
0x115: {  	v30 =	vld.idx.msk [tilespmem:v17+s22+$0x4230 ss:$0x1], $0xffff;
	v32 =	vadd.bf16 v62, v62;
	v18 =	vsub.bf16 v18, v19  }
0x116: {  	v34 =	vsub.bf16 v63, v61;
	v19 =	vsub.bf16 v56, v19  }
0x117: {  	v28 =	vsub.bf16 v21, v58;
	v18 =	vsub.bf16 v18, v56  }
0x118: {  	v31 =	vsub.bf16 v24, v61;
	v24 =	vsub.bf16 v32, v29  }
0x119: {  	v20 =	vsub.bf16 v28, v59;
	v18 =	vmul.bf16 v18, v19;
	v19 =	vsub.bf16 v59, v58  }
0x11a: {  	v21 =	vsub.bf16 v30, v29;
	v23 =	vsub.bf16 v31, v63  }
0x11b: {  	v33 =	vunpack.i.u.bf16.f32 v18;
	v19 =	vmul.bf16 v20, v19;
	v18 =	vunpack.i.l.bf16.f32 v18  }
0x11c: {  	v22 =	vsub.bf16 v24, v30;
	v18 =	vadd.f32 v18, v33  }
0x11d: {  	v20 =	vmul.bf16 v23, v34;
	v35 =	vunpack.i.u.bf16.f32 v19;
	v19 =	vunpack.i.l.bf16.f32 v19  }
0x11e: {  	v18 =	vadd.f32 $0.0e+00, v18;
	v19 =	vadd.f32 v19, v35  }
0x11f: {  	v21 =	vmul.bf16 v22, v21;
	v23 =	vunpack.i.u.bf16.f32 v20;
	v20 =	vunpack.i.l.bf16.f32 v20  }
0x120: {  	v18 =	vadd.f32 v19, v18;
	v19 =	vadd.f32 v20, v23  }
0x121: {  	v36 =	vunpack.i.u.bf16.f32 v21;
	v21 =	vunpack.i.l.bf16.f32 v21  }
0x122: {  	v18 =	vadd.f32 v19, v18;
	v19 =	vadd.f32 v21, v36;
	_ =	sdelay $0x1  }
0x123: {  	v18 =	vadd.f32 v19, v18;
	_ =	sdelay $0x1  }
0x124: {  	[tilespmem:v8+s17+$0x0] =	vst.idx.msk $0xffff, v18  }
0x125: {  	v18 =	vld.idx.msk [tilespmem:v17+s22+$0x240 ss:$0x1], $0xffff  }
0x126: {  	v19 =	vld.idx.msk [tilespmem:v17+s22+$0x2240 ss:$0x1], $0xffff  }
0x127: {  	v37 =	vld.idx.msk [tilespmem:v17+s22+$0x4240 ss:$0x1], $0xffff  }
0x128: {  	v38 =	vld.idx.msk [tilespmem:v17+s22+$0x250 ss:$0x1], $0xffff  }
0x129: {  	v41 =	vld.idx.msk [tilespmem:v17+s22+$0x260 ss:$0x1], $0xffff  }
0x12a: {  	v42 =	vld.idx.msk [tilespmem:v17+s22+$0x2260 ss:$0x1], $0xffff  }
0x12b: {  	v43 =	vld.idx.msk [tilespmem:v17+s22+$0x270 ss:$0x1], $0xffff  }
0x12c: {  	v44 =	vld.idx.msk [tilespmem:v17+s22+$0x4260 ss:$0x1], $0xffff  }
0x12d: {  	v39 =	vld.idx.msk [tilespmem:v17+s22+$0x2250 ss:$0x1], $0xffff  }
0x12e: {  	v46 =	vld.idx.msk [tilespmem:v17+s22+$0x2270 ss:$0x1], $0xffff;
	v18 =	vadd.bf16 v18, v18  }
0x12f: {  	v40 =	vld.idx.msk [tilespmem:v17+s22+$0x4250 ss:$0x1], $0xffff;
	v21 =	vadd.bf16 v38, v38;
	v24 =	vadd.bf16 v41, v41  }
0x130: {  	v47 =	vld.idx.msk [tilespmem:v17+s22+$0x4270 ss:$0x1], $0xffff;
	v49 =	vadd.bf16 v43, v43;
	v18 =	vsub.bf16 v18, v19  }
0x131: {  	v51 =	vsub.bf16 v44, v42;
	v19 =	vsub.bf16 v37, v19  }
0x132: {  	v45 =	vsub.bf16 v21, v39;
	v18 =	vsub.bf16 v18, v37  }
0x133: {  	v48 =	vsub.bf16 v24, v42;
	v24 =	vsub.bf16 v49, v46  }
0x134: {  	v20 =	vsub.bf16 v45, v40;
	v18 =	vmul.bf16 v18, v19;
	v19 =	vsub.bf16 v40, v39  }
0x135: {  	v21 =	vsub.bf16 v47, v46;
	v23 =	vsub.bf16 v48, v44  }
0x136: {  	v50 =	vunpack.i.u.bf16.f32 v18;
	v19 =	vmul.bf16 v20, v19;
	v18 =	vunpack.i.l.bf16.f32 v18  }
0x137: {  	v22 =	vsub.bf16 v24, v47;
	v18 =	vadd.f32 v18, v50  }
0x138: {  	v20 =	vmul.bf16 v23, v51;
	v52 =	vunpack.i.u.bf16.f32 v19;
	v19 =	vunpack.i.l.bf16.f32 v19  }
0x139: {  	v18 =	vadd.f32 $0.0e+00, v18;
	v19 =	vadd.f32 v19, v52  }
0x13a: {  	v21 =	vmul.bf16 v22, v21;
	v23 =	vunpack.i.u.bf16.f32 v20;
	v20 =	vunpack.i.l.bf16.f32 v20  }
0x13b: {  	v18 =	vadd.f32 v19, v18;
	v19 =	vadd.f32 v20, v23  }
0x13c: {  	v53 =	vunpack.i.u.bf16.f32 v21;
	v21 =	vunpack.i.l.bf16.f32 v21  }
0x13d: {  	v18 =	vadd.f32 v19, v18;
	v19 =	vadd.f32 v21, v53;
	_ =	sdelay $0x1  }
0x13e: {  	v18 =	vadd.f32 v19, v18;
	_ =	sdelay $0x1  }
0x13f: {  	[tilespmem:v9+s17+$0x0] =	vst.idx.msk $0xffff, v18  }
0x140: {  	v18 =	vld.idx.msk [tilespmem:v17+s22+$0x280 ss:$0x1], $0xffff  }
0x141: {  	v19 =	vld.idx.msk [tilespmem:v17+s22+$0x2280 ss:$0x1], $0xffff  }
0x142: {  	v54 =	vld.idx.msk [tilespmem:v17+s22+$0x4280 ss:$0x1], $0xffff  }
0x143: {  	v55 =	vld.idx.msk [tilespmem:v17+s22+$0x290 ss:$0x1], $0xffff  }
0x144: {  	v58 =	vld.idx.msk [tilespmem:v17+s22+$0x2A0 ss:$0x1], $0xffff  }
0x145: {  	v59 =	vld.idx.msk [tilespmem:v17+s22+$0x22A0 ss:$0x1], $0xffff  }
0x146: {  	v60 =	vld.idx.msk [tilespmem:v17+s22+$0x2B0 ss:$0x1], $0xffff  }
0x147: {  	v61 =	vld.idx.msk [tilespmem:v17+s22+$0x42A0 ss:$0x1], $0xffff  }
0x148: {  	v56 =	vld.idx.msk [tilespmem:v17+s22+$0x2290 ss:$0x1], $0xffff  }
0x149: {  	v63 =	vld.idx.msk [tilespmem:v17+s22+$0x22B0 ss:$0x1], $0xffff;
	v18 =	vadd.bf16 v18, v18  }
0x14a: {  	v57 =	vld.idx.msk [tilespmem:v17+s22+$0x4290 ss:$0x1], $0xffff;
	v21 =	vadd.bf16 v55, v55;
	v24 =	vadd.bf16 v58, v58  }
0x14b: {  	v28 =	vld.idx.msk [tilespmem:v17+s22+$0x42B0 ss:$0x1], $0xffff;
	v30 =	vadd.bf16 v60, v60;
	v18 =	vsub.bf16 v18, v19  }
0x14c: {  	v32 =	vsub.bf16 v61, v59;
	v19 =	vsub.bf16 v54, v19  }
0x14d: {  	v62 =	vsub.bf16 v21, v56;
	v18 =	vsub.bf16 v18, v54  }
0x14e: {  	v29 =	vsub.bf16 v24, v59;
	v24 =	vsub.bf16 v30, v63  }
0x14f: {  	v20 =	vsub.bf16 v62, v57;
	v18 =	vmul.bf16 v18, v19;
	v19 =	vsub.bf16 v57, v56  }
0x150: {  	v21 =	vsub.bf16 v28, v63;
	v23 =	vsub.bf16 v29, v61  }
0x151: {  	v31 =	vunpack.i.u.bf16.f32 v18;
	v19 =	vmul.bf16 v20, v19;
	v18 =	vunpack.i.l.bf16.f32 v18  }
0x152: {  	v22 =	vsub.bf16 v24, v28;
	v18 =	vadd.f32 v18, v31  }
0x153: {  	v20 =	vmul.bf16 v23, v32;
	v33 =	vunpack.i.u.bf16.f32 v19;
	v19 =	vunpack.i.l.bf16.f32 v19  }
0x154: {  	v18 =	vadd.f32 $0.0e+00, v18;
	v19 =	vadd.f32 v19, v33  }
0x155: {  	v21 =	vmul.bf16 v22, v21;
	v23 =	vunpack.i.u.bf16.f32 v20;
	v20 =	vunpack.i.l.bf16.f32 v20  }
0x156: {  	v18 =	vadd.f32 v19, v18;
	v19 =	vadd.f32 v20, v23  }
0x157: {  	v34 =	vunpack.i.u.bf16.f32 v21;
	v21 =	vunpack.i.l.bf16.f32 v21  }
0x158: {  	v18 =	vadd.f32 v19, v18;
	v19 =	vadd.f32 v21, v34;
	_ =	sdelay $0x1  }
0x159: {  	v18 =	vadd.f32 v19, v18;
	_ =	sdelay $0x1  }
0x15a: {  	[tilespmem:v10+s17+$0x0] =	vst.idx.msk $0xffff, v18  }
0x15b: {  	v18 =	vld.idx.msk [tilespmem:v17+s22+$0x2C0 ss:$0x1], $0xffff  }
0x15c: {  	v19 =	vld.idx.msk [tilespmem:v17+s22+$0x22C0 ss:$0x1], $0xffff  }
0x15d: {  	v35 =	vld.idx.msk [tilespmem:v17+s22+$0x42C0 ss:$0x1], $0xffff  }
0x15e: {  	v36 =	vld.idx.msk [tilespmem:v17+s22+$0x2D0 ss:$0x1], $0xffff  }
0x15f: {  	v39 =	vld.idx.msk [tilespmem:v17+s22+$0x2E0 ss:$0x1], $0xffff  }
0x160: {  	v40 =	vld.idx.msk [tilespmem:v17+s22+$0x22E0 ss:$0x1], $0xffff  }
0x161: {  	v41 =	vld.idx.msk [tilespmem:v17+s22+$0x2F0 ss:$0x1], $0xffff  }
0x162: {  	v42 =	vld.idx.msk [tilespmem:v17+s22+$0x42E0 ss:$0x1], $0xffff  }
0x163: {  	v37 =	vld.idx.msk [tilespmem:v17+s22+$0x22D0 ss:$0x1], $0xffff  }
0x164: {  	v44 =	vld.idx.msk [tilespmem:v17+s22+$0x22F0 ss:$0x1], $0xffff;
	v18 =	vadd.bf16 v18, v18  }
0x165: {  	v38 =	vld.idx.msk [tilespmem:v17+s22+$0x42D0 ss:$0x1], $0xffff;
	v21 =	vadd.bf16 v36, v36;
	v24 =	vadd.bf16 v39, v39  }
0x166: {  	v45 =	vld.idx.msk [tilespmem:v17+s22+$0x42F0 ss:$0x1], $0xffff;
	v47 =	vadd.bf16 v41, v41;
	v18 =	vsub.bf16 v18, v19  }
0x167: {  	v49 =	vsub.bf16 v42, v40;
	v19 =	vsub.bf16 v35, v19  }
0x168: {  	v43 =	vsub.bf16 v21, v37;
	v18 =	vsub.bf16 v18, v35  }
0x169: {  	v46 =	vsub.bf16 v24, v40;
	v24 =	vsub.bf16 v47, v44  }
0x16a: {  	v20 =	vsub.bf16 v43, v38;
	v18 =	vmul.bf16 v18, v19;
	v19 =	vsub.bf16 v38, v37  }
0x16b: {  	v21 =	vsub.bf16 v45, v44;
	v23 =	vsub.bf16 v46, v42  }
0x16c: {  	v48 =	vunpack.i.u.bf16.f32 v18;
	v19 =	vmul.bf16 v20, v19;
	v18 =	vunpack.i.l.bf16.f32 v18  }
0x16d: {  	v22 =	vsub.bf16 v24, v45;
	v18 =	vadd.f32 v18, v48  }
0x16e: {  	v20 =	vmul.bf16 v23, v49;
	v50 =	vunpack.i.u.bf16.f32 v19;
	v19 =	vunpack.i.l.bf16.f32 v19  }
0x16f: {  	v18 =	vadd.f32 $0.0e+00, v18;
	v19 =	vadd.f32 v19, v50  }
0x170: {  	v21 =	vmul.bf16 v22, v21;
	v23 =	vunpack.i.u.bf16.f32 v20;
	v20 =	vunpack.i.l.bf16.f32 v20  }
0x171: {  	v18 =	vadd.f32 v19, v18;
	v19 =	vadd.f32 v20, v23  }
0x172: {  	v51 =	vunpack.i.u.bf16.f32 v21;
	v21 =	vunpack.i.l.bf16.f32 v21  }
0x173: {  	v18 =	vadd.f32 v19, v18;
	v19 =	vadd.f32 v21, v51;
	_ =	sdelay $0x1  }
0x174: {  	v18 =	vadd.f32 v19, v18;
	_ =	sdelay $0x1  }
0x175: {  	[tilespmem:v11+s17+$0x0] =	vst.idx.msk $0xffff, v18  }
0x176: {  	v18 =	vld.idx.msk [tilespmem:v17+s22+$0x300 ss:$0x1], $0xffff  }
0x177: {  	v19 =	vld.idx.msk [tilespmem:v17+s22+$0x2300 ss:$0x1], $0xffff  }
0x178: {  	v52 =	vld.idx.msk [tilespmem:v17+s22+$0x4300 ss:$0x1], $0xffff  }
0x179: {  	v53 =	vld.idx.msk [tilespmem:v17+s22+$0x310 ss:$0x1], $0xffff  }
0x17a: {  	v56 =	vld.idx.msk [tilespmem:v17+s22+$0x320 ss:$0x1], $0xffff  }
0x17b: {  	v57 =	vld.idx.msk [tilespmem:v17+s22+$0x2320 ss:$0x1], $0xffff  }
0x17c: {  	v58 =	vld.idx.msk [tilespmem:v17+s22+$0x330 ss:$0x1], $0xffff  }
0x17d: {  	v59 =	vld.idx.msk [tilespmem:v17+s22+$0x4320 ss:$0x1], $0xffff  }
0x17e: {  	v54 =	vld.idx.msk [tilespmem:v17+s22+$0x2310 ss:$0x1], $0xffff  }
0x17f: {  	v61 =	vld.idx.msk [tilespmem:v17+s22+$0x2330 ss:$0x1], $0xffff;
	v18 =	vadd.bf16 v18, v18  }
0x180: {  	v55 =	vld.idx.msk [tilespmem:v17+s22+$0x4310 ss:$0x1], $0xffff;
	v21 =	vadd.bf16 v53, v53;
	v24 =	vadd.bf16 v56, v56  }
0x181: {  	v62 =	vld.idx.msk [tilespmem:v17+s22+$0x4330 ss:$0x1], $0xffff;
	v28 =	vadd.bf16 v58, v58;
	v18 =	vsub.bf16 v18, v19  }
0x182: {  	v30 =	vsub.bf16 v59, v57;
	v19 =	vsub.bf16 v52, v19  }
0x183: {  	v60 =	vsub.bf16 v21, v54;
	v18 =	vsub.bf16 v18, v52  }
0x184: {  	v63 =	vsub.bf16 v24, v57;
	v24 =	vsub.bf16 v28, v61  }
0x185: {  	v20 =	vsub.bf16 v60, v55;
	v18 =	vmul.bf16 v18, v19;
	v19 =	vsub.bf16 v55, v54  }
0x186: {  	v21 =	vsub.bf16 v62, v61;
	v23 =	vsub.bf16 v63, v59  }
0x187: {  	v29 =	vunpack.i.u.bf16.f32 v18;
	v19 =	vmul.bf16 v20, v19;
	v18 =	vunpack.i.l.bf16.f32 v18  }
0x188: {  	v22 =	vsub.bf16 v24, v62;
	v18 =	vadd.f32 v18, v29  }
0x189: {  	v20 =	vmul.bf16 v23, v30;
	v31 =	vunpack.i.u.bf16.f32 v19;
	v19 =	vunpack.i.l.bf16.f32 v19  }
0x18a: {  	v18 =	vadd.f32 $0.0e+00, v18;
	v19 =	vadd.f32 v19, v31  }
0x18b: {  	v21 =	vmul.bf16 v22, v21;
	v23 =	vunpack.i.u.bf16.f32 v20;
	v20 =	vunpack.i.l.bf16.f32 v20  }
0x18c: {  	v18 =	vadd.f32 v19, v18;
	v19 =	vadd.f32 v20, v23  }
0x18d: {  	v32 =	vunpack.i.u.bf16.f32 v21;
	v21 =	vunpack.i.l.bf16.f32 v21  }
0x18e: {  	v18 =	vadd.f32 v19, v18;
	v19 =	vadd.f32 v21, v32;
	_ =	sdelay $0x1  }
0x18f: {  	v18 =	vadd.f32 v19, v18;
	_ =	sdelay $0x1  }
0x190: {  	[tilespmem:v12+s17+$0x0] =	vst.idx.msk $0xffff, v18  }
0x191: {  	v18 =	vld.idx.msk [tilespmem:v17+s22+$0x340 ss:$0x1], $0xffff  }
0x192: {  	v19 =	vld.idx.msk [tilespmem:v17+s22+$0x2340 ss:$0x1], $0xffff  }
0x193: {  	v33 =	vld.idx.msk [tilespmem:v17+s22+$0x4340 ss:$0x1], $0xffff  }
0x194: {  	v34 =	vld.idx.msk [tilespmem:v17+s22+$0x350 ss:$0x1], $0xffff  }
0x195: {  	v37 =	vld.idx.msk [tilespmem:v17+s22+$0x360 ss:$0x1], $0xffff  }
0x196: {  	v38 =	vld.idx.msk [tilespmem:v17+s22+$0x2360 ss:$0x1], $0xffff  }
0x197: {  	v39 =	vld.idx.msk [tilespmem:v17+s22+$0x370 ss:$0x1], $0xffff  }
0x198: {  	v40 =	vld.idx.msk [tilespmem:v17+s22+$0x4360 ss:$0x1], $0xffff  }
0x199: {  	v35 =	vld.idx.msk [tilespmem:v17+s22+$0x2350 ss:$0x1], $0xffff  }
0x19a: {  	v42 =	vld.idx.msk [tilespmem:v17+s22+$0x2370 ss:$0x1], $0xffff;
	v18 =	vadd.bf16 v18, v18  }
0x19b: {  	v36 =	vld.idx.msk [tilespmem:v17+s22+$0x4350 ss:$0x1], $0xffff;
	v21 =	vadd.bf16 v34, v34;
	v24 =	vadd.bf16 v37, v37  }
0x19c: {  	v43 =	vld.idx.msk [tilespmem:v17+s22+$0x4370 ss:$0x1], $0xffff;
	v45 =	vadd.bf16 v39, v39;
	v18 =	vsub.bf16 v18, v19  }
0x19d: {  	v47 =	vsub.bf16 v40, v38;
	v19 =	vsub.bf16 v33, v19  }
0x19e: {  	v41 =	vsub.bf16 v21, v35;
	v18 =	vsub.bf16 v18, v33  }
0x19f: {  	v44 =	vsub.bf16 v24, v38;
	v24 =	vsub.bf16 v45, v42  }
0x1a0: {  	v20 =	vsub.bf16 v41, v36;
	v18 =	vmul.bf16 v18, v19;
	v19 =	vsub.bf16 v36, v35  }
0x1a1: {  	v21 =	vsub.bf16 v43, v42;
	v23 =	vsub.bf16 v44, v40  }
0x1a2: {  	v46 =	vunpack.i.u.bf16.f32 v18;
	v19 =	vmul.bf16 v20, v19;
	v18 =	vunpack.i.l.bf16.f32 v18  }
0x1a3: {  	v22 =	vsub.bf16 v24, v43;
	v18 =	vadd.f32 v18, v46  }
0x1a4: {  	v20 =	vmul.bf16 v23, v47;
	v48 =	vunpack.i.u.bf16.f32 v19;
	v19 =	vunpack.i.l.bf16.f32 v19  }
0x1a5: {  	v18 =	vadd.f32 $0.0e+00, v18;
	v19 =	vadd.f32 v19, v48  }
0x1a6: {  	v21 =	vmul.bf16 v22, v21;
	v23 =	vunpack.i.u.bf16.f32 v20;
	v20 =	vunpack.i.l.bf16.f32 v20  }
0x1a7: {  	v18 =	vadd.f32 v19, v18;
	v19 =	vadd.f32 v20, v23  }
0x1a8: {  	v49 =	vunpack.i.u.bf16.f32 v21;
	v21 =	vunpack.i.l.bf16.f32 v21  }
0x1a9: {  	v18 =	vadd.f32 v19, v18;
	v19 =	vadd.f32 v21, v49;
	_ =	sdelay $0x1  }
0x1aa: {  	v18 =	vadd.f32 v19, v18;
	_ =	sdelay $0x1  }
0x1ab: {  	[tilespmem:v13+s17+$0x0] =	vst.idx.msk $0xffff, v18  }
0x1ac: {  	v18 =	vld.idx.msk [tilespmem:v17+s22+$0x380 ss:$0x1], $0xffff  }
0x1ad: {  	v19 =	vld.idx.msk [tilespmem:v17+s22+$0x2380 ss:$0x1], $0xffff  }
0x1ae: {  	v50 =	vld.idx.msk [tilespmem:v17+s22+$0x4380 ss:$0x1], $0xffff  }
0x1af: {  	v51 =	vld.idx.msk [tilespmem:v17+s22+$0x390 ss:$0x1], $0xffff  }
0x1b0: {  	v54 =	vld.idx.msk [tilespmem:v17+s22+$0x3A0 ss:$0x1], $0xffff  }
0x1b1: {  	v55 =	vld.idx.msk [tilespmem:v17+s22+$0x23A0 ss:$0x1], $0xffff  }
0x1b2: {  	v56 =	vld.idx.msk [tilespmem:v17+s22+$0x3B0 ss:$0x1], $0xffff  }
0x1b3: {  	v57 =	vld.idx.msk [tilespmem:v17+s22+$0x43A0 ss:$0x1], $0xffff  }
0x1b4: {  	v52 =	vld.idx.msk [tilespmem:v17+s22+$0x2390 ss:$0x1], $0xffff  }
0x1b5: {  	v59 =	vld.idx.msk [tilespmem:v17+s22+$0x23B0 ss:$0x1], $0xffff;
	v18 =	vadd.bf16 v18, v18  }
0x1b6: {  	v53 =	vld.idx.msk [tilespmem:v17+s22+$0x4390 ss:$0x1], $0xffff;
	v21 =	vadd.bf16 v51, v51;
	v24 =	vadd.bf16 v54, v54  }
0x1b7: {  	v60 =	vld.idx.msk [tilespmem:v17+s22+$0x43B0 ss:$0x1], $0xffff;
	v62 =	vadd.bf16 v56, v56;
	v18 =	vsub.bf16 v18, v19  }
0x1b8: {  	v28 =	vsub.bf16 v57, v55;
	v19 =	vsub.bf16 v50, v19  }
0x1b9: {  	v58 =	vsub.bf16 v21, v52;
	v18 =	vsub.bf16 v18, v50  }
0x1ba: {  	v61 =	vsub.bf16 v24, v55;
	v24 =	vsub.bf16 v62, v59  }
0x1bb: {  	v20 =	vsub.bf16 v58, v53;
	v18 =	vmul.bf16 v18, v19;
	v19 =	vsub.bf16 v53, v52  }
0x1bc: {  	v21 =	vsub.bf16 v60, v59;
	v23 =	vsub.bf16 v61, v57  }
0x1bd: {  	v63 =	vunpack.i.u.bf16.f32 v18;
	v19 =	vmul.bf16 v20, v19;
	v18 =	vunpack.i.l.bf16.f32 v18  }
0x1be: {  	v22 =	vsub.bf16 v24, v60;
	v18 =	vadd.f32 v18, v63  }
0x1bf: {  	v20 =	vmul.bf16 v23, v28;
	v29 =	vunpack.i.u.bf16.f32 v19;
	v19 =	vunpack.i.l.bf16.f32 v19  }
0x1c0: {  	v18 =	vadd.f32 $0.0e+00, v18;
	v19 =	vadd.f32 v19, v29  }
0x1c1: {  	v21 =	vmul.bf16 v22, v21;
	v23 =	vunpack.i.u.bf16.f32 v20;
	v20 =	vunpack.i.l.bf16.f32 v20  }
0x1c2: {  	v18 =	vadd.f32 v19, v18;
	v19 =	vadd.f32 v20, v23  }
0x1c3: {  	v30 =	vunpack.i.u.bf16.f32 v21;
	v21 =	vunpack.i.l.bf16.f32 v21  }
0x1c4: {  	v18 =	vadd.f32 v19, v18;
	v19 =	vadd.f32 v21, v30;
	_ =	sdelay $0x1  }
0x1c5: {  	v18 =	vadd.f32 v19, v18;
	_ =	sdelay $0x1  }
0x1c6: {  	[tilespmem:v14+s17+$0x0] =	vst.idx.msk $0xffff, v18  }
0x1c7: {  	v18 =	vld.idx.msk [tilespmem:v17+s22+$0x3C0 ss:$0x1], $0xffff  }
0x1c8: {  	v19 =	vld.idx.msk [tilespmem:v17+s22+$0x23C0 ss:$0x1], $0xffff  }
0x1c9: {  	v31 =	vld.idx.msk [tilespmem:v17+s22+$0x43C0 ss:$0x1], $0xffff  }
0x1ca: {  	v32 =	vld.idx.msk [tilespmem:v17+s22+$0x3D0 ss:$0x1], $0xffff  }
0x1cb: {  	v35 =	vld.idx.msk [tilespmem:v17+s22+$0x3E0 ss:$0x1], $0xffff  }
0x1cc: {  	v36 =	vld.idx.msk [tilespmem:v17+s22+$0x23E0 ss:$0x1], $0xffff  }
0x1cd: {  	v37 =	vld.idx.msk [tilespmem:v17+s22+$0x3F0 ss:$0x1], $0xffff  }
0x1ce: {  	v38 =	vld.idx.msk [tilespmem:v17+s22+$0x43E0 ss:$0x1], $0xffff  }
0x1cf: {  	v33 =	vld.idx.msk [tilespmem:v17+s22+$0x23D0 ss:$0x1], $0xffff  }
0x1d0: {  	v40 =	vld.idx.msk [tilespmem:v17+s22+$0x23F0 ss:$0x1], $0xffff;
	v18 =	vadd.bf16 v18, v18  }
0x1d1: {  	v34 =	vld.idx.msk [tilespmem:v17+s22+$0x43D0 ss:$0x1], $0xffff;
	v21 =	vadd.bf16 v32, v32;
	v24 =	vadd.bf16 v35, v35  }
0x1d2: {  	v41 =	vld.idx.msk [tilespmem:v17+s22+$0x43F0 ss:$0x1], $0xffff;
	v43 =	vadd.bf16 v37, v37;
	v18 =	vsub.bf16 v18, v19  }
0x1d3: {  	v45 =	vsub.bf16 v38, v36;
	v19 =	vsub.bf16 v31, v19  }
0x1d4: {  	v39 =	vsub.bf16 v21, v33;
	v18 =	vsub.bf16 v18, v31  }
0x1d5: {  	v42 =	vsub.bf16 v24, v36;
	v24 =	vsub.bf16 v43, v40  }
0x1d6: {  	v20 =	vsub.bf16 v39, v34;
	v18 =	vmul.bf16 v18, v19;
	v19 =	vsub.bf16 v34, v33  }
0x1d7: {  	v21 =	vsub.bf16 v41, v40;
	v23 =	vsub.bf16 v42, v38  }
0x1d8: {  	v44 =	vunpack.i.u.bf16.f32 v18;
	v19 =	vmul.bf16 v20, v19;
	v18 =	vunpack.i.l.bf16.f32 v18  }
0x1d9: {  	v22 =	vsub.bf16 v24, v41;
	v18 =	vadd.f32 v18, v44  }
0x1da: {  	v20 =	vmul.bf16 v23, v45;
	v46 =	vunpack.i.u.bf16.f32 v19;
	v19 =	vunpack.i.l.bf16.f32 v19  }
0x1db: {  	v18 =	vadd.f32 $0.0e+00, v18;
	v19 =	vadd.f32 v19, v46  }
0x1dc: {  	v21 =	vmul.bf16 v22, v21;
	v23 =	vunpack.i.u.bf16.f32 v20;
	v20 =	vunpack.i.l.bf16.f32 v20  }
0x1dd: {  	v18 =	vadd.f32 v19, v18;
	v19 =	vadd.f32 v20, v23  }
0x1de: {  	v47 =	vunpack.i.u.bf16.f32 v21;
	v21 =	vunpack.i.l.bf16.f32 v21  }
0x1df: {  	v18 =	vadd.f32 v19, v18;
	v19 =	vadd.f32 v21, v47;
	_ =	sdelay $0x1  }
0x1e0: {  	v18 =	vadd.f32 v19, v18;
	_ =	sdelay $0x1  }
0x1e1: {  	[tilespmem:v15+s17+$0x0] =	vst.idx.msk $0xffff, v18  }
0x1e2: {  	v18 =	vld [tilespmem:$0xC600]  }
0x1e3: {  	v19 =	vld [tilespmem:$0xC610]  }
0x1e4: {  	v48 =	vld [tilespmem:$0xC620]  }
0x1e5: {  	v49 =	vld [tilespmem:$0xC630]  }
0x1e6: {  	v50 =	vld [tilespmem:$0xC640]  }
0x1e7: {  	v51 =	vld [tilespmem:$0xC650]  }
0x1e8: {  	v52 =	vld [tilespmem:$0xC660]  }
0x1e9: {  	v53 =	vld [tilespmem:$0xC670]  }
0x1ea: {  	v54 =	vld [tilespmem:$0xC680]  }
0x1eb: {  	v55 =	vld [tilespmem:$0xC690]  }
0x1ec: {  	v28 =	vld [tilespmem:$0xC6A0]  }
0x1ed: {  	v29 =	vld [tilespmem:$0xC6B0]  }
0x1ee: {  	v30 =	vld [tilespmem:$0xC6C0]  }
0x1ef: {  	v31 =	vld [tilespmem:$0xC6D0]  }
0x1f0: {  	v32 =	vld [tilespmem:$0xC6E0]  }
0x1f1: {  	v33 =	vld [tilespmem:$0xC6F0];
	_ =	sdelay $0x1  }
0x1f2: {  	v18 =	vadd.f32 v19, v18;
	v19 =	vadd.f32 v49, v48  }
0x1f3: {  	v56 =	vadd.f32 v51, v50;
	v57 =	vadd.f32 v53, v52  }
0x1f4: {  	v58 =	vadd.f32 v55, v54;
	v59 =	vadd.f32 v29, v28  }
0x1f5: {  	v60 =	vadd.f32 v31, v30;
	v61 =	vadd.f32 v33, v32  }
0x1f6: {  	v18 =	vadd.f32 v19, v18;
	v19 =	vadd.f32 v57, v56  }
0x1f7: {  	v62 =	vadd.f32 v59, v58;
	v63 =	vadd.f32 v61, v60;
	_ =	sdelay $0x1  }
0x1f8: {  	v18 =	vadd.f32 v19, v18;
	v19 =	vadd.f32 v63, v62;
	_ =	sdelay $0x1  }
0x1f9: {  	p0 =	seq.s32 s21, $0x7000;
	v18 =	vadd.f32 v19, v18  }
.Ltmp0:
0x1fa: {  	_ = 	snop;
	(pc) =	sbr.rel @!p0 .LBB2_4-.Ltmp0, $3  }
0x1fb: {  	v18 =	vadd.f32 $1.000000000e+00, v18;
	_ =	sdelay $0x1  }
0x1fc: {  	v18 =	vmax.f32 v18, $0.0e+00  }
0x1fd: {  	s21 =	sadd.s32 $0x1000, s21;
	v16 =	vadd.f32 v18, v16  }
0x1fe: {  	p0 =	seq.s32 s20, $0x4  }
.Ltmp1:
0x1ff: {  	_ = 	snop;
	(pc) =	sbr.rel @!p0 .LBB2_3-.Ltmp1, $1  }
0x200: {  	_ =	sdelay $0x3  }
0x201: {  	s19 =	sadd.s32 $0x1, s19  }
0x202: {  	p0 =	sne.s32 s19, s8  }
.Ltmp2:
0x203: {  	[tilespmem:$0xC700] =	vst v16;
	(pc) =	sbr.rel @p0 .LBB2_1-.Ltmp2, $4  }
0x204: {  	[hbm4b:s7+s3] =	stream.linear.scatter [tilespmem:s18], [sflag:$0x2], $0x10, $0x38;
	[tilespmem:$0xC710] =	vst v63  }
0x205: {  	_ =	swait.ge [sflag:s9], $0x10  }
0x206: {  	[sflag:s9] =	ssyncset.done $0x0  }
0x207: {  	[sflag:s9] =	ssyncadd.s32 $0xFFFFFFF0  }
0x208: {  	_ =	sfence.sel $0x180000  }
0x209: {  	[bflag:$0x0] =	sbarrier.arrive $0xFFFF  }
0x20a: {  	p0 =	sne.s32 s2, $0x0;
	_ =	strace $0x90000047  }
0x20b: {  	s0 =	sadd.s32 @!p0 $0x100000, s0;
	[bflag:$0x2] =	sbarrier.arrive $0xFFFF  }
0x20c: {  	[sflag:s0] =	ssyncadd.tile.s32 @!p0 $0x1;
	_ =	shalt  }
.Lfunc_end2:
_tile_overlayer_lowered:
.L_overlay_start_2:
0x20d: {  	(tag) =	ssettag $0x2  }
0x20e: {  	s0 =	rddreg [dreg:$0x0];
	s2 =	stileid.u32  }
0x20f: {  	s1 =	rddreg [dreg:$0x1];
	p0 =	sne.s32 s2, $0x0  }
0x210: {  	s3 =	rddreg [dreg:$0x2];
	[bflag:$0x3] =	sbarrier.arrive $0xFFFF;
	s2 =	simm.s32 @!p0 $0x1C02  }
0x211: {  	[timem:s3], [sflag:s2] =	dma.local @!p0 [hbm:s0], s1  }
0x212: {  	s0 =	simm.s32 @!p0 $0x2  }
0x213: {  	_ =	swait.ge @!p0 [sflag:s0], s1  }
0x214: {  	s1 =	ssub.s32 @!p0 $0x0, s1;
	[sflag:s0] =	ssyncset.done @!p0 $0x0  }
0x215: {  	[sflag:s0] =	ssyncadd.s32 @!p0 s1  }
0x216: {  	[bflag:$0x3] =	sbarrier.arrive $0xFFFF  }
0x217: {  	_ =	shalt  }

</sc_bundles>
